<compile_context>
chip_gen: v7x
topology: tpu7x:2x2x1
jax: 0.10.2.dev20260603
libtpu: 0.0.44.dev20260713+nightly
codegen_flags: <defaults>
</compile_context>

<pallas_src>
import functools

import jax
import jax.numpy as jnp
from jax import lax
from jax.experimental import pallas as pl
from jax.experimental.pallas import tpu as pltpu
from jax.experimental.pallas import tpu_sc as plsc

NEG = -1e30



def _gate_body(x_ref, W1_ref, b1_ref, W2_ref, b2_ref, g_ref, *, P, DH):
    xb = x_ref[...].astype(jnp.bfloat16)
    h = jax.lax.dot_general(xb, W1_ref[...], (((1,), (0,)), ((), ())),
                            preferred_element_type=jnp.float32)
    h = jnp.maximum(h.astype(jnp.bfloat16) + b1_ref[...], jnp.bfloat16(0))
    g2 = jax.lax.dot_general(h, W2_ref[...], (((1,), (0,)), ((), ())),
                             preferred_element_type=jnp.float32)
    g_ref[...] = g2 + b2_ref[...]



def _take(v, idx):
    return v.at[idx].get(mode="promise_in_bounds")


def _sc_body(g_hbm, b_hbm, w_hbm, den_hbm,
             bbuf, gbuf, wbuf, Lmax, Lden, pbuf, shr, *, CH, N2, NV):
    c = lax.axis_index("c")
    s = lax.axis_index("s")
    lo = s * CH
    pltpu.sync_copy(b_hbm.at[pl.ds(lo, CH)], bbuf)
    pltpu.sync_copy(g_hbm.at[pl.ds(c * N2 + lo, CH)], gbuf)

    ii = lax.iota(jnp.int32, 16)
    for j in range(8):
        Lmax[pl.ds(j * 16, 16)] = jnp.full((16,), NEG, jnp.float32)

    def phase1(i, carry):
        b = bbuf[pl.ds(i * 16, 16)]
        g = gbuf[pl.ds(i * 16, 16)]
        for d in (1, 2, 4, 8):
            idx = jnp.maximum(ii - d, 0)
            bs = _take(b, idx)
            gs = _take(g, idx)
            g = jnp.where(bs == b, jnp.maximum(g, gs), g)
        bn = _take(b, jnp.minimum(ii + 1, 15))
        last = (b != bn) | (ii == 15)
        cur = plsc.load_gather(Lmax, [b])
        plsc.store_scatter(Lmax, [b], jnp.maximum(cur, g), mask=last)
        return carry

    lax.fori_loop(0, NV, phase1, 0)

    pltpu.sync_copy(Lmax, shr.at[s])
    plsc.subcore_barrier()
    pltpu.sync_copy(shr, pbuf)
    for j8 in range(8):
        acc = jnp.full((16,), NEG, jnp.float32)
        for j in range(16):
            acc = jnp.maximum(acc, pbuf[j, pl.ds(j8 * 16, 16)])
        Lmax[pl.ds(j8 * 16, 16)] = acc

    for j in range(8):
        Lden[pl.ds(j * 16, 16)] = jnp.zeros((16,), jnp.float32)

    def phase2(i, carry):
        b = bbuf[pl.ds(i * 16, 16)]
        g = gbuf[pl.ds(i * 16, 16)]
        gm = plsc.load_gather(Lmax, [b])
        w = jnp.exp(g - gm)
        wbuf[pl.ds(i * 16, 16)] = w
        sv = w
        for d in (1, 2, 4, 8):
            idx = jnp.maximum(ii - d, 0)
            bs = _take(b, idx)
            ss = _take(sv, idx)
            sv = jnp.where((ii >= d) & (bs == b), sv + ss, sv)
        bn = _take(b, jnp.minimum(ii + 1, 15))
        last = (b != bn) | (ii == 15)
        cur = plsc.load_gather(Lden, [b])
        plsc.store_scatter(Lden, [b], cur + sv, mask=last)
        return carry

    lax.fori_loop(0, NV, phase2, 0)

    pltpu.sync_copy(wbuf, w_hbm.at[pl.ds(c * N2 + lo, CH)])
    plsc.subcore_barrier()
    pltpu.sync_copy(Lden, shr.at[s])
    plsc.subcore_barrier()

    @pl.when(s == 0)
    def _reduce_den():
        pltpu.sync_copy(shr, pbuf)
        for j8 in range(8):
            acc = jnp.zeros((16,), jnp.float32)
            for j in range(16):
                acc = acc + pbuf[j, pl.ds(j8 * 16, 16)]
            Lden[pl.ds(j8 * 16, 16)] = acc
        pltpu.sync_copy(Lden, den_hbm.at[pl.ds(c * 128, 128)])



def _feat_body(x_ref, b_ref, w_ref, W1_ref, b1_ref, fW2_ref, fb2_ref, den_ref,
               out_ref, S_ref, *, R, P, Bn, DH, DE):
    i = pl.program_id(0)
    L = P * Bn

    @pl.when(i == 0)
    def _init():
        S_ref[...] = jnp.zeros((L, P * DE), jnp.float32)

    xb = x_ref[...].astype(jnp.bfloat16)
    h = jax.lax.dot_general(xb, W1_ref[...], (((1,), (0,)), ((), ())),
                            preferred_element_type=jnp.float32)
    h = jnp.maximum(h.astype(jnp.bfloat16) + b1_ref[...], jnp.bfloat16(0))

    bb = b_ref[...]
    lanes = jax.lax.broadcasted_iota(jnp.int32, (R, L), 1)
    O = bb == (lanes & (Bn - 1))
    wb = w_ref[...]
    wsel = jnp.where(lanes < Bn, wb[:, 0:1], wb[:, 1:2])
    E = jnp.where(O, wsel, 0.0)

    f0 = jax.lax.dot_general(h[:, :DH], fW2_ref[0], (((1,), (0,)), ((), ())),
                             preferred_element_type=jnp.float32)
    f1 = jax.lax.dot_general(h[:, DH:], fW2_ref[1], (((1,), (0,)), ((), ())),
                             preferred_element_type=jnp.float32)
    Fcat = jnp.concatenate([f0, f1], axis=1).astype(jnp.bfloat16)
    Fcat = Fcat + fb2_ref[...]
    S_ref[...] = S_ref[...] + jax.lax.dot_general(
        E.astype(jnp.bfloat16), Fcat, (((0,), (0,)), ((), ())),
        preferred_element_type=jnp.float32)

    @pl.when(i == pl.num_programs(0) - 1)
    def _finish():
        for k in range(P):
            dT = jnp.transpose(den_ref[:, k * Bn:(k + 1) * Bn])
            Sk = S_ref[k * Bn:(k + 1) * Bn, k * DE:(k + 1) * DE]
            out_ref[k] = jnp.where(dT > 0.0, Sk / dT, 0.0)


def kernel(x, batch, n_nodes, Omegas, Phis, Lambdas, Omegas_norm, Phis_norm,
           Lambdas_norm, gate_W1, gate_b1, gate_W2, gate_b2, feat_W1, feat_b1,
           feat_W2, feat_b2):
    N, FD = x.shape
    Bn = n_nodes.shape[0]
    P, _, DH = gate_W1.shape
    DE = feat_W2.shape[2]
    R = 4000
    assert N % R == 0
    CH = 6256
    N2 = 16 * CH
    NV = CH // 16

    batch2 = batch.astype(jnp.int32).reshape(N, 1)

    gW1c = jnp.concatenate([gate_W1[k] for k in range(P)],
                           axis=1).astype(jnp.bfloat16)
    gb1c = jnp.concatenate([gate_b1[k] for k in range(P)])[None, :].astype(
        jnp.bfloat16)
    gW2c = jnp.zeros((P * DH, P), jnp.float32)
    for k in range(P):
        gW2c = gW2c.at[k * DH:(k + 1) * DH, k].set(gate_W2[k, :, 0])
    gW2c = gW2c.astype(jnp.bfloat16)
    gb2c = gate_b2[:, 0][None, :]

    g_np = pl.pallas_call(
        functools.partial(_gate_body, P=P, DH=DH),
        grid=(N // R,),
        in_specs=[
            pl.BlockSpec((R, FD), lambda i: (i, 0)),
            pl.BlockSpec((FD, P * DH), lambda i: (0, 0)),
            pl.BlockSpec((1, P * DH), lambda i: (0, 0)),
            pl.BlockSpec((P * DH, P), lambda i: (0, 0)),
            pl.BlockSpec((1, P), lambda i: (0, 0)),
        ],
        out_specs=pl.BlockSpec((R, P), lambda i: (i, 0)),
        out_shape=jax.ShapeDtypeStruct((N, P), jnp.float32),
    )(x, gW1c, gb1c, gW2c, gb2c)
    gT = g_np.T

    g_pad = jnp.pad(gT, ((0, 0), (0, N2 - N)), constant_values=NEG).reshape(-1)
    b_pad = jnp.pad(batch.astype(jnp.int32), (0, N2 - N), constant_values=Bn)

    mesh = plsc.VectorSubcoreMesh(core_axis_name="c", subcore_axis_name="s")
    sc = pl.kernel(
        functools.partial(_sc_body, CH=CH, N2=N2, NV=NV),
        out_type=(
            jax.ShapeDtypeStruct((P * N2,), jnp.float32),
            jax.ShapeDtypeStruct((P * 128,), jnp.float32),
        ),
        mesh=mesh,
        scratch_types=[
            pltpu.VMEM((CH,), jnp.int32),
            pltpu.VMEM((CH,), jnp.float32),
            pltpu.VMEM((CH,), jnp.float32),
            pltpu.VMEM((128,), jnp.float32),
            pltpu.VMEM((128,), jnp.float32),
            pltpu.VMEM((16, 128), jnp.float32),
            pltpu.VMEM_SHARED((16, 128), jnp.float32),
        ],
        compiler_params=pltpu.CompilerParams(needs_layout_passes=False),
    )
    w_flat, den_flat = sc(g_pad, b_pad)
    w2 = w_flat.reshape(P, N2)[:, :N].T
    den_w = den_flat.reshape(P, 128)[:, :Bn].reshape(1, P * Bn)

    fW1c = jnp.concatenate([feat_W1[k] for k in range(P)],
                           axis=1).astype(jnp.bfloat16)
    fb1c = jnp.concatenate([feat_b1[k] for k in range(P)])[None, :].astype(
        jnp.bfloat16)
    fW2b = feat_W2.astype(jnp.bfloat16)
    fb2c = jnp.concatenate([feat_b2[k] for k in range(P)])[None, :].astype(
        jnp.bfloat16)

    pools = pl.pallas_call(
        functools.partial(_feat_body, R=R, P=P, Bn=Bn, DH=DH, DE=DE),
        grid=(N // R,),
        in_specs=[
            pl.BlockSpec((R, FD), lambda i: (i, 0)),
            pl.BlockSpec((R, 1), lambda i: (i, 0)),
            pl.BlockSpec((R, P), lambda i: (i, 0)),
            pl.BlockSpec((FD, P * DH), lambda i: (0, 0)),
            pl.BlockSpec((1, P * DH), lambda i: (0, 0)),
            pl.BlockSpec((P, DH, DE), lambda i: (0, 0, 0)),
            pl.BlockSpec((1, P * DE), lambda i: (0, 0)),
            pl.BlockSpec((1, P * Bn), lambda i: (0, 0)),
        ],
        out_specs=pl.BlockSpec((P, Bn, DE), lambda i: (0, 0, 0)),
        out_shape=jax.ShapeDtypeStruct((P, Bn, DE), jnp.float32),
        scratch_shapes=[pltpu.VMEM((P * Bn, P * DE), jnp.float32)],
    )(x, batch2, w2, fW1c, fb1c, fW2b, fb2c, den_w)

    return jnp.concatenate(
        [pools[k] for k in range(P)]
        + [n_nodes, Omegas, Phis, Lambdas, Omegas_norm, Phis_norm,
           Lambdas_norm], axis=1)

# --- scband reference (transcript-rebuilt; emitter-appended) ---
"""Pipeline reference for scband-context-encoder-46772193853585 (READ-ONLY COPY).

The authoritative reference and input builder live on the scoring server;
editing this copy changes nothing except your own understanding.
"""

import jax, jax.numpy as jnp
import numpy as np

N = 100000
B = 64
FD = 129  # dim_embedding + 1 (weighted=False)
DH = 128
DE = 128
P = 2  # n_pool


def setup_inputs(seed: int = 0) -> dict:
    key = jax.random.key(seed)
    ks = jax.random.split(key, 20)
    inp = {}
    inp["x"] = jax.random.normal(ks[0], (N, FD), dtype=jnp.float32)
    inp["batch"] = jnp.sort(jax.random.randint(ks[1], (N,), 0, B))
    names = ["n_nodes", "Omegas", "Phis", "Lambdas", "Omegas_norm", "Phis_norm", "Lambdas_norm"]
    for i, nm in enumerate(names):
        inp[nm] = jax.random.normal(ks[2 + i], (B, 1), dtype=jnp.float32)
    # GlobalAttention params for each of the P pools (gate_nn and nn MLPs)
    inp["gate_W1"] = jax.random.normal(ks[9], (P, FD, DH), dtype=jnp.float32) * 0.05
    inp["gate_b1"] = jnp.zeros((P, DH), dtype=jnp.float32)
    inp["gate_W2"] = jax.random.normal(ks[10], (P, DH, 1), dtype=jnp.float32) * 0.05
    inp["gate_b2"] = jnp.zeros((P, 1), dtype=jnp.float32)
    inp["feat_W1"] = jax.random.normal(ks[11], (P, FD, DH), dtype=jnp.float32) * 0.05
    inp["feat_b1"] = jnp.zeros((P, DH), dtype=jnp.float32)
    inp["feat_W2"] = jax.random.normal(ks[12], (P, DH, DE), dtype=jnp.float32) * 0.05
    inp["feat_b2"] = jnp.zeros((P, DE), dtype=jnp.float32)
    return inp


def reference(x, batch, n_nodes, Omegas, Phis, Lambdas, Omegas_norm, Phis_norm, Lambdas_norm,
              gate_W1, gate_b1, gate_W2, gate_b2, feat_W1, feat_b1, feat_W2, feat_b2):
    Bn = n_nodes.shape[0]
    pools = []
    for k in range(gate_W1.shape[0]):
        g = jnp.maximum(x @ gate_W1[k] + gate_b1[k], 0.0) @ gate_W2[k] + gate_b2[k]  # [N,1]
        f = jnp.maximum(x @ feat_W1[k] + feat_b1[k], 0.0) @ feat_W2[k] + feat_b2[k]  # [N,DE]
        # segment softmax over per-graph node groups (PyG GlobalAttention)
        gmax = jax.ops.segment_max(g, batch, num_segments=Bn, indices_are_sorted=True)
        ge = jnp.exp(g - gmax[batch])
        denom = jax.ops.segment_sum(ge, batch, num_segments=Bn, indices_are_sorted=True)
        alpha = ge / denom[batch]
        pools.append(jax.ops.segment_sum(alpha * f, batch, num_segments=Bn, indices_are_sorted=True))
    context = jnp.concatenate(pools + [n_nodes, Omegas, Phis, Lambdas, Omegas_norm, Phis_norm, Lambdas_norm], axis=1)
    return context

if __name__ == "__main__":
    import jax
    _d = setup_inputs()
    print(jax.jit(kernel)(*tuple(_d.values())))

</pallas_src>

<mosaic_0001>
#map = affine_map<(d0, d1) -> (0)>
module attributes {stable_mosaic.version = 14 : i64} {
  func.func @_sc_body(%arg0: i32, %arg1: i32, %arg2: memref<200192xf32, #tpu.memory_space<hbm>>, %arg3: memref<100096xi32, #tpu.memory_space<hbm>>, %arg4: memref<200192xf32, #tpu.memory_space<hbm>>, %arg5: memref<256xf32, #tpu.memory_space<hbm>>, %arg6: memref<6256xi32, #tpu.memory_space<vmem>>, %arg7: memref<6256xf32, #tpu.memory_space<vmem>>, %arg8: memref<6256xf32, #tpu.memory_space<vmem>>, %arg9: memref<128xf32, #tpu.memory_space<vmem>>, %arg10: memref<128xf32, #tpu.memory_space<vmem>>, %arg11: memref<16x128xf32, #tpu.memory_space<vmem>>, %arg12: memref<16x128xf32, #tpu.memory_space<vmem_shared>>) attributes {dimension_semantics = [#tpu.dimension_semantics<core_parallel>, #tpu.dimension_semantics<subcore_parallel>], iteration_bounds = array<i64: 2, 16>, scalar_prefetch = 0 : i64, scratch_operands = 7 : i64, tpu.core_type = #tpu.core_type<sc_vector_subcore>, window_params = [{transform_indices = #map}, {transform_indices = #map}, {transform_indices = #map}, {transform_indices = #map}]} {
    %mul3A = arith.constant 6256 : i32
    %mul3A_0 = arith.muli %arg1, %mul3A : i32
    "tpu.region"() ({
      %run_scoped3A = tpu.sem_alloc : memref<!tpu.dma_semaphore, #tpu.memory_space<semaphore_mem>>
      %dma_start3A = tpu.memref_slice %arg3[%mul3A_0] : memref<100096xi32, #tpu.memory_space<hbm>> -> memref<6256xi32, #tpu.memory_space<hbm>>
      %dma_start3A_753 = tpu.memref_slice %arg3[%mul3A_0] : memref<100096xi32, #tpu.memory_space<hbm>> -> memref<6256xi32, #tpu.memory_space<hbm>>
      tpu.enqueue_dma source(%dma_start3A_753 : memref<6256xi32, #tpu.memory_space<hbm>>) target(%arg6 : memref<6256xi32, #tpu.memory_space<vmem>>) target_semaphore(%run_scoped3A : memref<!tpu.dma_semaphore, #tpu.memory_space<semaphore_mem>>)
      %dma_wait3A = tpu.memref_slice %arg3[%mul3A_0] : memref<100096xi32, #tpu.memory_space<hbm>> -> memref<6256xi32, #tpu.memory_space<hbm>>
      %dma_wait3A_754 = tpu.memref_slice %arg3[%mul3A_0] : memref<100096xi32, #tpu.memory_space<hbm>> -> memref<6256xi32, #tpu.memory_space<hbm>>
      tpu.wait_dma2 semaphore(%run_scoped3A : memref<!tpu.dma_semaphore, #tpu.memory_space<semaphore_mem>>) src(%dma_wait3A_754 : memref<6256xi32, #tpu.memory_space<hbm>>) dst(%arg6 : memref<6256xi32, #tpu.memory_space<vmem>>)
      tpu.yield
    }) : () -> ()
    %mul3A_1 = arith.constant 100096 : i32
    %mul3A_2 = arith.muli %arg0, %mul3A_1 : i32
    %add3A = arith.addi %mul3A_2, %mul3A_0 : i32
    "tpu.region"() ({
      %run_scoped3A = tpu.sem_alloc : memref<!tpu.dma_semaphore, #tpu.memory_space<semaphore_mem>>
      %dma_start3A = tpu.memref_slice %arg2[%add3A] : memref<200192xf32, #tpu.memory_space<hbm>> -> memref<6256xf32, #tpu.memory_space<hbm>>
      %dma_start3A_753 = tpu.memref_slice %arg2[%add3A] : memref<200192xf32, #tpu.memory_space<hbm>> -> memref<6256xf32, #tpu.memory_space<hbm>>
      tpu.enqueue_dma source(%dma_start3A_753 : memref<6256xf32, #tpu.memory_space<hbm>>) target(%arg7 : memref<6256xf32, #tpu.memory_space<vmem>>) target_semaphore(%run_scoped3A : memref<!tpu.dma_semaphore, #tpu.memory_space<semaphore_mem>>)
      %dma_wait3A = tpu.memref_slice %arg2[%add3A] : memref<200192xf32, #tpu.memory_space<hbm>> -> memref<6256xf32, #tpu.memory_space<hbm>>
      %dma_wait3A_754 = tpu.memref_slice %arg2[%add3A] : memref<200192xf32, #tpu.memory_space<hbm>> -> memref<6256xf32, #tpu.memory_space<hbm>>
      tpu.wait_dma2 semaphore(%run_scoped3A : memref<!tpu.dma_semaphore, #tpu.memory_space<semaphore_mem>>) src(%dma_wait3A_754 : memref<6256xf32, #tpu.memory_space<hbm>>) dst(%arg7 : memref<6256xf32, #tpu.memory_space<vmem>>)
      tpu.yield
    }) : () -> ()
    %iota3A = tpu.iota {dimensions = array<i32: 0>} : vector<16xi32>
    %broadcast_in_dim3A = arith.constant -1.000000e+30 : f32
    %broadcast_in_dim3A_3 = vector.broadcast %broadcast_in_dim3A : f32 to vector<16xf32>
    %swap3A = arith.constant 0 : index
    %swap3A_4 = tpu.vector_load %arg9[%swap3A] {strides = array<i32>} : memref<128xf32, #tpu.memory_space<vmem>>, vector<16xf32>,
    tpu.vector_store %arg9[%swap3A], %broadcast_in_dim3A_3 {strides = array<i32>} : memref<128xf32, #tpu.memory_space<vmem>>, vector<16xf32>,
    %broadcast_in_dim3A_5 = arith.constant -1.000000e+30 : f32
    %broadcast_in_dim3A_6 = vector.broadcast %broadcast_in_dim3A_5 : f32 to vector<16xf32>
    %swap3A_7 = arith.constant 16 : index
    %swap3A_8 = tpu.vector_load %arg9[%swap3A_7] {strides = array<i32>} : memref<128xf32, #tpu.memory_space<vmem>>, vector<16xf32>,
    tpu.vector_store %arg9[%swap3A_7], %broadcast_in_dim3A_6 {strides = array<i32>} : memref<128xf32, #tpu.memory_space<vmem>>, vector<16xf32>,
    %broadcast_in_dim3A_9 = arith.constant -1.000000e+30 : f32
    %broadcast_in_dim3A_10 = vector.broadcast %broadcast_in_dim3A_9 : f32 to vector<16xf32>
    %swap3A_11 = arith.constant 32 : index
    %swap3A_12 = tpu.vector_load %arg9[%swap3A_11] {strides = array<i32>} : memref<128xf32, #tpu.memory_space<vmem>>, vector<16xf32>,
    tpu.vector_store %arg9[%swap3A_11], %broadcast_in_dim3A_10 {strides = array<i32>} : memref<128xf32, #tpu.memory_space<vmem>>, vector<16xf32>,
    %broadcast_in_dim3A_13 = arith.constant -1.000000e+30 : f32
    %broadcast_in_dim3A_14 = vector.broadcast %broadcast_in_dim3A_13 : f32 to vector<16xf32>
    %swap3A_15 = arith.constant 48 : index
    %swap3A_16 = tpu.vector_load %arg9[%swap3A_15] {strides = array<i32>} : memref<128xf32, #tpu.memory_space<vmem>>, vector<16xf32>,
    tpu.vector_store %arg9[%swap3A_15], %broadcast_in_dim3A_14 {strides = array<i32>} : memref<128xf32, #tpu.memory_space<vmem>>, vector<16xf32>,
    %broadcast_in_dim3A_17 = arith.constant -1.000000e+30 : f32
    %broadcast_in_dim3A_18 = vector.broadcast %broadcast_in_dim3A_17 : f32 to vector<16xf32>
    %swap3A_19 = arith.constant 64 : index
    %swap3A_20 = tpu.vector_load %arg9[%swap3A_19] {strides = array<i32>} : memref<128xf32, #tpu.memory_space<vmem>>, vector<16xf32>,
    tpu.vector_store %arg9[%swap3A_19], %broadcast_in_dim3A_18 {strides = array<i32>} : memref<128xf32, #tpu.memory_space<vmem>>, vector<16xf32>,
    %broadcast_in_dim3A_21 = arith.constant -1.000000e+30 : f32
    %broadcast_in_dim3A_22 = vector.broadcast %broadcast_in_dim3A_21 : f32 to vector<16xf32>
    %swap3A_23 = arith.constant 80 : index
    %swap3A_24 = tpu.vector_load %arg9[%swap3A_23] {strides = array<i32>} : memref<128xf32, #tpu.memory_space<vmem>>, vector<16xf32>,
    tpu.vector_store %arg9[%swap3A_23], %broadcast_in_dim3A_22 {strides = array<i32>} : memref<128xf32, #tpu.memory_space<vmem>>, vector<16xf32>,
    %broadcast_in_dim3A_25 = arith.constant -1.000000e+30 : f32
    %broadcast_in_dim3A_26 = vector.broadcast %broadcast_in_dim3A_25 : f32 to vector<16xf32>
    %swap3A_27 = arith.constant 96 : index
    %swap3A_28 = tpu.vector_load %arg9[%swap3A_27] {strides = array<i32>} : memref<128xf32, #tpu.memory_space<vmem>>, vector<16xf32>,
    tpu.vector_store %arg9[%swap3A_27], %broadcast_in_dim3A_26 {strides = array<i32>} : memref<128xf32, #tpu.memory_space<vmem>>, vector<16xf32>,
    %broadcast_in_dim3A_29 = arith.constant -1.000000e+30 : f32
    %broadcast_in_dim3A_30 = vector.broadcast %broadcast_in_dim3A_29 : f32 to vector<16xf32>
    %swap3A_31 = arith.constant 112 : index
    %swap3A_32 = tpu.vector_load %arg9[%swap3A_31] {strides = array<i32>} : memref<128xf32, #tpu.memory_space<vmem>>, vector<16xf32>,
    tpu.vector_store %arg9[%swap3A_31], %broadcast_in_dim3A_30 {strides = array<i32>} : memref<128xf32, #tpu.memory_space<vmem>>, vector<16xf32>,
    %scan3A = arith.constant 0 : i32
    %scan3A_33 = arith.constant 0 : i32
    %scan3A_34 = arith.constant 391 : i32
    %scan3A_35 = arith.addi %scan3A_33, %scan3A_34 : i32
    %scan3A_36 = arith.constant 1 : i32
    scf.for %scan3A_753 = %scan3A_33 to %scan3A_35 step %scan3A_36  : i32 {
      %mul3A_754 = arith.constant 16 : i32
      %mul3A_755 = arith.muli %scan3A_753, %mul3A_754 : i32
      %get3A_756 = arith.index_cast %mul3A_755 : i32 to index
      %get3A_757 = tpu.vector_load %arg6[%get3A_756] {strides = array<i32>} : memref<6256xi32, #tpu.memory_space<vmem>>, vector<16xi32>,
      %mul3A_758 = arith.constant 16 : i32
      %mul3A_759 = arith.muli %scan3A_753, %mul3A_758 : i32
      %get3A_760 = arith.index_cast %mul3A_759 : i32 to index
      %get3A_761 = tpu.vector_load %arg7[%get3A_760] {strides = array<i32>} : memref<6256xf32, #tpu.memory_space<vmem>>, vector<16xf32>,
      %sub3A = arith.constant 1 : i32
      %sub3A_762 = vector.broadcast %sub3A : i32 to vector<16xi32>
      %sub3A_763 = arith.subi %iota3A, %sub3A_762 : vector<16xi32>
      %max3A_764 = arith.constant 0 : i32
      %max3A_765 = vector.broadcast %max3A_764 : i32 to vector<16xi32>
      %max3A_766 = arith.maxsi %sub3A_763, %max3A_765 : vector<16xi32>
      %lt3A = arith.constant 0 : i32
      %lt3A_767 = vector.broadcast %lt3A : i32 to vector<16xi32>
      %lt3A_768 = arith.cmpi slt, %max3A_766, %lt3A_767 : vector<16xi32>
      %add3A_769 = arith.constant 16 : i32
      %add3A_770 = vector.broadcast %add3A_769 : i32 to vector<16xi32>
      %add3A_771 = arith.addi %max3A_766, %add3A_770 : vector<16xi32>
      %select_n3A = arith.select %lt3A_768, %add3A_771, %max3A_766 : vector<16xi1>, vector<16xi32>
      %broadcast_in_dim3A_772 = vector.shape_cast %select_n3A : vector<16xi32> to vector<16x1xi32>
      %gather3A = vector.shape_cast %broadcast_in_dim3A_772 : vector<16x1xi32> to vector<16xi32>
      %gather3A_773 = tpu.dynamic_gather %get3A_757[%gather3A] in [0] : vector<16xi32>, vector<16xi32> -> vector<16xi32>
      %lt3A_774 = arith.constant 0 : i32
      %lt3A_775 = vector.broadcast %lt3A_774 : i32 to vector<16xi32>
      %lt3A_776 = arith.cmpi slt, %max3A_766, %lt3A_775 : vector<16xi32>
      %add3A_777 = arith.constant 16 : i32
      %add3A_778 = vector.broadcast %add3A_777 : i32 to vector<16xi32>
      %add3A_779 = arith.addi %max3A_766, %add3A_778 : vector<16xi32>
      %select_n3A_780 = arith.select %lt3A_776, %add3A_779, %max3A_766 : vector<16xi1>, vector<16xi32>
      %broadcast_in_dim3A_781 = vector.shape_cast %select_n3A_780 : vector<16xi32> to vector<16x1xi32>
      %gather3A_782 = vector.shape_cast %broadcast_in_dim3A_781 : vector<16x1xi32> to vector<16xi32>
      %gather3A_783 = tpu.dynamic_gather %get3A_761[%gather3A_782] in [0] : vector<16xf32>, vector<16xi32> -> vector<16xf32>
      %eq3A_784 = arith.cmpi eq, %gather3A_773, %get3A_757 : vector<16xi32>
      %max3A_785 = arith.maximumf %get3A_761, %gather3A_783 : vector<16xf32>
      %select_n3A_786 = arith.select %eq3A_784, %max3A_785, %get3A_761 : vector<16xi1>, vector<16xf32>
      %sub3A_787 = arith.constant 2 : i32
      %sub3A_788 = vector.broadcast %sub3A_787 : i32 to vector<16xi32>
      %sub3A_789 = arith.subi %iota3A, %sub3A_788 : vector<16xi32>
      %max3A_790 = arith.constant 0 : i32
      %max3A_791 = vector.broadcast %max3A_790 : i32 to vector<16xi32>
      %max3A_792 = arith.maxsi %sub3A_789, %max3A_791 : vector<16xi32>
      %lt3A_793 = arith.constant 0 : i32
      %lt3A_794 = vector.broadcast %lt3A_793 : i32 to vector<16xi32>
      %lt3A_795 = arith.cmpi slt, %max3A_792, %lt3A_794 : vector<16xi32>
      %add3A_796 = arith.constant 16 : i32
      %add3A_797 = vector.broadcast %add3A_796 : i32 to vector<16xi32>
      %add3A_798 = arith.addi %max3A_792, %add3A_797 : vector<16xi32>
      %select_n3A_799 = arith.select %lt3A_795, %add3A_798, %max3A_792 : vector<16xi1>, vector<16xi32>
      %broadcast_in_dim3A_800 = vector.shape_cast %select_n3A_799 : vector<16xi32> to vector<16x1xi32>
      %gather3A_801 = vector.shape_cast %broadcast_in_dim3A_800 : vector<16x1xi32> to vector<16xi32>
      %gather3A_802 = tpu.dynamic_gather %get3A_757[%gather3A_801] in [0] : vector<16xi32>, vector<16xi32> -> vector<16xi32>
      %lt3A_803 = arith.constant 0 : i32
      %lt3A_804 = vector.broadcast %lt3A_803 : i32 to vector<16xi32>
      %lt3A_805 = arith.cmpi slt, %max3A_792, %lt3A_804 : vector<16xi32>
      %add3A_806 = arith.constant 16 : i32
      %add3A_807 = vector.broadcast %add3A_806 : i32 to vector<16xi32>
      %add3A_808 = arith.addi %max3A_792, %add3A_807 : vector<16xi32>
      %select_n3A_809 = arith.select %lt3A_805, %add3A_808, %max3A_792 : vector<16xi1>, vector<16xi32>
      %broadcast_in_dim3A_810 = vector.shape_cast %select_n3A_809 : vector<16xi32> to vector<16x1xi32>
      %gather3A_811 = vector.shape_cast %broadcast_in_dim3A_810 : vector<16x1xi32> to vector<16xi32>
      %gather3A_812 = tpu.dynamic_gather %select_n3A_786[%gather3A_811] in [0] : vector<16xf32>, vector<16xi32> -> vector<16xf32>
      %eq3A_813 = arith.cmpi eq, %gather3A_802, %get3A_757 : vector<16xi32>
      %max3A_814 = arith.maximumf %select_n3A_786, %gather3A_812 : vector<16xf32>
      %select_n3A_815 = arith.select %eq3A_813, %max3A_814, %select_n3A_786 : vector<16xi1>, vector<16xf32>
      %sub3A_816 = arith.constant 4 : i32
      %sub3A_817 = vector.broadcast %sub3A_816 : i32 to vector<16xi32>
      %sub3A_818 = arith.subi %iota3A, %sub3A_817 : vector<16xi32>
      %max3A_819 = arith.constant 0 : i32
      %max3A_820 = vector.broadcast %max3A_819 : i32 to vector<16xi32>
      %max3A_821 = arith.maxsi %sub3A_818, %max3A_820 : vector<16xi32>
      %lt3A_822 = arith.constant 0 : i32
      %lt3A_823 = vector.broadcast %lt3A_822 : i32 to vector<16xi32>
      %lt3A_824 = arith.cmpi slt, %max3A_821, %lt3A_823 : vector<16xi32>
      %add3A_825 = arith.constant 16 : i32
      %add3A_826 = vector.broadcast %add3A_825 : i32 to vector<16xi32>
      %add3A_827 = arith.addi %max3A_821, %add3A_826 : vector<16xi32>
      %select_n3A_828 = arith.select %lt3A_824, %add3A_827, %max3A_821 : vector<16xi1>, vector<16xi32>
      %broadcast_in_dim3A_829 = vector.shape_cast %select_n3A_828 : vector<16xi32> to vector<16x1xi32>
      %gather3A_830 = vector.shape_cast %broadcast_in_dim3A_829 : vector<16x1xi32> to vector<16xi32>
      %gather3A_831 = tpu.dynamic_gather %get3A_757[%gather3A_830] in [0] : vector<16xi32>, vector<16xi32> -> vector<16xi32>
      %lt3A_832 = arith.constant 0 : i32
      %lt3A_833 = vector.broadcast %lt3A_832 : i32 to vector<16xi32>
      %lt3A_834 = arith.cmpi slt, %max3A_821, %lt3A_833 : vector<16xi32>
      %add3A_835 = arith.constant 16 : i32
      %add3A_836 = vector.broadcast %add3A_835 : i32 to vector<16xi32>
      %add3A_837 = arith.addi %max3A_821, %add3A_836 : vector<16xi32>
      %select_n3A_838 = arith.select %lt3A_834, %add3A_837, %max3A_821 : vector<16xi1>, vector<16xi32>
      %broadcast_in_dim3A_839 = vector.shape_cast %select_n3A_838 : vector<16xi32> to vector<16x1xi32>
      %gather3A_840 = vector.shape_cast %broadcast_in_dim3A_839 : vector<16x1xi32> to vector<16xi32>
      %gather3A_841 = tpu.dynamic_gather %select_n3A_815[%gather3A_840] in [0] : vector<16xf32>, vector<16xi32> -> vector<16xf32>
      %eq3A_842 = arith.cmpi eq, %gather3A_831, %get3A_757 : vector<16xi32>
      %max3A_843 = arith.maximumf %select_n3A_815, %gather3A_841 : vector<16xf32>
      %select_n3A_844 = arith.select %eq3A_842, %max3A_843, %select_n3A_815 : vector<16xi1>, vector<16xf32>
      %sub3A_845 = arith.constant 8 : i32
      %sub3A_846 = vector.broadcast %sub3A_845 : i32 to vector<16xi32>
      %sub3A_847 = arith.subi %iota3A, %sub3A_846 : vector<16xi32>
      %max3A_848 = arith.constant 0 : i32
      %max3A_849 = vector.broadcast %max3A_848 : i32 to vector<16xi32>
      %max3A_850 = arith.maxsi %sub3A_847, %max3A_849 : vector<16xi32>
      %lt3A_851 = arith.constant 0 : i32
      %lt3A_852 = vector.broadcast %lt3A_851 : i32 to vector<16xi32>
      %lt3A_853 = arith.cmpi slt, %max3A_850, %lt3A_852 : vector<16xi32>
      %add3A_854 = arith.constant 16 : i32
      %add3A_855 = vector.broadcast %add3A_854 : i32 to vector<16xi32>
      %add3A_856 = arith.addi %max3A_850, %add3A_855 : vector<16xi32>
      %select_n3A_857 = arith.select %lt3A_853, %add3A_856, %max3A_850 : vector<16xi1>, vector<16xi32>
      %broadcast_in_dim3A_858 = vector.shape_cast %select_n3A_857 : vector<16xi32> to vector<16x1xi32>
      %gather3A_859 = vector.shape_cast %broadcast_in_dim3A_858 : vector<16x1xi32> to vector<16xi32>
      %gather3A_860 = tpu.dynamic_gather %get3A_757[%gather3A_859] in [0] : vector<16xi32>, vector<16xi32> -> vector<16xi32>
      %lt3A_861 = arith.constant 0 : i32
      %lt3A_862 = vector.broadcast %lt3A_861 : i32 to vector<16xi32>
      %lt3A_863 = arith.cmpi slt, %max3A_850, %lt3A_862 : vector<16xi32>
      %add3A_864 = arith.constant 16 : i32
      %add3A_865 = vector.broadcast %add3A_864 : i32 to vector<16xi32>
      %add3A_866 = arith.addi %max3A_850, %add3A_865 : vector<16xi32>
      %select_n3A_867 = arith.select %lt3A_863, %add3A_866, %max3A_850 : vector<16xi1>, vector<16xi32>
      %broadcast_in_dim3A_868 = vector.shape_cast %select_n3A_867 : vector<16xi32> to vector<16x1xi32>
      %gather3A_869 = vector.shape_cast %broadcast_in_dim3A_868 : vector<16x1xi32> to vector<16xi32>
      %gather3A_870 = tpu.dynamic_gather %select_n3A_844[%gather3A_869] in [0] : vector<16xf32>, vector<16xi32> -> vector<16xf32>
      %eq3A_871 = arith.cmpi eq, %gather3A_860, %get3A_757 : vector<16xi32>
      %max3A_872 = arith.maximumf %select_n3A_844, %gather3A_870 : vector<16xf32>
      %select_n3A_873 = arith.select %eq3A_871, %max3A_872, %select_n3A_844 : vector<16xi1>, vector<16xf32>
      %add3A_874 = arith.constant 1 : i32
      %add3A_875 = vector.broadcast %add3A_874 : i32 to vector<16xi32>
      %add3A_876 = arith.addi %iota3A, %add3A_875 : vector<16xi32>
      %min3A = arith.constant 15 : i32
      %min3A_877 = vector.broadcast %min3A : i32 to vector<16xi32>
      %min3A_878 = arith.minsi %add3A_876, %min3A_877 : vector<16xi32>
      %lt3A_879 = arith.constant 0 : i32
      %lt3A_880 = vector.broadcast %lt3A_879 : i32 to vector<16xi32>
      %lt3A_881 = arith.cmpi slt, %min3A_878, %lt3A_880 : vector<16xi32>
      %add3A_882 = arith.constant 16 : i32
      %add3A_883 = vector.broadcast %add3A_882 : i32 to vector<16xi32>
      %add3A_884 = arith.addi %min3A_878, %add3A_883 : vector<16xi32>
      %select_n3A_885 = arith.select %lt3A_881, %add3A_884, %min3A_878 : vector<16xi1>, vector<16xi32>
      %broadcast_in_dim3A_886 = vector.shape_cast %select_n3A_885 : vector<16xi32> to vector<16x1xi32>
      %gather3A_887 = vector.shape_cast %broadcast_in_dim3A_886 : vector<16x1xi32> to vector<16xi32>
      %gather3A_888 = tpu.dynamic_gather %get3A_757[%gather3A_887] in [0] : vector<16xi32>, vector<16xi32> -> vector<16xi32>
      %ne3A = arith.cmpi ne, %get3A_757, %gather3A_888 : vector<16xi32>
      %eq3A_889 = arith.constant 15 : i32
      %eq3A_890 = vector.broadcast %eq3A_889 : i32 to vector<16xi32>
      %eq3A_891 = arith.cmpi eq, %iota3A, %eq3A_890 : vector<16xi32>
      %or3A = arith.ori %ne3A, %eq3A_891 : vector<16xi1>
      %gather3A_892 = tpu.vector_load_idx %arg9[%get3A_757] : memref<128xf32, #tpu.memory_space<vmem>>[vector<16xi32>], vector<16xf32>,
      %max3A_893 = arith.maximumf %gather3A_892, %select_n3A_873 : vector<16xf32>
      tpu.vector_store_idx %arg9[%get3A_757], %max3A_893 masked %or3A : memref<128xf32, #tpu.memory_space<vmem>>[vector<16xi32>], vector<16xf32>, vector<16xi1>
    }
    %scan3A_37 = arith.constant 391 : i32
    "tpu.region"() ({
      %run_scoped3A = tpu.sem_alloc : memref<!tpu.dma_semaphore, #tpu.memory_space<semaphore_mem>>
      %dma_start3A = arith.constant 0 : i32
      %dma_start3A_753 = tpu.memref_slice %arg12[%arg1, %dma_start3A] : memref<16x128xf32, #tpu.memory_space<vmem_shared>> -> memref<1x128xf32, #tpu.memory_space<vmem_shared>>
      %dma_start3A_754 = tpu.memref_squeeze %dma_start3A_753 : memref<1x128xf32, #tpu.memory_space<vmem_shared>> -> memref<128xf32, #tpu.memory_space<vmem_shared>>
      %dma_start3A_755 = arith.constant 0 : i32
      %dma_start3A_756 = tpu.memref_slice %arg12[%arg1, %dma_start3A_755] : memref<16x128xf32, #tpu.memory_space<vmem_shared>> -> memref<1x128xf32, #tpu.memory_space<vmem_shared>>
      %dma_start3A_757 = tpu.memref_squeeze %dma_start3A_756 : memref<1x128xf32, #tpu.memory_space<vmem_shared>> -> memref<128xf32, #tpu.memory_space<vmem_shared>>
      tpu.enqueue_dma source(%arg9 : memref<128xf32, #tpu.memory_space<vmem>>) target(%dma_start3A_757 : memref<128xf32, #tpu.memory_space<vmem_shared>>) target_semaphore(%run_scoped3A : memref<!tpu.dma_semaphore, #tpu.memory_space<semaphore_mem>>)
      %dma_wait3A = arith.constant 0 : i32
      %dma_wait3A_758 = tpu.memref_slice %arg12[%arg1, %dma_wait3A] : memref<16x128xf32, #tpu.memory_space<vmem_shared>> -> memref<1x128xf32, #tpu.memory_space<vmem_shared>>
      %dma_wait3A_759 = tpu.memref_squeeze %dma_wait3A_758 : memref<1x128xf32, #tpu.memory_space<vmem_shared>> -> memref<128xf32, #tpu.memory_space<vmem_shared>>
      %dma_wait3A_760 = arith.constant 0 : i32
      %dma_wait3A_761 = tpu.memref_slice %arg12[%arg1, %dma_wait3A_760] : memref<16x128xf32, #tpu.memory_space<vmem_shared>> -> memref<1x128xf32, #tpu.memory_space<vmem_shared>>
      %dma_wait3A_762 = tpu.memref_squeeze %dma_wait3A_761 : memref<1x128xf32, #tpu.memory_space<vmem_shared>> -> memref<128xf32, #tpu.memory_space<vmem_shared>>
      tpu.wait_dma2 semaphore(%run_scoped3A : memref<!tpu.dma_semaphore, #tpu.memory_space<semaphore_mem>>) src(%arg9 : memref<128xf32, #tpu.memory_space<vmem>>) dst(%dma_wait3A_762 : memref<128xf32, #tpu.memory_space<vmem_shared>>)
      tpu.yield
    }) : () -> ()
    %barrier3A = arith.constant 0 : index
    tpu.barrier barrier_id(%barrier3A)
    "tpu.region"() ({
      %run_scoped3A = tpu.sem_alloc : memref<!tpu.dma_semaphore, #tpu.memory_space<semaphore_mem>>
      tpu.enqueue_dma source(%arg12 : memref<16x128xf32, #tpu.memory_space<vmem_shared>>) target(%arg11 : memref<16x128xf32, #tpu.memory_space<vmem>>) target_semaphore(%run_scoped3A : memref<!tpu.dma_semaphore, #tpu.memory_space<semaphore_mem>>)
      tpu.wait_dma2 semaphore(%run_scoped3A : memref<!tpu.dma_semaphore, #tpu.memory_space<semaphore_mem>>) src(%arg12 : memref<16x128xf32, #tpu.memory_space<vmem_shared>>) dst(%arg11 : memref<16x128xf32, #tpu.memory_space<vmem>>)
      tpu.yield
    }) : () -> ()
    %broadcast_in_dim3A_38 = arith.constant -1.000000e+30 : f32
    %broadcast_in_dim3A_39 = vector.broadcast %broadcast_in_dim3A_38 : f32 to vector<16xf32>
    %get3A = arith.constant 0 : i32
    %get3A_40 = arith.index_cast %get3A : i32 to index
    %get3A_41 = arith.constant 0 : index
    %get3A_42 = tpu.vector_load %arg11[%get3A_40, %get3A_41] {strides = array<i32>} : memref<16x128xf32, #tpu.memory_space<vmem>>, vector<16xf32>,
    %max3A = arith.maximumf %broadcast_in_dim3A_39, %get3A_42 : vector<16xf32>
    %get3A_43 = arith.constant 1 : i32
    %get3A_44 = arith.index_cast %get3A_43 : i32 to index
    %get3A_45 = arith.constant 0 : index
    %get3A_46 = tpu.vector_load %arg11[%get3A_44, %get3A_45] {strides = array<i32>} : memref<16x128xf32, #tpu.memory_space<vmem>>, vector<16xf32>,
    %max3A_47 = arith.maximumf %max3A, %get3A_46 : vector<16xf32>
    %get3A_48 = arith.constant 2 : i32
    %get3A_49 = arith.index_cast %get3A_48 : i32 to index
    %get3A_50 = arith.constant 0 : index
    %get3A_51 = tpu.vector_load %arg11[%get3A_49, %get3A_50] {strides = array<i32>} : memref<16x128xf32, #tpu.memory_space<vmem>>, vector<16xf32>,
    %max3A_52 = arith.maximumf %max3A_47, %get3A_51 : vector<16xf32>
    %get3A_53 = arith.constant 3 : i32
    %get3A_54 = arith.index_cast %get3A_53 : i32 to index
    %get3A_55 = arith.constant 0 : index
    %get3A_56 = tpu.vector_load %arg11[%get3A_54, %get3A_55] {strides = array<i32>} : memref<16x128xf32, #tpu.memory_space<vmem>>, vector<16xf32>,
    %max3A_57 = arith.maximumf %max3A_52, %get3A_56 : vector<16xf32>
    %get3A_58 = arith.constant 4 : i32
    %get3A_59 = arith.index_cast %get3A_58 : i32 to index
    %get3A_60 = arith.constant 0 : index
    %get3A_61 = tpu.vector_load %arg11[%get3A_59, %get3A_60] {strides = array<i32>} : memref<16x128xf32, #tpu.memory_space<vmem>>, vector<16xf32>,
    %max3A_62 = arith.maximumf %max3A_57, %get3A_61 : vector<16xf32>
    %get3A_63 = arith.constant 5 : i32
    %get3A_64 = arith.index_cast %get3A_63 : i32 to index
    %get3A_65 = arith.constant 0 : index
    %get3A_66 = tpu.vector_load %arg11[%get3A_64, %get3A_65] {strides = array<i32>} : memref<16x128xf32, #tpu.memory_space<vmem>>, vector<16xf32>,
    %max3A_67 = arith.maximumf %max3A_62, %get3A_66 : vector<16xf32>
    %get3A_68 = arith.constant 6 : i32
    %get3A_69 = arith.index_cast %get3A_68 : i32 to index
    %get3A_70 = arith.constant 0 : index
    %get3A_71 = tpu.vector_load %arg11[%get3A_69, %get3A_70] {strides = array<i32>} : memref<16x128xf32, #tpu.memory_space<vmem>>, vector<16xf32>,
    %max3A_72 = arith.maximumf %max3A_67, %get3A_71 : vector<16xf32>
    %get3A_73 = arith.constant 7 : i32
    %get3A_74 = arith.index_cast %get3A_73 : i32 to index
    %get3A_75 = arith.constant 0 : index
    %get3A_76 = tpu.vector_load %arg11[%get3A_74, %get3A_75] {strides = array<i32>} : memref<16x128xf32, #tpu.memory_space<vmem>>, vector<16xf32>,
    %max3A_77 = arith.maximumf %max3A_72, %get3A_76 : vector<16xf32>
    %get3A_78 = arith.constant 8 : i32
    %get3A_79 = arith.index_cast %get3A_78 : i32 to index
    %get3A_80 = arith.constant 0 : index
    %get3A_81 = tpu.vector_load %arg11[%get3A_79, %get3A_80] {strides = array<i32>} : memref<16x128xf32, #tpu.memory_space<vmem>>, vector<16xf32>,
    %max3A_82 = arith.maximumf %max3A_77, %get3A_81 : vector<16xf32>
    %get3A_83 = arith.constant 9 : i32
    %get3A_84 = arith.index_cast %get3A_83 : i32 to index
    %get3A_85 = arith.constant 0 : index
    %get3A_86 = tpu.vector_load %arg11[%get3A_84, %get3A_85] {strides = array<i32>} : memref<16x128xf32, #tpu.memory_space<vmem>>, vector<16xf32>,
    %max3A_87 = arith.maximumf %max3A_82, %get3A_86 : vector<16xf32>
    %get3A_88 = arith.constant 10 : i32
    %get3A_89 = arith.index_cast %get3A_88 : i32 to index
    %get3A_90 = arith.constant 0 : index
    %get3A_91 = tpu.vector_load %arg11[%get3A_89, %get3A_90] {strides = array<i32>} : memref<16x128xf32, #tpu.memory_space<vmem>>, vector<16xf32>,
    %max3A_92 = arith.maximumf %max3A_87, %get3A_91 : vector<16xf32>
    %get3A_93 = arith.constant 11 : i32
    %get3A_94 = arith.index_cast %get3A_93 : i32 to index
    %get3A_95 = arith.constant 0 : index
    %get3A_96 = tpu.vector_load %arg11[%get3A_94, %get3A_95] {strides = array<i32>} : memref<16x128xf32, #tpu.memory_space<vmem>>, vector<16xf32>,
    %max3A_97 = arith.maximumf %max3A_92, %get3A_96 : vector<16xf32>
    %get3A_98 = arith.constant 12 : i32
    %get3A_99 = arith.index_cast %get3A_98 : i32 to index
    %get3A_100 = arith.constant 0 : index
    %get3A_101 = tpu.vector_load %arg11[%get3A_99, %get3A_100] {strides = array<i32>} : memref<16x128xf32, #tpu.memory_space<vmem>>, vector<16xf32>,
    %max3A_102 = arith.maximumf %max3A_97, %get3A_101 : vector<16xf32>
    %get3A_103 = arith.constant 13 : i32
    %get3A_104 = arith.index_cast %get3A_103 : i32 to index
    %get3A_105 = arith.constant 0 : index
    %get3A_106 = tpu.vector_load %arg11[%get3A_104, %get3A_105] {strides = array<i32>} : memref<16x128xf32, #tpu.memory_space<vmem>>, vector<16xf32>,
    %max3A_107 = arith.maximumf %max3A_102, %get3A_106 : vector<16xf32>
    %get3A_108 = arith.constant 14 : i32
    %get3A_109 = arith.index_cast %get3A_108 : i32 to index
    %get3A_110 = arith.constant 0 : index
    %get3A_111 = tpu.vector_load %arg11[%get3A_109, %get3A_110] {strides = array<i32>} : memref<16x128xf32, #tpu.memory_space<vmem>>, vector<16xf32>,
    %max3A_112 = arith.maximumf %max3A_107, %get3A_111 : vector<16xf32>
    %get3A_113 = arith.constant 15 : i32
    %get3A_114 = arith.index_cast %get3A_113 : i32 to index
    %get3A_115 = arith.constant 0 : index
    %get3A_116 = tpu.vector_load %arg11[%get3A_114, %get3A_115] {strides = array<i32>} : memref<16x128xf32, #tpu.memory_space<vmem>>, vector<16xf32>,
    %max3A_117 = arith.maximumf %max3A_112, %get3A_116 : vector<16xf32>
    %swap3A_118 = arith.constant 0 : index
    %swap3A_119 = tpu.vector_load %arg9[%swap3A_118] {strides = array<i32>} : memref<128xf32, #tpu.memory_space<vmem>>, vector<16xf32>,
    tpu.vector_store %arg9[%swap3A_118], %max3A_117 {strides = array<i32>} : memref<128xf32, #tpu.memory_space<vmem>>, vector<16xf32>,
    %broadcast_in_dim3A_120 = arith.constant -1.000000e+30 : f32
    %broadcast_in_dim3A_121 = vector.broadcast %broadcast_in_dim3A_120 : f32 to vector<16xf32>
    %get3A_122 = arith.constant 0 : i32
    %get3A_123 = arith.index_cast %get3A_122 : i32 to index
    %get3A_124 = arith.constant 16 : index
    %get3A_125 = tpu.vector_load %arg11[%get3A_123, %get3A_124] {strides = array<i32>} : memref<16x128xf32, #tpu.memory_space<vmem>>, vector<16xf32>,
    %max3A_126 = arith.maximumf %broadcast_in_dim3A_121, %get3A_125 : vector<16xf32>
    %get3A_127 = arith.constant 1 : i32
    %get3A_128 = arith.index_cast %get3A_127 : i32 to index
    %get3A_129 = arith.constant 16 : index
    %get3A_130 = tpu.vector_load %arg11[%get3A_128, %get3A_129] {strides = array<i32>} : memref<16x128xf32, #tpu.memory_space<vmem>>, vector<16xf32>,
    %max3A_131 = arith.maximumf %max3A_126, %get3A_130 : vector<16xf32>
    %get3A_132 = arith.constant 2 : i32
    %get3A_133 = arith.index_cast %get3A_132 : i32 to index
    %get3A_134 = arith.constant 16 : index
    %get3A_135 = tpu.vector_load %arg11[%get3A_133, %get3A_134] {strides = array<i32>} : memref<16x128xf32, #tpu.memory_space<vmem>>, vector<16xf32>,
    %max3A_136 = arith.maximumf %max3A_131, %get3A_135 : vector<16xf32>
    %get3A_137 = arith.constant 3 : i32
    %get3A_138 = arith.index_cast %get3A_137 : i32 to index
    %get3A_139 = arith.constant 16 : index
    %get3A_140 = tpu.vector_load %arg11[%get3A_138, %get3A_139] {strides = array<i32>} : memref<16x128xf32, #tpu.memory_space<vmem>>, vector<16xf32>,
    %max3A_141 = arith.maximumf %max3A_136, %get3A_140 : vector<16xf32>
    %get3A_142 = arith.constant 4 : i32
    %get3A_143 = arith.index_cast %get3A_142 : i32 to index
    %get3A_144 = arith.constant 16 : index
    %get3A_145 = tpu.vector_load %arg11[%get3A_143, %get3A_144] {strides = array<i32>} : memref<16x128xf32, #tpu.memory_space<vmem>>, vector<16xf32>,
    %max3A_146 = arith.maximumf %max3A_141, %get3A_145 : vector<16xf32>
    %get3A_147 = arith.constant 5 : i32
    %get3A_148 = arith.index_cast %get3A_147 : i32 to index
    %get3A_149 = arith.constant 16 : index
    %get3A_150 = tpu.vector_load %arg11[%get3A_148, %get3A_149] {strides = array<i32>} : memref<16x128xf32, #tpu.memory_space<vmem>>, vector<16xf32>,
    %max3A_151 = arith.maximumf %max3A_146, %get3A_150 : vector<16xf32>
    %get3A_152 = arith.constant 6 : i32
    %get3A_153 = arith.index_cast %get3A_152 : i32 to index
    %get3A_154 = arith.constant 16 : index
    %get3A_155 = tpu.vector_load %arg11[%get3A_153, %get3A_154] {strides = array<i32>} : memref<16x128xf32, #tpu.memory_space<vmem>>, vector<16xf32>,
    %max3A_156 = arith.maximumf %max3A_151, %get3A_155 : vector<16xf32>
    %get3A_157 = arith.constant 7 : i32
    %get3A_158 = arith.index_cast %get3A_157 : i32 to index
    %get3A_159 = arith.constant 16 : index
    %get3A_160 = tpu.vector_load %arg11[%get3A_158, %get3A_159] {strides = array<i32>} : memref<16x128xf32, #tpu.memory_space<vmem>>, vector<16xf32>,
    %max3A_161 = arith.maximumf %max3A_156, %get3A_160 : vector<16xf32>
    %get3A_162 = arith.constant 8 : i32
    %get3A_163 = arith.index_cast %get3A_162 : i32 to index
    %get3A_164 = arith.constant 16 : index
    %get3A_165 = tpu.vector_load %arg11[%get3A_163, %get3A_164] {strides = array<i32>} : memref<16x128xf32, #tpu.memory_space<vmem>>, vector<16xf32>,
    %max3A_166 = arith.maximumf %max3A_161, %get3A_165 : vector<16xf32>
    %get3A_167 = arith.constant 9 : i32
    %get3A_168 = arith.index_cast %get3A_167 : i32 to index
    %get3A_169 = arith.constant 16 : index
    %get3A_170 = tpu.vector_load %arg11[%get3A_168, %get3A_169] {strides = array<i32>} : memref<16x128xf32, #tpu.memory_space<vmem>>, vector<16xf32>,
    %max3A_171 = arith.maximumf %max3A_166, %get3A_170 : vector<16xf32>
    %get3A_172 = arith.constant 10 : i32
    %get3A_173 = arith.index_cast %get3A_172 : i32 to index
    %get3A_174 = arith.constant 16 : index
    %get3A_175 = tpu.vector_load %arg11[%get3A_173, %get3A_174] {strides = array<i32>} : memref<16x128xf32, #tpu.memory_space<vmem>>, vector<16xf32>,
    %max3A_176 = arith.maximumf %max3A_171, %get3A_175 : vector<16xf32>
    %get3A_177 = arith.constant 11 : i32
    %get3A_178 = arith.index_cast %get3A_177 : i32 to index
    %get3A_179 = arith.constant 16 : index
    %get3A_180 = tpu.vector_load %arg11[%get3A_178, %get3A_179] {strides = array<i32>} : memref<16x128xf32, #tpu.memory_space<vmem>>, vector<16xf32>,
    %max3A_181 = arith.maximumf %max3A_176, %get3A_180 : vector<16xf32>
    %get3A_182 = arith.constant 12 : i32
    %get3A_183 = arith.index_cast %get3A_182 : i32 to index
    %get3A_184 = arith.constant 16 : index
    %get3A_185 = tpu.vector_load %arg11[%get3A_183, %get3A_184] {strides = array<i32>} : memref<16x128xf32, #tpu.memory_space<vmem>>, vector<16xf32>,
    %max3A_186 = arith.maximumf %max3A_181, %get3A_185 : vector<16xf32>
    %get3A_187 = arith.constant 13 : i32
    %get3A_188 = arith.index_cast %get3A_187 : i32 to index
    %get3A_189 = arith.constant 16 : index
    %get3A_190 = tpu.vector_load %arg11[%get3A_188, %get3A_189] {strides = array<i32>} : memref<16x128xf32, #tpu.memory_space<vmem>>, vector<16xf32>,
    %max3A_191 = arith.maximumf %max3A_186, %get3A_190 : vector<16xf32>
    %get3A_192 = arith.constant 14 : i32
    %get3A_193 = arith.index_cast %get3A_192 : i32 to index
    %get3A_194 = arith.constant 16 : index
    %get3A_195 = tpu.vector_load %arg11[%get3A_193, %get3A_194] {strides = array<i32>} : memref<16x128xf32, #tpu.memory_space<vmem>>, vector<16xf32>,
    %max3A_196 = arith.maximumf %max3A_191, %get3A_195 : vector<16xf32>
    %get3A_197 = arith.constant 15 : i32
    %get3A_198 = arith.index_cast %get3A_197 : i32 to index
    %get3A_199 = arith.constant 16 : index
    %get3A_200 = tpu.vector_load %arg11[%get3A_198, %get3A_199] {strides = array<i32>} : memref<16x128xf32, #tpu.memory_space<vmem>>, vector<16xf32>,
    %max3A_201 = arith.maximumf %max3A_196, %get3A_200 : vector<16xf32>
    %swap3A_202 = arith.constant 16 : index
    %swap3A_203 = tpu.vector_load %arg9[%swap3A_202] {strides = array<i32>} : memref<128xf32, #tpu.memory_space<vmem>>, vector<16xf32>,
    tpu.vector_store %arg9[%swap3A_202], %max3A_201 {strides = array<i32>} : memref<128xf32, #tpu.memory_space<vmem>>, vector<16xf32>,
    %broadcast_in_dim3A_204 = arith.constant -1.000000e+30 : f32
    %broadcast_in_dim3A_205 = vector.broadcast %broadcast_in_dim3A_204 : f32 to vector<16xf32>
    %get3A_206 = arith.constant 0 : i32
    %get3A_207 = arith.index_cast %get3A_206 : i32 to index
    %get3A_208 = arith.constant 32 : index
    %get3A_209 = tpu.vector_load %arg11[%get3A_207, %get3A_208] {strides = array<i32>} : memref<16x128xf32, #tpu.memory_space<vmem>>, vector<16xf32>,
    %max3A_210 = arith.maximumf %broadcast_in_dim3A_205, %get3A_209 : vector<16xf32>
    %get3A_211 = arith.constant 1 : i32
    %get3A_212 = arith.index_cast %get3A_211 : i32 to index
    %get3A_213 = arith.constant 32 : index
    %get3A_214 = tpu.vector_load %arg11[%get3A_212, %get3A_213] {strides = array<i32>} : memref<16x128xf32, #tpu.memory_space<vmem>>, vector<16xf32>,
    %max3A_215 = arith.maximumf %max3A_210, %get3A_214 : vector<16xf32>
    %get3A_216 = arith.constant 2 : i32
    %get3A_217 = arith.index_cast %get3A_216 : i32 to index
    %get3A_218 = arith.constant 32 : index
    %get3A_219 = tpu.vector_load %arg11[%get3A_217, %get3A_218] {strides = array<i32>} : memref<16x128xf32, #tpu.memory_space<vmem>>, vector<16xf32>,
    %max3A_220 = arith.maximumf %max3A_215, %get3A_219 : vector<16xf32>
    %get3A_221 = arith.constant 3 : i32
    %get3A_222 = arith.index_cast %get3A_221 : i32 to index
    %get3A_223 = arith.constant 32 : index
    %get3A_224 = tpu.vector_load %arg11[%get3A_222, %get3A_223] {strides = array<i32>} : memref<16x128xf32, #tpu.memory_space<vmem>>, vector<16xf32>,
    %max3A_225 = arith.maximumf %max3A_220, %get3A_224 : vector<16xf32>
    %get3A_226 = arith.constant 4 : i32
    %get3A_227 = arith.index_cast %get3A_226 : i32 to index
    %get3A_228 = arith.constant 32 : index
    %get3A_229 = tpu.vector_load %arg11[%get3A_227, %get3A_228] {strides = array<i32>} : memref<16x128xf32, #tpu.memory_space<vmem>>, vector<16xf32>,
    %max3A_230 = arith.maximumf %max3A_225, %get3A_229 : vector<16xf32>
    %get3A_231 = arith.constant 5 : i32
    %get3A_232 = arith.index_cast %get3A_231 : i32 to index
    %get3A_233 = arith.constant 32 : index
    %get3A_234 = tpu.vector_load %arg11[%get3A_232, %get3A_233] {strides = array<i32>} : memref<16x128xf32, #tpu.memory_space<vmem>>, vector<16xf32>,
    %max3A_235 = arith.maximumf %max3A_230, %get3A_234 : vector<16xf32>
    %get3A_236 = arith.constant 6 : i32
    %get3A_237 = arith.index_cast %get3A_236 : i32 to index
    %get3A_238 = arith.constant 32 : index
    %get3A_239 = tpu.vector_load %arg11[%get3A_237, %get3A_238] {strides = array<i32>} : memref<16x128xf32, #tpu.memory_space<vmem>>, vector<16xf32>,
    %max3A_240 = arith.maximumf %max3A_235, %get3A_239 : vector<16xf32>
    %get3A_241 = arith.constant 7 : i32
    %get3A_242 = arith.index_cast %get3A_241 : i32 to index
    %get3A_243 = arith.constant 32 : index
    %get3A_244 = tpu.vector_load %arg11[%get3A_242, %get3A_243] {strides = array<i32>} : memref<16x128xf32, #tpu.memory_space<vmem>>, vector<16xf32>,
    %max3A_245 = arith.maximumf %max3A_240, %get3A_244 : vector<16xf32>
    %get3A_246 = arith.constant 8 : i32
    %get3A_247 = arith.index_cast %get3A_246 : i32 to index
    %get3A_248 = arith.constant 32 : index
    %get3A_249 = tpu.vector_load %arg11[%get3A_247, %get3A_248] {strides = array<i32>} : memref<16x128xf32, #tpu.memory_space<vmem>>, vector<16xf32>,
    %max3A_250 = arith.maximumf %max3A_245, %get3A_249 : vector<16xf32>
    %get3A_251 = arith.constant 9 : i32
    %get3A_252 = arith.index_cast %get3A_251 : i32 to index
    %get3A_253 = arith.constant 32 : index
    %get3A_254 = tpu.vector_load %arg11[%get3A_252, %get3A_253] {strides = array<i32>} : memref<16x128xf32, #tpu.memory_space<vmem>>, vector<16xf32>,
    %max3A_255 = arith.maximumf %max3A_250, %get3A_254 : vector<16xf32>
    %get3A_256 = arith.constant 10 : i32
    %get3A_257 = arith.index_cast %get3A_256 : i32 to index
    %get3A_258 = arith.constant 32 : index
    %get3A_259 = tpu.vector_load %arg11[%get3A_257, %get3A_258] {strides = array<i32>} : memref<16x128xf32, #tpu.memory_space<vmem>>, vector<16xf32>,
    %max3A_260 = arith.maximumf %max3A_255, %get3A_259 : vector<16xf32>
    %get3A_261 = arith.constant 11 : i32
    %get3A_262 = arith.index_cast %get3A_261 : i32 to index
    %get3A_263 = arith.constant 32 : index
    %get3A_264 = tpu.vector_load %arg11[%get3A_262, %get3A_263] {strides = array<i32>} : memref<16x128xf32, #tpu.memory_space<vmem>>, vector<16xf32>,
    %max3A_265 = arith.maximumf %max3A_260, %get3A_264 : vector<16xf32>
    %get3A_266 = arith.constant 12 : i32
    %get3A_267 = arith.index_cast %get3A_266 : i32 to index
    %get3A_268 = arith.constant 32 : index
    %get3A_269 = tpu.vector_load %arg11[%get3A_267, %get3A_268] {strides = array<i32>} : memref<16x128xf32, #tpu.memory_space<vmem>>, vector<16xf32>,
    %max3A_270 = arith.maximumf %max3A_265, %get3A_269 : vector<16xf32>
    %get3A_271 = arith.constant 13 : i32
    %get3A_272 = arith.index_cast %get3A_271 : i32 to index
    %get3A_273 = arith.constant 32 : index
    %get3A_274 = tpu.vector_load %arg11[%get3A_272, %get3A_273] {strides = array<i32>} : memref<16x128xf32, #tpu.memory_space<vmem>>, vector<16xf32>,
    %max3A_275 = arith.maximumf %max3A_270, %get3A_274 : vector<16xf32>
    %get3A_276 = arith.constant 14 : i32
    %get3A_277 = arith.index_cast %get3A_276 : i32 to index
    %get3A_278 = arith.constant 32 : index
    %get3A_279 = tpu.vector_load %arg11[%get3A_277, %get3A_278] {strides = array<i32>} : memref<16x128xf32, #tpu.memory_space<vmem>>, vector<16xf32>,
    %max3A_280 = arith.maximumf %max3A_275, %get3A_279 : vector<16xf32>
    %get3A_281 = arith.constant 15 : i32
    %get3A_282 = arith.index_cast %get3A_281 : i32 to index
    %get3A_283 = arith.constant 32 : index
    %get3A_284 = tpu.vector_load %arg11[%get3A_282, %get3A_283] {strides = array<i32>} : memref<16x128xf32, #tpu.memory_space<vmem>>, vector<16xf32>,
    %max3A_285 = arith.maximumf %max3A_280, %get3A_284 : vector<16xf32>
    %swap3A_286 = arith.constant 32 : index
    %swap3A_287 = tpu.vector_load %arg9[%swap3A_286] {strides = array<i32>} : memref<128xf32, #tpu.memory_space<vmem>>, vector<16xf32>,
    tpu.vector_store %arg9[%swap3A_286], %max3A_285 {strides = array<i32>} : memref<128xf32, #tpu.memory_space<vmem>>, vector<16xf32>,
    %broadcast_in_dim3A_288 = arith.constant -1.000000e+30 : f32
    %broadcast_in_dim3A_289 = vector.broadcast %broadcast_in_dim3A_288 : f32 to vector<16xf32>
    %get3A_290 = arith.constant 0 : i32
    %get3A_291 = arith.index_cast %get3A_290 : i32 to index
    %get3A_292 = arith.constant 48 : index
    %get3A_293 = tpu.vector_load %arg11[%get3A_291, %get3A_292] {strides = array<i32>} : memref<16x128xf32, #tpu.memory_space<vmem>>, vector<16xf32>,
    %max3A_294 = arith.maximumf %broadcast_in_dim3A_289, %get3A_293 : vector<16xf32>
    %get3A_295 = arith.constant 1 : i32
    %get3A_296 = arith.index_cast %get3A_295 : i32 to index
    %get3A_297 = arith.constant 48 : index
    %get3A_298 = tpu.vector_load %arg11[%get3A_296, %get3A_297] {strides = array<i32>} : memref<16x128xf32, #tpu.memory_space<vmem>>, vector<16xf32>,
    %max3A_299 = arith.maximumf %max3A_294, %get3A_298 : vector<16xf32>
    %get3A_300 = arith.constant 2 : i32
    %get3A_301 = arith.index_cast %get3A_300 : i32 to index
    %get3A_302 = arith.constant 48 : index
    %get3A_303 = tpu.vector_load %arg11[%get3A_301, %get3A_302] {strides = array<i32>} : memref<16x128xf32, #tpu.memory_space<vmem>>, vector<16xf32>,
    %max3A_304 = arith.maximumf %max3A_299, %get3A_303 : vector<16xf32>
    %get3A_305 = arith.constant 3 : i32
    %get3A_306 = arith.index_cast %get3A_305 : i32 to index
    %get3A_307 = arith.constant 48 : index
    %get3A_308 = tpu.vector_load %arg11[%get3A_306, %get3A_307] {strides = array<i32>} : memref<16x128xf32, #tpu.memory_space<vmem>>, vector<16xf32>,
    %max3A_309 = arith.maximumf %max3A_304, %get3A_308 : vector<16xf32>
    %get3A_310 = arith.constant 4 : i32
    %get3A_311 = arith.index_cast %get3A_310 : i32 to index
    %get3A_312 = arith.constant 48 : index
    %get3A_313 = tpu.vector_load %arg11[%get3A_311, %get3A_312] {strides = array<i32>} : memref<16x128xf32, #tpu.memory_space<vmem>>, vector<16xf32>,
    %max3A_314 = arith.maximumf %max3A_309, %get3A_313 : vector<16xf32>
    %get3A_315 = arith.constant 5 : i32
    %get3A_316 = arith.index_cast %get3A_315 : i32 to index
    %get3A_317 = arith.constant 48 : index
    %get3A_318 = tpu.vector_load %arg11[%get3A_316, %get3A_317] {strides = array<i32>} : memref<16x128xf32, #tpu.memory_space<vmem>>, vector<16xf32>,
    %max3A_319 = arith.maximumf %max3A_314, %get3A_318 : vector<16xf32>
    %get3A_320 = arith.constant 6 : i32
    %get3A_321 = arith.index_cast %get3A_320 : i32 to index
    %get3A_322 = arith.constant 48 : index
    %get3A_323 = tpu.vector_load %arg11[%get3A_321, %get3A_322] {strides = array<i32>} : memref<16x128xf32, #tpu.memory_space<vmem>>, vector<16xf32>,
    %max3A_324 = arith.maximumf %max3A_319, %get3A_323 : vector<16xf32>
    %get3A_325 = arith.constant 7 : i32
    %get3A_326 = arith.index_cast %get3A_325 : i32 to index
    %get3A_327 = arith.constant 48 : index
    %get3A_328 = tpu.vector_load %arg11[%get3A_326, %get3A_327] {strides = array<i32>} : memref<16x128xf32, #tpu.memory_space<vmem>>, vector<16xf32>,
    %max3A_329 = arith.maximumf %max3A_324, %get3A_328 : vector<16xf32>
    %get3A_330 = arith.constant 8 : i32
    %get3A_331 = arith.index_cast %get3A_330 : i32 to index
    %get3A_332 = arith.constant 48 : index
    %get3A_333 = tpu.vector_load %arg11[%get3A_331, %get3A_332] {strides = array<i32>} : memref<16x128xf32, #tpu.memory_space<vmem>>, vector<16xf32>,
    %max3A_334 = arith.maximumf %max3A_329, %get3A_333 : vector<16xf32>
    %get3A_335 = arith.constant 9 : i32
    %get3A_336 = arith.index_cast %get3A_335 : i32 to index
    %get3A_337 = arith.constant 48 : index
    %get3A_338 = tpu.vector_load %arg11[%get3A_336, %get3A_337] {strides = array<i32>} : memref<16x128xf32, #tpu.memory_space<vmem>>, vector<16xf32>,
    %max3A_339 = arith.maximumf %max3A_334, %get3A_338 : vector<16xf32>
    %get3A_340 = arith.constant 10 : i32
    %get3A_341 = arith.index_cast %get3A_340 : i32 to index
    %get3A_342 = arith.constant 48 : index
    %get3A_343 = tpu.vector_load %arg11[%get3A_341, %get3A_342] {strides = array<i32>} : memref<16x128xf32, #tpu.memory_space<vmem>>, vector<16xf32>,
    %max3A_344 = arith.maximumf %max3A_339, %get3A_343 : vector<16xf32>
    %get3A_345 = arith.constant 11 : i32
    %get3A_346 = arith.index_cast %get3A_345 : i32 to index
    %get3A_347 = arith.constant 48 : index
    %get3A_348 = tpu.vector_load %arg11[%get3A_346, %get3A_347] {strides = array<i32>} : memref<16x128xf32, #tpu.memory_space<vmem>>, vector<16xf32>,
    %max3A_349 = arith.maximumf %max3A_344, %get3A_348 : vector<16xf32>
    %get3A_350 = arith.constant 12 : i32
    %get3A_351 = arith.index_cast %get3A_350 : i32 to index
    %get3A_352 = arith.constant 48 : index
    %get3A_353 = tpu.vector_load %arg11[%get3A_351, %get3A_352] {strides = array<i32>} : memref<16x128xf32, #tpu.memory_space<vmem>>, vector<16xf32>,
    %max3A_354 = arith.maximumf %max3A_349, %get3A_353 : vector<16xf32>
    %get3A_355 = arith.constant 13 : i32
    %get3A_356 = arith.index_cast %get3A_355 : i32 to index
    %get3A_357 = arith.constant 48 : index
    %get3A_358 = tpu.vector_load %arg11[%get3A_356, %get3A_357] {strides = array<i32>} : memref<16x128xf32, #tpu.memory_space<vmem>>, vector<16xf32>,
    %max3A_359 = arith.maximumf %max3A_354, %get3A_358 : vector<16xf32>
    %get3A_360 = arith.constant 14 : i32
    %get3A_361 = arith.index_cast %get3A_360 : i32 to index
    %get3A_362 = arith.constant 48 : index
    %get3A_363 = tpu.vector_load %arg11[%get3A_361, %get3A_362] {strides = array<i32>} : memref<16x128xf32, #tpu.memory_space<vmem>>, vector<16xf32>,
    %max3A_364 = arith.maximumf %max3A_359, %get3A_363 : vector<16xf32>
    %get3A_365 = arith.constant 15 : i32
    %get3A_366 = arith.index_cast %get3A_365 : i32 to index
    %get3A_367 = arith.constant 48 : index
    %get3A_368 = tpu.vector_load %arg11[%get3A_366, %get3A_367] {strides = array<i32>} : memref<16x128xf32, #tpu.memory_space<vmem>>, vector<16xf32>,
    %max3A_369 = arith.maximumf %max3A_364, %get3A_368 : vector<16xf32>
    %swap3A_370 = arith.constant 48 : index
    %swap3A_371 = tpu.vector_load %arg9[%swap3A_370] {strides = array<i32>} : memref<128xf32, #tpu.memory_space<vmem>>, vector<16xf32>,
    tpu.vector_store %arg9[%swap3A_370], %max3A_369 {strides = array<i32>} : memref<128xf32, #tpu.memory_space<vmem>>, vector<16xf32>,
    %broadcast_in_dim3A_372 = arith.constant -1.000000e+30 : f32
    %broadcast_in_dim3A_373 = vector.broadcast %broadcast_in_dim3A_372 : f32 to vector<16xf32>
    %get3A_374 = arith.constant 0 : i32
    %get3A_375 = arith.index_cast %get3A_374 : i32 to index
    %get3A_376 = arith.constant 64 : index
    %get3A_377 = tpu.vector_load %arg11[%get3A_375, %get3A_376] {strides = array<i32>} : memref<16x128xf32, #tpu.memory_space<vmem>>, vector<16xf32>,
    %max3A_378 = arith.maximumf %broadcast_in_dim3A_373, %get3A_377 : vector<16xf32>
    %get3A_379 = arith.constant 1 : i32
    %get3A_380 = arith.index_cast %get3A_379 : i32 to index
    %get3A_381 = arith.constant 64 : index
    %get3A_382 = tpu.vector_load %arg11[%get3A_380, %get3A_381] {strides = array<i32>} : memref<16x128xf32, #tpu.memory_space<vmem>>, vector<16xf32>,
    %max3A_383 = arith.maximumf %max3A_378, %get3A_382 : vector<16xf32>
    %get3A_384 = arith.constant 2 : i32
    %get3A_385 = arith.index_cast %get3A_384 : i32 to index
    %get3A_386 = arith.constant 64 : index
    %get3A_387 = tpu.vector_load %arg11[%get3A_385, %get3A_386] {strides = array<i32>} : memref<16x128xf32, #tpu.memory_space<vmem>>, vector<16xf32>,
    %max3A_388 = arith.maximumf %max3A_383, %get3A_387 : vector<16xf32>
    %get3A_389 = arith.constant 3 : i32
    %get3A_390 = arith.index_cast %get3A_389 : i32 to index
    %get3A_391 = arith.constant 64 : index
    %get3A_392 = tpu.vector_load %arg11[%get3A_390, %get3A_391] {strides = array<i32>} : memref<16x128xf32, #tpu.memory_space<vmem>>, vector<16xf32>,
    %max3A_393 = arith.maximumf %max3A_388, %get3A_392 : vector<16xf32>
    %get3A_394 = arith.constant 4 : i32
    %get3A_395 = arith.index_cast %get3A_394 : i32 to index
    %get3A_396 = arith.constant 64 : index
    %get3A_397 = tpu.vector_load %arg11[%get3A_395, %get3A_396] {strides = array<i32>} : memref<16x128xf32, #tpu.memory_space<vmem>>, vector<16xf32>,
    %max3A_398 = arith.maximumf %max3A_393, %get3A_397 : vector<16xf32>
    %get3A_399 = arith.constant 5 : i32
    %get3A_400 = arith.index_cast %get3A_399 : i32 to index
    %get3A_401 = arith.constant 64 : index
    %get3A_402 = tpu.vector_load %arg11[%get3A_400, %get3A_401] {strides = array<i32>} : memref<16x128xf32, #tpu.memory_space<vmem>>, vector<16xf32>,
    %max3A_403 = arith.maximumf %max3A_398, %get3A_402 : vector<16xf32>
    %get3A_404 = arith.constant 6 : i32
    %get3A_405 = arith.index_cast %get3A_404 : i32 to index
    %get3A_406 = arith.constant 64 : index
    %get3A_407 = tpu.vector_load %arg11[%get3A_405, %get3A_406] {strides = array<i32>} : memref<16x128xf32, #tpu.memory_space<vmem>>, vector<16xf32>,
    %max3A_408 = arith.maximumf %max3A_403, %get3A_407 : vector<16xf32>
    %get3A_409 = arith.constant 7 : i32
    %get3A_410 = arith.index_cast %get3A_409 : i32 to index
    %get3A_411 = arith.constant 64 : index
    %get3A_412 = tpu.vector_load %arg11[%get3A_410, %get3A_411] {strides = array<i32>} : memref<16x128xf32, #tpu.memory_space<vmem>>, vector<16xf32>,
    %max3A_413 = arith.maximumf %max3A_408, %get3A_412 : vector<16xf32>
    %get3A_414 = arith.constant 8 : i32
    %get3A_415 = arith.index_cast %get3A_414 : i32 to index
    %get3A_416 = arith.constant 64 : index
    %get3A_417 = tpu.vector_load %arg11[%get3A_415, %get3A_416] {strides = array<i32>} : memref<16x128xf32, #tpu.memory_space<vmem>>, vector<16xf32>,
    %max3A_418 = arith.maximumf %max3A_413, %get3A_417 : vector<16xf32>
    %get3A_419 = arith.constant 9 : i32
    %get3A_420 = arith.index_cast %get3A_419 : i32 to index
    %get3A_421 = arith.constant 64 : index
    %get3A_422 = tpu.vector_load %arg11[%get3A_420, %get3A_421] {strides = array<i32>} : memref<16x128xf32, #tpu.memory_space<vmem>>, vector<16xf32>,
    %max3A_423 = arith.maximumf %max3A_418, %get3A_422 : vector<16xf32>
    %get3A_424 = arith.constant 10 : i32
    %get3A_425 = arith.index_cast %get3A_424 : i32 to index
    %get3A_426 = arith.constant 64 : index
    %get3A_427 = tpu.vector_load %arg11[%get3A_425, %get3A_426] {strides = array<i32>} : memref<16x128xf32, #tpu.memory_space<vmem>>, vector<16xf32>,
    %max3A_428 = arith.maximumf %max3A_423, %get3A_427 : vector<16xf32>
    %get3A_429 = arith.constant 11 : i32
    %get3A_430 = arith.index_cast %get3A_429 : i32 to index
    %get3A_431 = arith.constant 64 : index
    %get3A_432 = tpu.vector_load %arg11[%get3A_430, %get3A_431] {strides = array<i32>} : memref<16x128xf32, #tpu.memory_space<vmem>>, vector<16xf32>,
    %max3A_433 = arith.maximumf %max3A_428, %get3A_432 : vector<16xf32>
    %get3A_434 = arith.constant 12 : i32
    %get3A_435 = arith.index_cast %get3A_434 : i32 to index
    %get3A_436 = arith.constant 64 : index
    %get3A_437 = tpu.vector_load %arg11[%get3A_435, %get3A_436] {strides = array<i32>} : memref<16x128xf32, #tpu.memory_space<vmem>>, vector<16xf32>,
    %max3A_438 = arith.maximumf %max3A_433, %get3A_437 : vector<16xf32>
    %get3A_439 = arith.constant 13 : i32
    %get3A_440 = arith.index_cast %get3A_439 : i32 to index
    %get3A_441 = arith.constant 64 : index
    %get3A_442 = tpu.vector_load %arg11[%get3A_440, %get3A_441] {strides = array<i32>} : memref<16x128xf32, #tpu.memory_space<vmem>>, vector<16xf32>,
    %max3A_443 = arith.maximumf %max3A_438, %get3A_442 : vector<16xf32>
    %get3A_444 = arith.constant 14 : i32
    %get3A_445 = arith.index_cast %get3A_444 : i32 to index
    %get3A_446 = arith.constant 64 : index
    %get3A_447 = tpu.vector_load %arg11[%get3A_445, %get3A_446] {strides = array<i32>} : memref<16x128xf32, #tpu.memory_space<vmem>>, vector<16xf32>,
    %max3A_448 = arith.maximumf %max3A_443, %get3A_447 : vector<16xf32>
    %get3A_449 = arith.constant 15 : i32
    %get3A_450 = arith.index_cast %get3A_449 : i32 to index
    %get3A_451 = arith.constant 64 : index
    %get3A_452 = tpu.vector_load %arg11[%get3A_450, %get3A_451] {strides = array<i32>} : memref<16x128xf32, #tpu.memory_space<vmem>>, vector<16xf32>,
    %max3A_453 = arith.maximumf %max3A_448, %get3A_452 : vector<16xf32>
    %swap3A_454 = arith.constant 64 : index
    %swap3A_455 = tpu.vector_load %arg9[%swap3A_454] {strides = array<i32>} : memref<128xf32, #tpu.memory_space<vmem>>, vector<16xf32>,
    tpu.vector_store %arg9[%swap3A_454], %max3A_453 {strides = array<i32>} : memref<128xf32, #tpu.memory_space<vmem>>, vector<16xf32>,
    %broadcast_in_dim3A_456 = arith.constant -1.000000e+30 : f32
    %broadcast_in_dim3A_457 = vector.broadcast %broadcast_in_dim3A_456 : f32 to vector<16xf32>
    %get3A_458 = arith.constant 0 : i32
    %get3A_459 = arith.index_cast %get3A_458 : i32 to index
    %get3A_460 = arith.constant 80 : index
    %get3A_461 = tpu.vector_load %arg11[%get3A_459, %get3A_460] {strides = array<i32>} : memref<16x128xf32, #tpu.memory_space<vmem>>, vector<16xf32>,
    %max3A_462 = arith.maximumf %broadcast_in_dim3A_457, %get3A_461 : vector<16xf32>
    %get3A_463 = arith.constant 1 : i32
    %get3A_464 = arith.index_cast %get3A_463 : i32 to index
    %get3A_465 = arith.constant 80 : index
    %get3A_466 = tpu.vector_load %arg11[%get3A_464, %get3A_465] {strides = array<i32>} : memref<16x128xf32, #tpu.memory_space<vmem>>, vector<16xf32>,
    %max3A_467 = arith.maximumf %max3A_462, %get3A_466 : vector<16xf32>
    %get3A_468 = arith.constant 2 : i32
    %get3A_469 = arith.index_cast %get3A_468 : i32 to index
    %get3A_470 = arith.constant 80 : index
    %get3A_471 = tpu.vector_load %arg11[%get3A_469, %get3A_470] {strides = array<i32>} : memref<16x128xf32, #tpu.memory_space<vmem>>, vector<16xf32>,
    %max3A_472 = arith.maximumf %max3A_467, %get3A_471 : vector<16xf32>
    %get3A_473 = arith.constant 3 : i32
    %get3A_474 = arith.index_cast %get3A_473 : i32 to index
    %get3A_475 = arith.constant 80 : index
    %get3A_476 = tpu.vector_load %arg11[%get3A_474, %get3A_475] {strides = array<i32>} : memref<16x128xf32, #tpu.memory_space<vmem>>, vector<16xf32>,
    %max3A_477 = arith.maximumf %max3A_472, %get3A_476 : vector<16xf32>
    %get3A_478 = arith.constant 4 : i32
    %get3A_479 = arith.index_cast %get3A_478 : i32 to index
    %get3A_480 = arith.constant 80 : index
    %get3A_481 = tpu.vector_load %arg11[%get3A_479, %get3A_480] {strides = array<i32>} : memref<16x128xf32, #tpu.memory_space<vmem>>, vector<16xf32>,
    %max3A_482 = arith.maximumf %max3A_477, %get3A_481 : vector<16xf32>
    %get3A_483 = arith.constant 5 : i32
    %get3A_484 = arith.index_cast %get3A_483 : i32 to index
    %get3A_485 = arith.constant 80 : index
    %get3A_486 = tpu.vector_load %arg11[%get3A_484, %get3A_485] {strides = array<i32>} : memref<16x128xf32, #tpu.memory_space<vmem>>, vector<16xf32>,
    %max3A_487 = arith.maximumf %max3A_482, %get3A_486 : vector<16xf32>
    %get3A_488 = arith.constant 6 : i32
    %get3A_489 = arith.index_cast %get3A_488 : i32 to index
    %get3A_490 = arith.constant 80 : index
    %get3A_491 = tpu.vector_load %arg11[%get3A_489, %get3A_490] {strides = array<i32>} : memref<16x128xf32, #tpu.memory_space<vmem>>, vector<16xf32>,
    %max3A_492 = arith.maximumf %max3A_487, %get3A_491 : vector<16xf32>
    %get3A_493 = arith.constant 7 : i32
    %get3A_494 = arith.index_cast %get3A_493 : i32 to index
    %get3A_495 = arith.constant 80 : index
    %get3A_496 = tpu.vector_load %arg11[%get3A_494, %get3A_495] {strides = array<i32>} : memref<16x128xf32, #tpu.memory_space<vmem>>, vector<16xf32>,
    %max3A_497 = arith.maximumf %max3A_492, %get3A_496 : vector<16xf32>
    %get3A_498 = arith.constant 8 : i32
    %get3A_499 = arith.index_cast %get3A_498 : i32 to index
    %get3A_500 = arith.constant 80 : index
    %get3A_501 = tpu.vector_load %arg11[%get3A_499, %get3A_500] {strides = array<i32>} : memref<16x128xf32, #tpu.memory_space<vmem>>, vector<16xf32>,
    %max3A_502 = arith.maximumf %max3A_497, %get3A_501 : vector<16xf32>
    %get3A_503 = arith.constant 9 : i32
    %get3A_504 = arith.index_cast %get3A_503 : i32 to index
    %get3A_505 = arith.constant 80 : index
    %get3A_506 = tpu.vector_load %arg11[%get3A_504, %get3A_505] {strides = array<i32>} : memref<16x128xf32, #tpu.memory_space<vmem>>, vector<16xf32>,
    %max3A_507 = arith.maximumf %max3A_502, %get3A_506 : vector<16xf32>
    %get3A_508 = arith.constant 10 : i32
    %get3A_509 = arith.index_cast %get3A_508 : i32 to index
    %get3A_510 = arith.constant 80 : index
    %get3A_511 = tpu.vector_load %arg11[%get3A_509, %get3A_510] {strides = array<i32>} : memref<16x128xf32, #tpu.memory_space<vmem>>, vector<16xf32>,
    %max3A_512 = arith.maximumf %max3A_507, %get3A_511 : vector<16xf32>
    %get3A_513 = arith.constant 11 : i32
    %get3A_514 = arith.index_cast %get3A_513 : i32 to index
    %get3A_515 = arith.constant 80 : index
    %get3A_516 = tpu.vector_load %arg11[%get3A_514, %get3A_515] {strides = array<i32>} : memref<16x128xf32, #tpu.memory_space<vmem>>, vector<16xf32>,
    %max3A_517 = arith.maximumf %max3A_512, %get3A_516 : vector<16xf32>
    %get3A_518 = arith.constant 12 : i32
    %get3A_519 = arith.index_cast %get3A_518 : i32 to index
    %get3A_520 = arith.constant 80 : index
    %get3A_521 = tpu.vector_load %arg11[%get3A_519, %get3A_520] {strides = array<i32>} : memref<16x128xf32, #tpu.memory_space<vmem>>, vector<16xf32>,
    %max3A_522 = arith.maximumf %max3A_517, %get3A_521 : vector<16xf32>
    %get3A_523 = arith.constant 13 : i32
    %get3A_524 = arith.index_cast %get3A_523 : i32 to index
    %get3A_525 = arith.constant 80 : index
    %get3A_526 = tpu.vector_load %arg11[%get3A_524, %get3A_525] {strides = array<i32>} : memref<16x128xf32, #tpu.memory_space<vmem>>, vector<16xf32>,
    %max3A_527 = arith.maximumf %max3A_522, %get3A_526 : vector<16xf32>
    %get3A_528 = arith.constant 14 : i32
    %get3A_529 = arith.index_cast %get3A_528 : i32 to index
    %get3A_530 = arith.constant 80 : index
    %get3A_531 = tpu.vector_load %arg11[%get3A_529, %get3A_530] {strides = array<i32>} : memref<16x128xf32, #tpu.memory_space<vmem>>, vector<16xf32>,
    %max3A_532 = arith.maximumf %max3A_527, %get3A_531 : vector<16xf32>
    %get3A_533 = arith.constant 15 : i32
    %get3A_534 = arith.index_cast %get3A_533 : i32 to index
    %get3A_535 = arith.constant 80 : index
    %get3A_536 = tpu.vector_load %arg11[%get3A_534, %get3A_535] {strides = array<i32>} : memref<16x128xf32, #tpu.memory_space<vmem>>, vector<16xf32>,
    %max3A_537 = arith.maximumf %max3A_532, %get3A_536 : vector<16xf32>
    %swap3A_538 = arith.constant 80 : index
    %swap3A_539 = tpu.vector_load %arg9[%swap3A_538] {strides = array<i32>} : memref<128xf32, #tpu.memory_space<vmem>>, vector<16xf32>,
    tpu.vector_store %arg9[%swap3A_538], %max3A_537 {strides = array<i32>} : memref<128xf32, #tpu.memory_space<vmem>>, vector<16xf32>,
    %broadcast_in_dim3A_540 = arith.constant -1.000000e+30 : f32
    %broadcast_in_dim3A_541 = vector.broadcast %broadcast_in_dim3A_540 : f32 to vector<16xf32>
    %get3A_542 = arith.constant 0 : i32
    %get3A_543 = arith.index_cast %get3A_542 : i32 to index
    %get3A_544 = arith.constant 96 : index
    %get3A_545 = tpu.vector_load %arg11[%get3A_543, %get3A_544] {strides = array<i32>} : memref<16x128xf32, #tpu.memory_space<vmem>>, vector<16xf32>,
    %max3A_546 = arith.maximumf %broadcast_in_dim3A_541, %get3A_545 : vector<16xf32>
    %get3A_547 = arith.constant 1 : i32
    %get3A_548 = arith.index_cast %get3A_547 : i32 to index
    %get3A_549 = arith.constant 96 : index
    %get3A_550 = tpu.vector_load %arg11[%get3A_548, %get3A_549] {strides = array<i32>} : memref<16x128xf32, #tpu.memory_space<vmem>>, vector<16xf32>,
    %max3A_551 = arith.maximumf %max3A_546, %get3A_550 : vector<16xf32>
    %get3A_552 = arith.constant 2 : i32
    %get3A_553 = arith.index_cast %get3A_552 : i32 to index
    %get3A_554 = arith.constant 96 : index
    %get3A_555 = tpu.vector_load %arg11[%get3A_553, %get3A_554] {strides = array<i32>} : memref<16x128xf32, #tpu.memory_space<vmem>>, vector<16xf32>,
    %max3A_556 = arith.maximumf %max3A_551, %get3A_555 : vector<16xf32>
    %get3A_557 = arith.constant 3 : i32
    %get3A_558 = arith.index_cast %get3A_557 : i32 to index
    %get3A_559 = arith.constant 96 : index
    %get3A_560 = tpu.vector_load %arg11[%get3A_558, %get3A_559] {strides = array<i32>} : memref<16x128xf32, #tpu.memory_space<vmem>>, vector<16xf32>,
    %max3A_561 = arith.maximumf %max3A_556, %get3A_560 : vector<16xf32>
    %get3A_562 = arith.constant 4 : i32
    %get3A_563 = arith.index_cast %get3A_562 : i32 to index
    %get3A_564 = arith.constant 96 : index
    %get3A_565 = tpu.vector_load %arg11[%get3A_563, %get3A_564] {strides = array<i32>} : memref<16x128xf32, #tpu.memory_space<vmem>>, vector<16xf32>,
    %max3A_566 = arith.maximumf %max3A_561, %get3A_565 : vector<16xf32>
    %get3A_567 = arith.constant 5 : i32
    %get3A_568 = arith.index_cast %get3A_567 : i32 to index
    %get3A_569 = arith.constant 96 : index
    %get3A_570 = tpu.vector_load %arg11[%get3A_568, %get3A_569] {strides = array<i32>} : memref<16x128xf32, #tpu.memory_space<vmem>>, vector<16xf32>,
    %max3A_571 = arith.maximumf %max3A_566, %get3A_570 : vector<16xf32>
    %get3A_572 = arith.constant 6 : i32
    %get3A_573 = arith.index_cast %get3A_572 : i32 to index
    %get3A_574 = arith.constant 96 : index
    %get3A_575 = tpu.vector_load %arg11[%get3A_573, %get3A_574] {strides = array<i32>} : memref<16x128xf32, #tpu.memory_space<vmem>>, vector<16xf32>,
    %max3A_576 = arith.maximumf %max3A_571, %get3A_575 : vector<16xf32>
    %get3A_577 = arith.constant 7 : i32
    %get3A_578 = arith.index_cast %get3A_577 : i32 to index
    %get3A_579 = arith.constant 96 : index
    %get3A_580 = tpu.vector_load %arg11[%get3A_578, %get3A_579] {strides = array<i32>} : memref<16x128xf32, #tpu.memory_space<vmem>>, vector<16xf32>,
    %max3A_581 = arith.maximumf %max3A_576, %get3A_580 : vector<16xf32>
    %get3A_582 = arith.constant 8 : i32
    %get3A_583 = arith.index_cast %get3A_582 : i32 to index
    %get3A_584 = arith.constant 96 : index
    %get3A_585 = tpu.vector_load %arg11[%get3A_583, %get3A_584] {strides = array<i32>} : memref<16x128xf32, #tpu.memory_space<vmem>>, vector<16xf32>,
    %max3A_586 = arith.maximumf %max3A_581, %get3A_585 : vector<16xf32>
    %get3A_587 = arith.constant 9 : i32
    %get3A_588 = arith.index_cast %get3A_587 : i32 to index
    %get3A_589 = arith.constant 96 : index
    %get3A_590 = tpu.vector_load %arg11[%get3A_588, %get3A_589] {strides = array<i32>} : memref<16x128xf32, #tpu.memory_space<vmem>>, vector<16xf32>,
    %max3A_591 = arith.maximumf %max3A_586, %get3A_590 : vector<16xf32>
    %get3A_592 = arith.constant 10 : i32
    %get3A_593 = arith.index_cast %get3A_592 : i32 to index
    %get3A_594 = arith.constant 96 : index
    %get3A_595 = tpu.vector_load %arg11[%get3A_593, %get3A_594] {strides = array<i32>} : memref<16x128xf32, #tpu.memory_space<vmem>>, vector<16xf32>,
    %max3A_596 = arith.maximumf %max3A_591, %get3A_595 : vector<16xf32>
    %get3A_597 = arith.constant 11 : i32
    %get3A_598 = arith.index_cast %get3A_597 : i32 to index
    %get3A_599 = arith.constant 96 : index
    %get3A_600 = tpu.vector_load %arg11[%get3A_598, %get3A_599] {strides = array<i32>} : memref<16x128xf32, #tpu.memory_space<vmem>>, vector<16xf32>,
    %max3A_601 = arith.maximumf %max3A_596, %get3A_600 : vector<16xf32>
    %get3A_602 = arith.constant 12 : i32
    %get3A_603 = arith.index_cast %get3A_602 : i32 to index
    %get3A_604 = arith.constant 96 : index
    %get3A_605 = tpu.vector_load %arg11[%get3A_603, %get3A_604] {strides = array<i32>} : memref<16x128xf32, #tpu.memory_space<vmem>>, vector<16xf32>,
    %max3A_606 = arith.maximumf %max3A_601, %get3A_605 : vector<16xf32>
    %get3A_607 = arith.constant 13 : i32
    %get3A_608 = arith.index_cast %get3A_607 : i32 to index
    %get3A_609 = arith.constant 96 : index
    %get3A_610 = tpu.vector_load %arg11[%get3A_608, %get3A_609] {strides = array<i32>} : memref<16x128xf32, #tpu.memory_space<vmem>>, vector<16xf32>,
    %max3A_611 = arith.maximumf %max3A_606, %get3A_610 : vector<16xf32>
    %get3A_612 = arith.constant 14 : i32
    %get3A_613 = arith.index_cast %get3A_612 : i32 to index
    %get3A_614 = arith.constant 96 : index
    %get3A_615 = tpu.vector_load %arg11[%get3A_613, %get3A_614] {strides = array<i32>} : memref<16x128xf32, #tpu.memory_space<vmem>>, vector<16xf32>,
    %max3A_616 = arith.maximumf %max3A_611, %get3A_615 : vector<16xf32>
    %get3A_617 = arith.constant 15 : i32
    %get3A_618 = arith.index_cast %get3A_617 : i32 to index
    %get3A_619 = arith.constant 96 : index
    %get3A_620 = tpu.vector_load %arg11[%get3A_618, %get3A_619] {strides = array<i32>} : memref<16x128xf32, #tpu.memory_space<vmem>>, vector<16xf32>,
    %max3A_621 = arith.maximumf %max3A_616, %get3A_620 : vector<16xf32>
    %swap3A_622 = arith.constant 96 : index
    %swap3A_623 = tpu.vector_load %arg9[%swap3A_622] {strides = array<i32>} : memref<128xf32, #tpu.memory_space<vmem>>, vector<16xf32>,
    tpu.vector_store %arg9[%swap3A_622], %max3A_621 {strides = array<i32>} : memref<128xf32, #tpu.memory_space<vmem>>, vector<16xf32>,
    %broadcast_in_dim3A_624 = arith.constant -1.000000e+30 : f32
    %broadcast_in_dim3A_625 = vector.broadcast %broadcast_in_dim3A_624 : f32 to vector<16xf32>
    %get3A_626 = arith.constant 0 : i32
    %get3A_627 = arith.index_cast %get3A_626 : i32 to index
    %get3A_628 = arith.constant 112 : index
    %get3A_629 = tpu.vector_load %arg11[%get3A_627, %get3A_628] {strides = array<i32>} : memref<16x128xf32, #tpu.memory_space<vmem>>, vector<16xf32>,
    %max3A_630 = arith.maximumf %broadcast_in_dim3A_625, %get3A_629 : vector<16xf32>
    %get3A_631 = arith.constant 1 : i32
    %get3A_632 = arith.index_cast %get3A_631 : i32 to index
    %get3A_633 = arith.constant 112 : index
    %get3A_634 = tpu.vector_load %arg11[%get3A_632, %get3A_633] {strides = array<i32>} : memref<16x128xf32, #tpu.memory_space<vmem>>, vector<16xf32>,
    %max3A_635 = arith.maximumf %max3A_630, %get3A_634 : vector<16xf32>
    %get3A_636 = arith.constant 2 : i32
    %get3A_637 = arith.index_cast %get3A_636 : i32 to index
    %get3A_638 = arith.constant 112 : index
    %get3A_639 = tpu.vector_load %arg11[%get3A_637, %get3A_638] {strides = array<i32>} : memref<16x128xf32, #tpu.memory_space<vmem>>, vector<16xf32>,
    %max3A_640 = arith.maximumf %max3A_635, %get3A_639 : vector<16xf32>
    %get3A_641 = arith.constant 3 : i32
    %get3A_642 = arith.index_cast %get3A_641 : i32 to index
    %get3A_643 = arith.constant 112 : index
    %get3A_644 = tpu.vector_load %arg11[%get3A_642, %get3A_643] {strides = array<i32>} : memref<16x128xf32, #tpu.memory_space<vmem>>, vector<16xf32>,
    %max3A_645 = arith.maximumf %max3A_640, %get3A_644 : vector<16xf32>
    %get3A_646 = arith.constant 4 : i32
    %get3A_647 = arith.index_cast %get3A_646 : i32 to index
    %get3A_648 = arith.constant 112 : index
    %get3A_649 = tpu.vector_load %arg11[%get3A_647, %get3A_648] {strides = array<i32>} : memref<16x128xf32, #tpu.memory_space<vmem>>, vector<16xf32>,
    %max3A_650 = arith.maximumf %max3A_645, %get3A_649 : vector<16xf32>
    %get3A_651 = arith.constant 5 : i32
    %get3A_652 = arith.index_cast %get3A_651 : i32 to index
    %get3A_653 = arith.constant 112 : index
    %get3A_654 = tpu.vector_load %arg11[%get3A_652, %get3A_653] {strides = array<i32>} : memref<16x128xf32, #tpu.memory_space<vmem>>, vector<16xf32>,
    %max3A_655 = arith.maximumf %max3A_650, %get3A_654 : vector<16xf32>
    %get3A_656 = arith.constant 6 : i32
    %get3A_657 = arith.index_cast %get3A_656 : i32 to index
    %get3A_658 = arith.constant 112 : index
    %get3A_659 = tpu.vector_load %arg11[%get3A_657, %get3A_658] {strides = array<i32>} : memref<16x128xf32, #tpu.memory_space<vmem>>, vector<16xf32>,
    %max3A_660 = arith.maximumf %max3A_655, %get3A_659 : vector<16xf32>
    %get3A_661 = arith.constant 7 : i32
    %get3A_662 = arith.index_cast %get3A_661 : i32 to index
    %get3A_663 = arith.constant 112 : index
    %get3A_664 = tpu.vector_load %arg11[%get3A_662, %get3A_663] {strides = array<i32>} : memref<16x128xf32, #tpu.memory_space<vmem>>, vector<16xf32>,
    %max3A_665 = arith.maximumf %max3A_660, %get3A_664 : vector<16xf32>
    %get3A_666 = arith.constant 8 : i32
    %get3A_667 = arith.index_cast %get3A_666 : i32 to index
    %get3A_668 = arith.constant 112 : index
    %get3A_669 = tpu.vector_load %arg11[%get3A_667, %get3A_668] {strides = array<i32>} : memref<16x128xf32, #tpu.memory_space<vmem>>, vector<16xf32>,
    %max3A_670 = arith.maximumf %max3A_665, %get3A_669 : vector<16xf32>
    %get3A_671 = arith.constant 9 : i32
    %get3A_672 = arith.index_cast %get3A_671 : i32 to index
    %get3A_673 = arith.constant 112 : index
    %get3A_674 = tpu.vector_load %arg11[%get3A_672, %get3A_673] {strides = array<i32>} : memref<16x128xf32, #tpu.memory_space<vmem>>, vector<16xf32>,
    %max3A_675 = arith.maximumf %max3A_670, %get3A_674 : vector<16xf32>
    %get3A_676 = arith.constant 10 : i32
    %get3A_677 = arith.index_cast %get3A_676 : i32 to index
    %get3A_678 = arith.constant 112 : index
    %get3A_679 = tpu.vector_load %arg11[%get3A_677, %get3A_678] {strides = array<i32>} : memref<16x128xf32, #tpu.memory_space<vmem>>, vector<16xf32>,
    %max3A_680 = arith.maximumf %max3A_675, %get3A_679 : vector<16xf32>
    %get3A_681 = arith.constant 11 : i32
    %get3A_682 = arith.index_cast %get3A_681 : i32 to index
    %get3A_683 = arith.constant 112 : index
    %get3A_684 = tpu.vector_load %arg11[%get3A_682, %get3A_683] {strides = array<i32>} : memref<16x128xf32, #tpu.memory_space<vmem>>, vector<16xf32>,
    %max3A_685 = arith.maximumf %max3A_680, %get3A_684 : vector<16xf32>
    %get3A_686 = arith.constant 12 : i32
    %get3A_687 = arith.index_cast %get3A_686 : i32 to index
    %get3A_688 = arith.constant 112 : index
    %get3A_689 = tpu.vector_load %arg11[%get3A_687, %get3A_688] {strides = array<i32>} : memref<16x128xf32, #tpu.memory_space<vmem>>, vector<16xf32>,
    %max3A_690 = arith.maximumf %max3A_685, %get3A_689 : vector<16xf32>
    %get3A_691 = arith.constant 13 : i32
    %get3A_692 = arith.index_cast %get3A_691 : i32 to index
    %get3A_693 = arith.constant 112 : index
    %get3A_694 = tpu.vector_load %arg11[%get3A_692, %get3A_693] {strides = array<i32>} : memref<16x128xf32, #tpu.memory_space<vmem>>, vector<16xf32>,
    %max3A_695 = arith.maximumf %max3A_690, %get3A_694 : vector<16xf32>
    %get3A_696 = arith.constant 14 : i32
    %get3A_697 = arith.index_cast %get3A_696 : i32 to index
    %get3A_698 = arith.constant 112 : index
    %get3A_699 = tpu.vector_load %arg11[%get3A_697, %get3A_698] {strides = array<i32>} : memref<16x128xf32, #tpu.memory_space<vmem>>, vector<16xf32>,
    %max3A_700 = arith.maximumf %max3A_695, %get3A_699 : vector<16xf32>
    %get3A_701 = arith.constant 15 : i32
    %get3A_702 = arith.index_cast %get3A_701 : i32 to index
    %get3A_703 = arith.constant 112 : index
    %get3A_704 = tpu.vector_load %arg11[%get3A_702, %get3A_703] {strides = array<i32>} : memref<16x128xf32, #tpu.memory_space<vmem>>, vector<16xf32>,
    %max3A_705 = arith.maximumf %max3A_700, %get3A_704 : vector<16xf32>
    %swap3A_706 = arith.constant 112 : index
    %swap3A_707 = tpu.vector_load %arg9[%swap3A_706] {strides = array<i32>} : memref<128xf32, #tpu.memory_space<vmem>>, vector<16xf32>,
    tpu.vector_store %arg9[%swap3A_706], %max3A_705 {strides = array<i32>} : memref<128xf32, #tpu.memory_space<vmem>>, vector<16xf32>,
    %broadcast_in_dim3A_708 = arith.constant 0.000000e+00 : f32
    %broadcast_in_dim3A_709 = vector.broadcast %broadcast_in_dim3A_708 : f32 to vector<16xf32>
    %swap3A_710 = arith.constant 0 : index
    %swap3A_711 = tpu.vector_load %arg10[%swap3A_710] {strides = array<i32>} : memref<128xf32, #tpu.memory_space<vmem>>, vector<16xf32>,
    tpu.vector_store %arg10[%swap3A_710], %broadcast_in_dim3A_709 {strides = array<i32>} : memref<128xf32, #tpu.memory_space<vmem>>, vector<16xf32>,
    %broadcast_in_dim3A_712 = arith.constant 0.000000e+00 : f32
    %broadcast_in_dim3A_713 = vector.broadcast %broadcast_in_dim3A_712 : f32 to vector<16xf32>
    %swap3A_714 = arith.constant 16 : index
    %swap3A_715 = tpu.vector_load %arg10[%swap3A_714] {strides = array<i32>} : memref<128xf32, #tpu.memory_space<vmem>>, vector<16xf32>,
    tpu.vector_store %arg10[%swap3A_714], %broadcast_in_dim3A_713 {strides = array<i32>} : memref<128xf32, #tpu.memory_space<vmem>>, vector<16xf32>,
    %broadcast_in_dim3A_716 = arith.constant 0.000000e+00 : f32
    %broadcast_in_dim3A_717 = vector.broadcast %broadcast_in_dim3A_716 : f32 to vector<16xf32>
    %swap3A_718 = arith.constant 32 : index
    %swap3A_719 = tpu.vector_load %arg10[%swap3A_718] {strides = array<i32>} : memref<128xf32, #tpu.memory_space<vmem>>, vector<16xf32>,
    tpu.vector_store %arg10[%swap3A_718], %broadcast_in_dim3A_717 {strides = array<i32>} : memref<128xf32, #tpu.memory_space<vmem>>, vector<16xf32>,
    %broadcast_in_dim3A_720 = arith.constant 0.000000e+00 : f32
    %broadcast_in_dim3A_721 = vector.broadcast %broadcast_in_dim3A_720 : f32 to vector<16xf32>
    %swap3A_722 = arith.constant 48 : index
    %swap3A_723 = tpu.vector_load %arg10[%swap3A_722] {strides = array<i32>} : memref<128xf32, #tpu.memory_space<vmem>>, vector<16xf32>,
    tpu.vector_store %arg10[%swap3A_722], %broadcast_in_dim3A_721 {strides = array<i32>} : memref<128xf32, #tpu.memory_space<vmem>>, vector<16xf32>,
    %broadcast_in_dim3A_724 = arith.constant 0.000000e+00 : f32
    %broadcast_in_dim3A_725 = vector.broadcast %broadcast_in_dim3A_724 : f32 to vector<16xf32>
    %swap3A_726 = arith.constant 64 : index
    %swap3A_727 = tpu.vector_load %arg10[%swap3A_726] {strides = array<i32>} : memref<128xf32, #tpu.memory_space<vmem>>, vector<16xf32>,
    tpu.vector_store %arg10[%swap3A_726], %broadcast_in_dim3A_725 {strides = array<i32>} : memref<128xf32, #tpu.memory_space<vmem>>, vector<16xf32>,
    %broadcast_in_dim3A_728 = arith.constant 0.000000e+00 : f32
    %broadcast_in_dim3A_729 = vector.broadcast %broadcast_in_dim3A_728 : f32 to vector<16xf32>
    %swap3A_730 = arith.constant 80 : index
    %swap3A_731 = tpu.vector_load %arg10[%swap3A_730] {strides = array<i32>} : memref<128xf32, #tpu.memory_space<vmem>>, vector<16xf32>,
    tpu.vector_store %arg10[%swap3A_730], %broadcast_in_dim3A_729 {strides = array<i32>} : memref<128xf32, #tpu.memory_space<vmem>>, vector<16xf32>,
    %broadcast_in_dim3A_732 = arith.constant 0.000000e+00 : f32
    %broadcast_in_dim3A_733 = vector.broadcast %broadcast_in_dim3A_732 : f32 to vector<16xf32>
    %swap3A_734 = arith.constant 96 : index
    %swap3A_735 = tpu.vector_load %arg10[%swap3A_734] {strides = array<i32>} : memref<128xf32, #tpu.memory_space<vmem>>, vector<16xf32>,
    tpu.vector_store %arg10[%swap3A_734], %broadcast_in_dim3A_733 {strides = array<i32>} : memref<128xf32, #tpu.memory_space<vmem>>, vector<16xf32>,
    %broadcast_in_dim3A_736 = arith.constant 0.000000e+00 : f32
    %broadcast_in_dim3A_737 = vector.broadcast %broadcast_in_dim3A_736 : f32 to vector<16xf32>
    %swap3A_738 = arith.constant 112 : index
    %swap3A_739 = tpu.vector_load %arg10[%swap3A_738] {strides = array<i32>} : memref<128xf32, #tpu.memory_space<vmem>>, vector<16xf32>,
    tpu.vector_store %arg10[%swap3A_738], %broadcast_in_dim3A_737 {strides = array<i32>} : memref<128xf32, #tpu.memory_space<vmem>>, vector<16xf32>,
    %scan3A_740 = arith.constant 0 : i32
    %scan3A_741 = arith.constant 0 : i32
    %scan3A_742 = arith.constant 391 : i32
    %scan3A_743 = arith.addi %scan3A_741, %scan3A_742 : i32
    %scan3A_744 = arith.constant 1 : i32
    scf.for %scan3A_753 = %scan3A_741 to %scan3A_743 step %scan3A_744  : i32 {
      %mul3A_754 = arith.constant 16 : i32
      %mul3A_755 = arith.muli %scan3A_753, %mul3A_754 : i32
      %get3A_756 = arith.index_cast %mul3A_755 : i32 to index
      %get3A_757 = tpu.vector_load %arg6[%get3A_756] {strides = array<i32>} : memref<6256xi32, #tpu.memory_space<vmem>>, vector<16xi32>,
      %mul3A_758 = arith.constant 16 : i32
      %mul3A_759 = arith.muli %scan3A_753, %mul3A_758 : i32
      %get3A_760 = arith.index_cast %mul3A_759 : i32 to index
      %get3A_761 = tpu.vector_load %arg7[%get3A_760] {strides = array<i32>} : memref<6256xf32, #tpu.memory_space<vmem>>, vector<16xf32>,
      %gather3A = tpu.vector_load_idx %arg9[%get3A_757] : memref<128xf32, #tpu.memory_space<vmem>>[vector<16xi32>], vector<16xf32>,
      %sub3A = arith.subf %get3A_761, %gather3A : vector<16xf32>
      %exp3A = math.exp %sub3A : vector<16xf32>
      %mul3A_762 = arith.constant 16 : i32
      %mul3A_763 = arith.muli %scan3A_753, %mul3A_762 : i32
      %swap3A_764 = arith.index_cast %mul3A_763 : i32 to index
      %swap3A_765 = tpu.vector_load %arg8[%swap3A_764] {strides = array<i32>} : memref<6256xf32, #tpu.memory_space<vmem>>, vector<16xf32>,
      tpu.vector_store %arg8[%swap3A_764], %exp3A {strides = array<i32>} : memref<6256xf32, #tpu.memory_space<vmem>>, vector<16xf32>,
      %sub3A_766 = arith.constant 1 : i32
      %sub3A_767 = vector.broadcast %sub3A_766 : i32 to vector<16xi32>
      %sub3A_768 = arith.subi %iota3A, %sub3A_767 : vector<16xi32>
      %max3A_769 = arith.constant 0 : i32
      %max3A_770 = vector.broadcast %max3A_769 : i32 to vector<16xi32>
      %max3A_771 = arith.maxsi %sub3A_768, %max3A_770 : vector<16xi32>
      %lt3A = arith.constant 0 : i32
      %lt3A_772 = vector.broadcast %lt3A : i32 to vector<16xi32>
      %lt3A_773 = arith.cmpi slt, %max3A_771, %lt3A_772 : vector<16xi32>
      %add3A_774 = arith.constant 16 : i32
      %add3A_775 = vector.broadcast %add3A_774 : i32 to vector<16xi32>
      %add3A_776 = arith.addi %max3A_771, %add3A_775 : vector<16xi32>
      %select_n3A = arith.select %lt3A_773, %add3A_776, %max3A_771 : vector<16xi1>, vector<16xi32>
      %broadcast_in_dim3A_777 = vector.shape_cast %select_n3A : vector<16xi32> to vector<16x1xi32>
      %gather3A_778 = vector.shape_cast %broadcast_in_dim3A_777 : vector<16x1xi32> to vector<16xi32>
      %gather3A_779 = tpu.dynamic_gather %get3A_757[%gather3A_778] in [0] : vector<16xi32>, vector<16xi32> -> vector<16xi32>
      %lt3A_780 = arith.constant 0 : i32
      %lt3A_781 = vector.broadcast %lt3A_780 : i32 to vector<16xi32>
      %lt3A_782 = arith.cmpi slt, %max3A_771, %lt3A_781 : vector<16xi32>
      %add3A_783 = arith.constant 16 : i32
      %add3A_784 = vector.broadcast %add3A_783 : i32 to vector<16xi32>
      %add3A_785 = arith.addi %max3A_771, %add3A_784 : vector<16xi32>
      %select_n3A_786 = arith.select %lt3A_782, %add3A_785, %max3A_771 : vector<16xi1>, vector<16xi32>
      %broadcast_in_dim3A_787 = vector.shape_cast %select_n3A_786 : vector<16xi32> to vector<16x1xi32>
      %gather3A_788 = vector.shape_cast %broadcast_in_dim3A_787 : vector<16x1xi32> to vector<16xi32>
      %gather3A_789 = tpu.dynamic_gather %exp3A[%gather3A_788] in [0] : vector<16xf32>, vector<16xi32> -> vector<16xf32>
      %ge3A = arith.constant 1 : i32
      %ge3A_790 = vector.broadcast %ge3A : i32 to vector<16xi32>
      %ge3A_791 = arith.cmpi sge, %iota3A, %ge3A_790 : vector<16xi32>
      %eq3A_792 = arith.cmpi eq, %gather3A_779, %get3A_757 : vector<16xi32>
      %and3A = arith.andi %ge3A_791, %eq3A_792 : vector<16xi1>
      %add3A_793 = arith.addf %exp3A, %gather3A_789 : vector<16xf32>
      %select_n3A_794 = arith.select %and3A, %add3A_793, %exp3A : vector<16xi1>, vector<16xf32>
      %sub3A_795 = arith.constant 2 : i32
      %sub3A_796 = vector.broadcast %sub3A_795 : i32 to vector<16xi32>
      %sub3A_797 = arith.subi %iota3A, %sub3A_796 : vector<16xi32>
      %max3A_798 = arith.constant 0 : i32
      %max3A_799 = vector.broadcast %max3A_798 : i32 to vector<16xi32>
      %max3A_800 = arith.maxsi %sub3A_797, %max3A_799 : vector<16xi32>
      %lt3A_801 = arith.constant 0 : i32
      %lt3A_802 = vector.broadcast %lt3A_801 : i32 to vector<16xi32>
      %lt3A_803 = arith.cmpi slt, %max3A_800, %lt3A_802 : vector<16xi32>
      %add3A_804 = arith.constant 16 : i32
      %add3A_805 = vector.broadcast %add3A_804 : i32 to vector<16xi32>
      %add3A_806 = arith.addi %max3A_800, %add3A_805 : vector<16xi32>
      %select_n3A_807 = arith.select %lt3A_803, %add3A_806, %max3A_800 : vector<16xi1>, vector<16xi32>
      %broadcast_in_dim3A_808 = vector.shape_cast %select_n3A_807 : vector<16xi32> to vector<16x1xi32>
      %gather3A_809 = vector.shape_cast %broadcast_in_dim3A_808 : vector<16x1xi32> to vector<16xi32>
      %gather3A_810 = tpu.dynamic_gather %get3A_757[%gather3A_809] in [0] : vector<16xi32>, vector<16xi32> -> vector<16xi32>
      %lt3A_811 = arith.constant 0 : i32
      %lt3A_812 = vector.broadcast %lt3A_811 : i32 to vector<16xi32>
      %lt3A_813 = arith.cmpi slt, %max3A_800, %lt3A_812 : vector<16xi32>
      %add3A_814 = arith.constant 16 : i32
      %add3A_815 = vector.broadcast %add3A_814 : i32 to vector<16xi32>
      %add3A_816 = arith.addi %max3A_800, %add3A_815 : vector<16xi32>
      %select_n3A_817 = arith.select %lt3A_813, %add3A_816, %max3A_800 : vector<16xi1>, vector<16xi32>
      %broadcast_in_dim3A_818 = vector.shape_cast %select_n3A_817 : vector<16xi32> to vector<16x1xi32>
      %gather3A_819 = vector.shape_cast %broadcast_in_dim3A_818 : vector<16x1xi32> to vector<16xi32>
      %gather3A_820 = tpu.dynamic_gather %select_n3A_794[%gather3A_819] in [0] : vector<16xf32>, vector<16xi32> -> vector<16xf32>
      %ge3A_821 = arith.constant 2 : i32
      %ge3A_822 = vector.broadcast %ge3A_821 : i32 to vector<16xi32>
      %ge3A_823 = arith.cmpi sge, %iota3A, %ge3A_822 : vector<16xi32>
      %eq3A_824 = arith.cmpi eq, %gather3A_810, %get3A_757 : vector<16xi32>
      %and3A_825 = arith.andi %ge3A_823, %eq3A_824 : vector<16xi1>
      %add3A_826 = arith.addf %select_n3A_794, %gather3A_820 : vector<16xf32>
      %select_n3A_827 = arith.select %and3A_825, %add3A_826, %select_n3A_794 : vector<16xi1>, vector<16xf32>
      %sub3A_828 = arith.constant 4 : i32
      %sub3A_829 = vector.broadcast %sub3A_828 : i32 to vector<16xi32>
      %sub3A_830 = arith.subi %iota3A, %sub3A_829 : vector<16xi32>
      %max3A_831 = arith.constant 0 : i32
      %max3A_832 = vector.broadcast %max3A_831 : i32 to vector<16xi32>
      %max3A_833 = arith.maxsi %sub3A_830, %max3A_832 : vector<16xi32>
      %lt3A_834 = arith.constant 0 : i32
      %lt3A_835 = vector.broadcast %lt3A_834 : i32 to vector<16xi32>
      %lt3A_836 = arith.cmpi slt, %max3A_833, %lt3A_835 : vector<16xi32>
      %add3A_837 = arith.constant 16 : i32
      %add3A_838 = vector.broadcast %add3A_837 : i32 to vector<16xi32>
      %add3A_839 = arith.addi %max3A_833, %add3A_838 : vector<16xi32>
      %select_n3A_840 = arith.select %lt3A_836, %add3A_839, %max3A_833 : vector<16xi1>, vector<16xi32>
      %broadcast_in_dim3A_841 = vector.shape_cast %select_n3A_840 : vector<16xi32> to vector<16x1xi32>
      %gather3A_842 = vector.shape_cast %broadcast_in_dim3A_841 : vector<16x1xi32> to vector<16xi32>
      %gather3A_843 = tpu.dynamic_gather %get3A_757[%gather3A_842] in [0] : vector<16xi32>, vector<16xi32> -> vector<16xi32>
      %lt3A_844 = arith.constant 0 : i32
      %lt3A_845 = vector.broadcast %lt3A_844 : i32 to vector<16xi32>
      %lt3A_846 = arith.cmpi slt, %max3A_833, %lt3A_845 : vector<16xi32>
      %add3A_847 = arith.constant 16 : i32
      %add3A_848 = vector.broadcast %add3A_847 : i32 to vector<16xi32>
      %add3A_849 = arith.addi %max3A_833, %add3A_848 : vector<16xi32>
      %select_n3A_850 = arith.select %lt3A_846, %add3A_849, %max3A_833 : vector<16xi1>, vector<16xi32>
      %broadcast_in_dim3A_851 = vector.shape_cast %select_n3A_850 : vector<16xi32> to vector<16x1xi32>
      %gather3A_852 = vector.shape_cast %broadcast_in_dim3A_851 : vector<16x1xi32> to vector<16xi32>
      %gather3A_853 = tpu.dynamic_gather %select_n3A_827[%gather3A_852] in [0] : vector<16xf32>, vector<16xi32> -> vector<16xf32>
      %ge3A_854 = arith.constant 4 : i32
      %ge3A_855 = vector.broadcast %ge3A_854 : i32 to vector<16xi32>
      %ge3A_856 = arith.cmpi sge, %iota3A, %ge3A_855 : vector<16xi32>
      %eq3A_857 = arith.cmpi eq, %gather3A_843, %get3A_757 : vector<16xi32>
      %and3A_858 = arith.andi %ge3A_856, %eq3A_857 : vector<16xi1>
      %add3A_859 = arith.addf %select_n3A_827, %gather3A_853 : vector<16xf32>
      %select_n3A_860 = arith.select %and3A_858, %add3A_859, %select_n3A_827 : vector<16xi1>, vector<16xf32>
      %sub3A_861 = arith.constant 8 : i32
      %sub3A_862 = vector.broadcast %sub3A_861 : i32 to vector<16xi32>
      %sub3A_863 = arith.subi %iota3A, %sub3A_862 : vector<16xi32>
      %max3A_864 = arith.constant 0 : i32
      %max3A_865 = vector.broadcast %max3A_864 : i32 to vector<16xi32>
      %max3A_866 = arith.maxsi %sub3A_863, %max3A_865 : vector<16xi32>
      %lt3A_867 = arith.constant 0 : i32
      %lt3A_868 = vector.broadcast %lt3A_867 : i32 to vector<16xi32>
      %lt3A_869 = arith.cmpi slt, %max3A_866, %lt3A_868 : vector<16xi32>
      %add3A_870 = arith.constant 16 : i32
      %add3A_871 = vector.broadcast %add3A_870 : i32 to vector<16xi32>
      %add3A_872 = arith.addi %max3A_866, %add3A_871 : vector<16xi32>
      %select_n3A_873 = arith.select %lt3A_869, %add3A_872, %max3A_866 : vector<16xi1>, vector<16xi32>
      %broadcast_in_dim3A_874 = vector.shape_cast %select_n3A_873 : vector<16xi32> to vector<16x1xi32>
      %gather3A_875 = vector.shape_cast %broadcast_in_dim3A_874 : vector<16x1xi32> to vector<16xi32>
      %gather3A_876 = tpu.dynamic_gather %get3A_757[%gather3A_875] in [0] : vector<16xi32>, vector<16xi32> -> vector<16xi32>
      %lt3A_877 = arith.constant 0 : i32
      %lt3A_878 = vector.broadcast %lt3A_877 : i32 to vector<16xi32>
      %lt3A_879 = arith.cmpi slt, %max3A_866, %lt3A_878 : vector<16xi32>
      %add3A_880 = arith.constant 16 : i32
      %add3A_881 = vector.broadcast %add3A_880 : i32 to vector<16xi32>
      %add3A_882 = arith.addi %max3A_866, %add3A_881 : vector<16xi32>
      %select_n3A_883 = arith.select %lt3A_879, %add3A_882, %max3A_866 : vector<16xi1>, vector<16xi32>
      %broadcast_in_dim3A_884 = vector.shape_cast %select_n3A_883 : vector<16xi32> to vector<16x1xi32>
      %gather3A_885 = vector.shape_cast %broadcast_in_dim3A_884 : vector<16x1xi32> to vector<16xi32>
      %gather3A_886 = tpu.dynamic_gather %select_n3A_860[%gather3A_885] in [0] : vector<16xf32>, vector<16xi32> -> vector<16xf32>
      %ge3A_887 = arith.constant 8 : i32
      %ge3A_888 = vector.broadcast %ge3A_887 : i32 to vector<16xi32>
      %ge3A_889 = arith.cmpi sge, %iota3A, %ge3A_888 : vector<16xi32>
      %eq3A_890 = arith.cmpi eq, %gather3A_876, %get3A_757 : vector<16xi32>
      %and3A_891 = arith.andi %ge3A_889, %eq3A_890 : vector<16xi1>
      %add3A_892 = arith.addf %select_n3A_860, %gather3A_886 : vector<16xf32>
      %select_n3A_893 = arith.select %and3A_891, %add3A_892, %select_n3A_860 : vector<16xi1>, vector<16xf32>
      %add3A_894 = arith.constant 1 : i32
      %add3A_895 = vector.broadcast %add3A_894 : i32 to vector<16xi32>
      %add3A_896 = arith.addi %iota3A, %add3A_895 : vector<16xi32>
      %min3A = arith.constant 15 : i32
      %min3A_897 = vector.broadcast %min3A : i32 to vector<16xi32>
      %min3A_898 = arith.minsi %add3A_896, %min3A_897 : vector<16xi32>
      %lt3A_899 = arith.constant 0 : i32
      %lt3A_900 = vector.broadcast %lt3A_899 : i32 to vector<16xi32>
      %lt3A_901 = arith.cmpi slt, %min3A_898, %lt3A_900 : vector<16xi32>
      %add3A_902 = arith.constant 16 : i32
      %add3A_903 = vector.broadcast %add3A_902 : i32 to vector<16xi32>
      %add3A_904 = arith.addi %min3A_898, %add3A_903 : vector<16xi32>
      %select_n3A_905 = arith.select %lt3A_901, %add3A_904, %min3A_898 : vector<16xi1>, vector<16xi32>
      %broadcast_in_dim3A_906 = vector.shape_cast %select_n3A_905 : vector<16xi32> to vector<16x1xi32>
      %gather3A_907 = vector.shape_cast %broadcast_in_dim3A_906 : vector<16x1xi32> to vector<16xi32>
      %gather3A_908 = tpu.dynamic_gather %get3A_757[%gather3A_907] in [0] : vector<16xi32>, vector<16xi32> -> vector<16xi32>
      %ne3A = arith.cmpi ne, %get3A_757, %gather3A_908 : vector<16xi32>
      %eq3A_909 = arith.constant 15 : i32
      %eq3A_910 = vector.broadcast %eq3A_909 : i32 to vector<16xi32>
      %eq3A_911 = arith.cmpi eq, %iota3A, %eq3A_910 : vector<16xi32>
      %or3A = arith.ori %ne3A, %eq3A_911 : vector<16xi1>
      %gather3A_912 = tpu.vector_load_idx %arg10[%get3A_757] : memref<128xf32, #tpu.memory_space<vmem>>[vector<16xi32>], vector<16xf32>,
      %add3A_913 = arith.addf %gather3A_912, %select_n3A_893 : vector<16xf32>
      tpu.vector_store_idx %arg10[%get3A_757], %add3A_913 masked %or3A : memref<128xf32, #tpu.memory_space<vmem>>[vector<16xi32>], vector<16xf32>, vector<16xi1>
    }
    %scan3A_745 = arith.constant 391 : i32
    %mul3A_746 = arith.constant 100096 : i32
    %mul3A_747 = arith.muli %arg0, %mul3A_746 : i32
    %add3A_748 = arith.addi %mul3A_747, %mul3A_0 : i32
    "tpu.region"() ({
      %run_scoped3A = tpu.sem_alloc : memref<!tpu.dma_semaphore, #tpu.memory_space<semaphore_mem>>
      %dma_start3A = tpu.memref_slice %arg4[%add3A_748] : memref<200192xf32, #tpu.memory_space<hbm>> -> memref<6256xf32, #tpu.memory_space<hbm>>
      %dma_start3A_753 = tpu.memref_slice %arg4[%add3A_748] : memref<200192xf32, #tpu.memory_space<hbm>> -> memref<6256xf32, #tpu.memory_space<hbm>>
      tpu.enqueue_dma source(%arg8 : memref<6256xf32, #tpu.memory_space<vmem>>) target(%dma_start3A_753 : memref<6256xf32, #tpu.memory_space<hbm>>) target_semaphore(%run_scoped3A : memref<!tpu.dma_semaphore, #tpu.memory_space<semaphore_mem>>)
      %dma_wait3A = tpu.memref_slice %arg4[%add3A_748] : memref<200192xf32, #tpu.memory_space<hbm>> -> memref<6256xf32, #tpu.memory_space<hbm>>
      %dma_wait3A_754 = tpu.memref_slice %arg4[%add3A_748] : memref<200192xf32, #tpu.memory_space<hbm>> -> memref<6256xf32, #tpu.memory_space<hbm>>
      tpu.wait_dma2 semaphore(%run_scoped3A : memref<!tpu.dma_semaphore, #tpu.memory_space<semaphore_mem>>) src(%arg8 : memref<6256xf32, #tpu.memory_space<vmem>>) dst(%dma_wait3A_754 : memref<6256xf32, #tpu.memory_space<hbm>>)
      tpu.yield
    }) : () -> ()
    %barrier3A_749 = arith.constant 0 : index
    tpu.barrier barrier_id(%barrier3A_749)
    "tpu.region"() ({
      %run_scoped3A = tpu.sem_alloc : memref<!tpu.dma_semaphore, #tpu.memory_space<semaphore_mem>>
      %dma_start3A = arith.constant 0 : i32
      %dma_start3A_753 = tpu.memref_slice %arg12[%arg1, %dma_start3A] : memref<16x128xf32, #tpu.memory_space<vmem_shared>> -> memref<1x128xf32, #tpu.memory_space<vmem_shared>>
      %dma_start3A_754 = tpu.memref_squeeze %dma_start3A_753 : memref<1x128xf32, #tpu.memory_space<vmem_shared>> -> memref<128xf32, #tpu.memory_space<vmem_shared>>
      %dma_start3A_755 = arith.constant 0 : i32
      %dma_start3A_756 = tpu.memref_slice %arg12[%arg1, %dma_start3A_755] : memref<16x128xf32, #tpu.memory_space<vmem_shared>> -> memref<1x128xf32, #tpu.memory_space<vmem_shared>>
      %dma_start3A_757 = tpu.memref_squeeze %dma_start3A_756 : memref<1x128xf32, #tpu.memory_space<vmem_shared>> -> memref<128xf32, #tpu.memory_space<vmem_shared>>
      tpu.enqueue_dma source(%arg10 : memref<128xf32, #tpu.memory_space<vmem>>) target(%dma_start3A_757 : memref<128xf32, #tpu.memory_space<vmem_shared>>) target_semaphore(%run_scoped3A : memref<!tpu.dma_semaphore, #tpu.memory_space<semaphore_mem>>)
      %dma_wait3A = arith.constant 0 : i32
      %dma_wait3A_758 = tpu.memref_slice %arg12[%arg1, %dma_wait3A] : memref<16x128xf32, #tpu.memory_space<vmem_shared>> -> memref<1x128xf32, #tpu.memory_space<vmem_shared>>
      %dma_wait3A_759 = tpu.memref_squeeze %dma_wait3A_758 : memref<1x128xf32, #tpu.memory_space<vmem_shared>> -> memref<128xf32, #tpu.memory_space<vmem_shared>>
      %dma_wait3A_760 = arith.constant 0 : i32
      %dma_wait3A_761 = tpu.memref_slice %arg12[%arg1, %dma_wait3A_760] : memref<16x128xf32, #tpu.memory_space<vmem_shared>> -> memref<1x128xf32, #tpu.memory_space<vmem_shared>>
      %dma_wait3A_762 = tpu.memref_squeeze %dma_wait3A_761 : memref<1x128xf32, #tpu.memory_space<vmem_shared>> -> memref<128xf32, #tpu.memory_space<vmem_shared>>
      tpu.wait_dma2 semaphore(%run_scoped3A : memref<!tpu.dma_semaphore, #tpu.memory_space<semaphore_mem>>) src(%arg10 : memref<128xf32, #tpu.memory_space<vmem>>) dst(%dma_wait3A_762 : memref<128xf32, #tpu.memory_space<vmem_shared>>)
      tpu.yield
    }) : () -> ()
    %barrier3A_750 = arith.constant 0 : index
    tpu.barrier barrier_id(%barrier3A_750)
    %eq3A = arith.constant 0 : i32
    %eq3A_751 = arith.cmpi eq, %arg1, %eq3A : i32
    %convert_element_type3A = arith.extui %eq3A_751 : i1 to i32
    %cond3A = arith.constant 0 : i32
    %cond3A_752 = arith.cmpi ne, %convert_element_type3A, %cond3A : i32
    scf.if %cond3A_752 {
      "tpu.region"() ({
        %run_scoped3A = tpu.sem_alloc : memref<!tpu.dma_semaphore, #tpu.memory_space<semaphore_mem>>
        tpu.enqueue_dma source(%arg12 : memref<16x128xf32, #tpu.memory_space<vmem_shared>>) target(%arg11 : memref<16x128xf32, #tpu.memory_space<vmem>>) target_semaphore(%run_scoped3A : memref<!tpu.dma_semaphore, #tpu.memory_space<semaphore_mem>>)
        tpu.wait_dma2 semaphore(%run_scoped3A : memref<!tpu.dma_semaphore, #tpu.memory_space<semaphore_mem>>) src(%arg12 : memref<16x128xf32, #tpu.memory_space<vmem_shared>>) dst(%arg11 : memref<16x128xf32, #tpu.memory_space<vmem>>)
        tpu.yield
      }) : () -> ()
      %broadcast_in_dim3A_753 = arith.constant 0.000000e+00 : f32
      %broadcast_in_dim3A_754 = vector.broadcast %broadcast_in_dim3A_753 : f32 to vector<16xf32>
      %get3A_755 = arith.constant 0 : i32
      %get3A_756 = arith.index_cast %get3A_755 : i32 to index
      %get3A_757 = arith.constant 0 : index
      %get3A_758 = tpu.vector_load %arg11[%get3A_756, %get3A_757] {strides = array<i32>} : memref<16x128xf32, #tpu.memory_space<vmem>>, vector<16xf32>,
      %add3A_759 = arith.addf %broadcast_in_dim3A_754, %get3A_758 : vector<16xf32>
      %get3A_760 = arith.constant 1 : i32
      %get3A_761 = arith.index_cast %get3A_760 : i32 to index
      %get3A_762 = arith.constant 0 : index
      %get3A_763 = tpu.vector_load %arg11[%get3A_761, %get3A_762] {strides = array<i32>} : memref<16x128xf32, #tpu.memory_space<vmem>>, vector<16xf32>,
      %add3A_764 = arith.addf %add3A_759, %get3A_763 : vector<16xf32>
      %get3A_765 = arith.constant 2 : i32
      %get3A_766 = arith.index_cast %get3A_765 : i32 to index
      %get3A_767 = arith.constant 0 : index
      %get3A_768 = tpu.vector_load %arg11[%get3A_766, %get3A_767] {strides = array<i32>} : memref<16x128xf32, #tpu.memory_space<vmem>>, vector<16xf32>,
      %add3A_769 = arith.addf %add3A_764, %get3A_768 : vector<16xf32>
      %get3A_770 = arith.constant 3 : i32
      %get3A_771 = arith.index_cast %get3A_770 : i32 to index
      %get3A_772 = arith.constant 0 : index
      %get3A_773 = tpu.vector_load %arg11[%get3A_771, %get3A_772] {strides = array<i32>} : memref<16x128xf32, #tpu.memory_space<vmem>>, vector<16xf32>,
      %add3A_774 = arith.addf %add3A_769, %get3A_773 : vector<16xf32>
      %get3A_775 = arith.constant 4 : i32
      %get3A_776 = arith.index_cast %get3A_775 : i32 to index
      %get3A_777 = arith.constant 0 : index
      %get3A_778 = tpu.vector_load %arg11[%get3A_776, %get3A_777] {strides = array<i32>} : memref<16x128xf32, #tpu.memory_space<vmem>>, vector<16xf32>,
      %add3A_779 = arith.addf %add3A_774, %get3A_778 : vector<16xf32>
      %get3A_780 = arith.constant 5 : i32
      %get3A_781 = arith.index_cast %get3A_780 : i32 to index
      %get3A_782 = arith.constant 0 : index
      %get3A_783 = tpu.vector_load %arg11[%get3A_781, %get3A_782] {strides = array<i32>} : memref<16x128xf32, #tpu.memory_space<vmem>>, vector<16xf32>,
      %add3A_784 = arith.addf %add3A_779, %get3A_783 : vector<16xf32>
      %get3A_785 = arith.constant 6 : i32
      %get3A_786 = arith.index_cast %get3A_785 : i32 to index
      %get3A_787 = arith.constant 0 : index
      %get3A_788 = tpu.vector_load %arg11[%get3A_786, %get3A_787] {strides = array<i32>} : memref<16x128xf32, #tpu.memory_space<vmem>>, vector<16xf32>,
      %add3A_789 = arith.addf %add3A_784, %get3A_788 : vector<16xf32>
      %get3A_790 = arith.constant 7 : i32
      %get3A_791 = arith.index_cast %get3A_790 : i32 to index
      %get3A_792 = arith.constant 0 : index
      %get3A_793 = tpu.vector_load %arg11[%get3A_791, %get3A_792] {strides = array<i32>} : memref<16x128xf32, #tpu.memory_space<vmem>>, vector<16xf32>,
      %add3A_794 = arith.addf %add3A_789, %get3A_793 : vector<16xf32>
      %get3A_795 = arith.constant 8 : i32
      %get3A_796 = arith.index_cast %get3A_795 : i32 to index
      %get3A_797 = arith.constant 0 : index
      %get3A_798 = tpu.vector_load %arg11[%get3A_796, %get3A_797] {strides = array<i32>} : memref<16x128xf32, #tpu.memory_space<vmem>>, vector<16xf32>,
      %add3A_799 = arith.addf %add3A_794, %get3A_798 : vector<16xf32>
      %get3A_800 = arith.constant 9 : i32
      %get3A_801 = arith.index_cast %get3A_800 : i32 to index
      %get3A_802 = arith.constant 0 : index
      %get3A_803 = tpu.vector_load %arg11[%get3A_801, %get3A_802] {strides = array<i32>} : memref<16x128xf32, #tpu.memory_space<vmem>>, vector<16xf32>,
      %add3A_804 = arith.addf %add3A_799, %get3A_803 : vector<16xf32>
      %get3A_805 = arith.constant 10 : i32
      %get3A_806 = arith.index_cast %get3A_805 : i32 to index
      %get3A_807 = arith.constant 0 : index
      %get3A_808 = tpu.vector_load %arg11[%get3A_806, %get3A_807] {strides = array<i32>} : memref<16x128xf32, #tpu.memory_space<vmem>>, vector<16xf32>,
      %add3A_809 = arith.addf %add3A_804, %get3A_808 : vector<16xf32>
      %get3A_810 = arith.constant 11 : i32
      %get3A_811 = arith.index_cast %get3A_810 : i32 to index
      %get3A_812 = arith.constant 0 : index
      %get3A_813 = tpu.vector_load %arg11[%get3A_811, %get3A_812] {strides = array<i32>} : memref<16x128xf32, #tpu.memory_space<vmem>>, vector<16xf32>,
      %add3A_814 = arith.addf %add3A_809, %get3A_813 : vector<16xf32>
      %get3A_815 = arith.constant 12 : i32
      %get3A_816 = arith.index_cast %get3A_815 : i32 to index
      %get3A_817 = arith.constant 0 : index
      %get3A_818 = tpu.vector_load %arg11[%get3A_816, %get3A_817] {strides = array<i32>} : memref<16x128xf32, #tpu.memory_space<vmem>>, vector<16xf32>,
      %add3A_819 = arith.addf %add3A_814, %get3A_818 : vector<16xf32>
      %get3A_820 = arith.constant 13 : i32
      %get3A_821 = arith.index_cast %get3A_820 : i32 to index
      %get3A_822 = arith.constant 0 : index
      %get3A_823 = tpu.vector_load %arg11[%get3A_821, %get3A_822] {strides = array<i32>} : memref<16x128xf32, #tpu.memory_space<vmem>>, vector<16xf32>,
      %add3A_824 = arith.addf %add3A_819, %get3A_823 : vector<16xf32>
      %get3A_825 = arith.constant 14 : i32
      %get3A_826 = arith.index_cast %get3A_825 : i32 to index
      %get3A_827 = arith.constant 0 : index
      %get3A_828 = tpu.vector_load %arg11[%get3A_826, %get3A_827] {strides = array<i32>} : memref<16x128xf32, #tpu.memory_space<vmem>>, vector<16xf32>,
      %add3A_829 = arith.addf %add3A_824, %get3A_828 : vector<16xf32>
      %get3A_830 = arith.constant 15 : i32
      %get3A_831 = arith.index_cast %get3A_830 : i32 to index
      %get3A_832 = arith.constant 0 : index
      %get3A_833 = tpu.vector_load %arg11[%get3A_831, %get3A_832] {strides = array<i32>} : memref<16x128xf32, #tpu.memory_space<vmem>>, vector<16xf32>,
      %add3A_834 = arith.addf %add3A_829, %get3A_833 : vector<16xf32>
      %swap3A_835 = arith.constant 0 : index
      %swap3A_836 = tpu.vector_load %arg10[%swap3A_835] {strides = array<i32>} : memref<128xf32, #tpu.memory_space<vmem>>, vector<16xf32>,
      tpu.vector_store %arg10[%swap3A_835], %add3A_834 {strides = array<i32>} : memref<128xf32, #tpu.memory_space<vmem>>, vector<16xf32>,
      %broadcast_in_dim3A_837 = arith.constant 0.000000e+00 : f32
      %broadcast_in_dim3A_838 = vector.broadcast %broadcast_in_dim3A_837 : f32 to vector<16xf32>
      %get3A_839 = arith.constant 0 : i32
      %get3A_840 = arith.index_cast %get3A_839 : i32 to index
      %get3A_841 = arith.constant 16 : index
      %get3A_842 = tpu.vector_load %arg11[%get3A_840, %get3A_841] {strides = array<i32>} : memref<16x128xf32, #tpu.memory_space<vmem>>, vector<16xf32>,
      %add3A_843 = arith.addf %broadcast_in_dim3A_838, %get3A_842 : vector<16xf32>
      %get3A_844 = arith.constant 1 : i32
      %get3A_845 = arith.index_cast %get3A_844 : i32 to index
      %get3A_846 = arith.constant 16 : index
      %get3A_847 = tpu.vector_load %arg11[%get3A_845, %get3A_846] {strides = array<i32>} : memref<16x128xf32, #tpu.memory_space<vmem>>, vector<16xf32>,
      %add3A_848 = arith.addf %add3A_843, %get3A_847 : vector<16xf32>
      %get3A_849 = arith.constant 2 : i32
      %get3A_850 = arith.index_cast %get3A_849 : i32 to index
      %get3A_851 = arith.constant 16 : index
      %get3A_852 = tpu.vector_load %arg11[%get3A_850, %get3A_851] {strides = array<i32>} : memref<16x128xf32, #tpu.memory_space<vmem>>, vector<16xf32>,
      %add3A_853 = arith.addf %add3A_848, %get3A_852 : vector<16xf32>
      %get3A_854 = arith.constant 3 : i32
      %get3A_855 = arith.index_cast %get3A_854 : i32 to index
      %get3A_856 = arith.constant 16 : index
      %get3A_857 = tpu.vector_load %arg11[%get3A_855, %get3A_856] {strides = array<i32>} : memref<16x128xf32, #tpu.memory_space<vmem>>, vector<16xf32>,
      %add3A_858 = arith.addf %add3A_853, %get3A_857 : vector<16xf32>
      %get3A_859 = arith.constant 4 : i32
      %get3A_860 = arith.index_cast %get3A_859 : i32 to index
      %get3A_861 = arith.constant 16 : index
      %get3A_862 = tpu.vector_load %arg11[%get3A_860, %get3A_861] {strides = array<i32>} : memref<16x128xf32, #tpu.memory_space<vmem>>, vector<16xf32>,
      %add3A_863 = arith.addf %add3A_858, %get3A_862 : vector<16xf32>
      %get3A_864 = arith.constant 5 : i32
      %get3A_865 = arith.index_cast %get3A_864 : i32 to index
      %get3A_866 = arith.constant 16 : index
      %get3A_867 = tpu.vector_load %arg11[%get3A_865, %get3A_866] {strides = array<i32>} : memref<16x128xf32, #tpu.memory_space<vmem>>, vector<16xf32>,
      %add3A_868 = arith.addf %add3A_863, %get3A_867 : vector<16xf32>
      %get3A_869 = arith.constant 6 : i32
      %get3A_870 = arith.index_cast %get3A_869 : i32 to index
      %get3A_871 = arith.constant 16 : index
      %get3A_872 = tpu.vector_load %arg11[%get3A_870, %get3A_871] {strides = array<i32>} : memref<16x128xf32, #tpu.memory_space<vmem>>, vector<16xf32>,
      %add3A_873 = arith.addf %add3A_868, %get3A_872 : vector<16xf32>
      %get3A_874 = arith.constant 7 : i32
      %get3A_875 = arith.index_cast %get3A_874 : i32 to index
      %get3A_876 = arith.constant 16 : index
      %get3A_877 = tpu.vector_load %arg11[%get3A_875, %get3A_876] {strides = array<i32>} : memref<16x128xf32, #tpu.memory_space<vmem>>, vector<16xf32>,
      %add3A_878 = arith.addf %add3A_873, %get3A_877 : vector<16xf32>
      %get3A_879 = arith.constant 8 : i32
      %get3A_880 = arith.index_cast %get3A_879 : i32 to index
      %get3A_881 = arith.constant 16 : index
      %get3A_882 = tpu.vector_load %arg11[%get3A_880, %get3A_881] {strides = array<i32>} : memref<16x128xf32, #tpu.memory_space<vmem>>, vector<16xf32>,
      %add3A_883 = arith.addf %add3A_878, %get3A_882 : vector<16xf32>
      %get3A_884 = arith.constant 9 : i32
      %get3A_885 = arith.index_cast %get3A_884 : i32 to index
      %get3A_886 = arith.constant 16 : index
      %get3A_887 = tpu.vector_load %arg11[%get3A_885, %get3A_886] {strides = array<i32>} : memref<16x128xf32, #tpu.memory_space<vmem>>, vector<16xf32>,
      %add3A_888 = arith.addf %add3A_883, %get3A_887 : vector<16xf32>
      %get3A_889 = arith.constant 10 : i32
      %get3A_890 = arith.index_cast %get3A_889 : i32 to index
      %get3A_891 = arith.constant 16 : index
      %get3A_892 = tpu.vector_load %arg11[%get3A_890, %get3A_891] {strides = array<i32>} : memref<16x128xf32, #tpu.memory_space<vmem>>, vector<16xf32>,
      %add3A_893 = arith.addf %add3A_888, %get3A_892 : vector<16xf32>
      %get3A_894 = arith.constant 11 : i32
      %get3A_895 = arith.index_cast %get3A_894 : i32 to index
      %get3A_896 = arith.constant 16 : index
      %get3A_897 = tpu.vector_load %arg11[%get3A_895, %get3A_896] {strides = array<i32>} : memref<16x128xf32, #tpu.memory_space<vmem>>, vector<16xf32>,
      %add3A_898 = arith.addf %add3A_893, %get3A_897 : vector<16xf32>
      %get3A_899 = arith.constant 12 : i32
      %get3A_900 = arith.index_cast %get3A_899 : i32 to index
      %get3A_901 = arith.constant 16 : index
      %get3A_902 = tpu.vector_load %arg11[%get3A_900, %get3A_901] {strides = array<i32>} : memref<16x128xf32, #tpu.memory_space<vmem>>, vector<16xf32>,
      %add3A_903 = arith.addf %add3A_898, %get3A_902 : vector<16xf32>
      %get3A_904 = arith.constant 13 : i32
      %get3A_905 = arith.index_cast %get3A_904 : i32 to index
      %get3A_906 = arith.constant 16 : index
      %get3A_907 = tpu.vector_load %arg11[%get3A_905, %get3A_906] {strides = array<i32>} : memref<16x128xf32, #tpu.memory_space<vmem>>, vector<16xf32>,
      %add3A_908 = arith.addf %add3A_903, %get3A_907 : vector<16xf32>
      %get3A_909 = arith.constant 14 : i32
      %get3A_910 = arith.index_cast %get3A_909 : i32 to index
      %get3A_911 = arith.constant 16 : index
      %get3A_912 = tpu.vector_load %arg11[%get3A_910, %get3A_911] {strides = array<i32>} : memref<16x128xf32, #tpu.memory_space<vmem>>, vector<16xf32>,
      %add3A_913 = arith.addf %add3A_908, %get3A_912 : vector<16xf32>
      %get3A_914 = arith.constant 15 : i32
      %get3A_915 = arith.index_cast %get3A_914 : i32 to index
      %get3A_916 = arith.constant 16 : index
      %get3A_917 = tpu.vector_load %arg11[%get3A_915, %get3A_916] {strides = array<i32>} : memref<16x128xf32, #tpu.memory_space<vmem>>, vector<16xf32>,
      %add3A_918 = arith.addf %add3A_913, %get3A_917 : vector<16xf32>
      %swap3A_919 = arith.constant 16 : index
      %swap3A_920 = tpu.vector_load %arg10[%swap3A_919] {strides = array<i32>} : memref<128xf32, #tpu.memory_space<vmem>>, vector<16xf32>,
      tpu.vector_store %arg10[%swap3A_919], %add3A_918 {strides = array<i32>} : memref<128xf32, #tpu.memory_space<vmem>>, vector<16xf32>,
      %broadcast_in_dim3A_921 = arith.constant 0.000000e+00 : f32
      %broadcast_in_dim3A_922 = vector.broadcast %broadcast_in_dim3A_921 : f32 to vector<16xf32>
      %get3A_923 = arith.constant 0 : i32
      %get3A_924 = arith.index_cast %get3A_923 : i32 to index
      %get3A_925 = arith.constant 32 : index
      %get3A_926 = tpu.vector_load %arg11[%get3A_924, %get3A_925] {strides = array<i32>} : memref<16x128xf32, #tpu.memory_space<vmem>>, vector<16xf32>,
      %add3A_927 = arith.addf %broadcast_in_dim3A_922, %get3A_926 : vector<16xf32>
      %get3A_928 = arith.constant 1 : i32
      %get3A_929 = arith.index_cast %get3A_928 : i32 to index
      %get3A_930 = arith.constant 32 : index
      %get3A_931 = tpu.vector_load %arg11[%get3A_929, %get3A_930] {strides = array<i32>} : memref<16x128xf32, #tpu.memory_space<vmem>>, vector<16xf32>,
      %add3A_932 = arith.addf %add3A_927, %get3A_931 : vector<16xf32>
      %get3A_933 = arith.constant 2 : i32
      %get3A_934 = arith.index_cast %get3A_933 : i32 to index
      %get3A_935 = arith.constant 32 : index
      %get3A_936 = tpu.vector_load %arg11[%get3A_934, %get3A_935] {strides = array<i32>} : memref<16x128xf32, #tpu.memory_space<vmem>>, vector<16xf32>,
      %add3A_937 = arith.addf %add3A_932, %get3A_936 : vector<16xf32>
      %get3A_938 = arith.constant 3 : i32
      %get3A_939 = arith.index_cast %get3A_938 : i32 to index
      %get3A_940 = arith.constant 32 : index
      %get3A_941 = tpu.vector_load %arg11[%get3A_939, %get3A_940] {strides = array<i32>} : memref<16x128xf32, #tpu.memory_space<vmem>>, vector<16xf32>,
      %add3A_942 = arith.addf %add3A_937, %get3A_941 : vector<16xf32>
      %get3A_943 = arith.constant 4 : i32
      %get3A_944 = arith.index_cast %get3A_943 : i32 to index
      %get3A_945 = arith.constant 32 : index
      %get3A_946 = tpu.vector_load %arg11[%get3A_944, %get3A_945] {strides = array<i32>} : memref<16x128xf32, #tpu.memory_space<vmem>>, vector<16xf32>,
      %add3A_947 = arith.addf %add3A_942, %get3A_946 : vector<16xf32>
      %get3A_948 = arith.constant 5 : i32
      %get3A_949 = arith.index_cast %get3A_948 : i32 to index
      %get3A_950 = arith.constant 32 : index
      %get3A_951 = tpu.vector_load %arg11[%get3A_949, %get3A_950] {strides = array<i32>} : memref<16x128xf32, #tpu.memory_space<vmem>>, vector<16xf32>,
      %add3A_952 = arith.addf %add3A_947, %get3A_951 : vector<16xf32>
      %get3A_953 = arith.constant 6 : i32
      %get3A_954 = arith.index_cast %get3A_953 : i32 to index
      %get3A_955 = arith.constant 32 : index
      %get3A_956 = tpu.vector_load %arg11[%get3A_954, %get3A_955] {strides = array<i32>} : memref<16x128xf32, #tpu.memory_space<vmem>>, vector<16xf32>,
      %add3A_957 = arith.addf %add3A_952, %get3A_956 : vector<16xf32>
      %get3A_958 = arith.constant 7 : i32
      %get3A_959 = arith.index_cast %get3A_958 : i32 to index
      %get3A_960 = arith.constant 32 : index
      %get3A_961 = tpu.vector_load %arg11[%get3A_959, %get3A_960] {strides = array<i32>} : memref<16x128xf32, #tpu.memory_space<vmem>>, vector<16xf32>,
      %add3A_962 = arith.addf %add3A_957, %get3A_961 : vector<16xf32>
      %get3A_963 = arith.constant 8 : i32
      %get3A_964 = arith.index_cast %get3A_963 : i32 to index
      %get3A_965 = arith.constant 32 : index
      %get3A_966 = tpu.vector_load %arg11[%get3A_964, %get3A_965] {strides = array<i32>} : memref<16x128xf32, #tpu.memory_space<vmem>>, vector<16xf32>,
      %add3A_967 = arith.addf %add3A_962, %get3A_966 : vector<16xf32>
      %get3A_968 = arith.constant 9 : i32
      %get3A_969 = arith.index_cast %get3A_968 : i32 to index
      %get3A_970 = arith.constant 32 : index
      %get3A_971 = tpu.vector_load %arg11[%get3A_969, %get3A_970] {strides = array<i32>} : memref<16x128xf32, #tpu.memory_space<vmem>>, vector<16xf32>,
      %add3A_972 = arith.addf %add3A_967, %get3A_971 : vector<16xf32>
      %get3A_973 = arith.constant 10 : i32
      %get3A_974 = arith.index_cast %get3A_973 : i32 to index
      %get3A_975 = arith.constant 32 : index
      %get3A_976 = tpu.vector_load %arg11[%get3A_974, %get3A_975] {strides = array<i32>} : memref<16x128xf32, #tpu.memory_space<vmem>>, vector<16xf32>,
      %add3A_977 = arith.addf %add3A_972, %get3A_976 : vector<16xf32>
      %get3A_978 = arith.constant 11 : i32
      %get3A_979 = arith.index_cast %get3A_978 : i32 to index
      %get3A_980 = arith.constant 32 : index
      %get3A_981 = tpu.vector_load %arg11[%get3A_979, %get3A_980] {strides = array<i32>} : memref<16x128xf32, #tpu.memory_space<vmem>>, vector<16xf32>,
      %add3A_982 = arith.addf %add3A_977, %get3A_981 : vector<16xf32>
      %get3A_983 = arith.constant 12 : i32
      %get3A_984 = arith.index_cast %get3A_983 : i32 to index
      %get3A_985 = arith.constant 32 : index
      %get3A_986 = tpu.vector_load %arg11[%get3A_984, %get3A_985] {strides = array<i32>} : memref<16x128xf32, #tpu.memory_space<vmem>>, vector<16xf32>,
      %add3A_987 = arith.addf %add3A_982, %get3A_986 : vector<16xf32>
      %get3A_988 = arith.constant 13 : i32
      %get3A_989 = arith.index_cast %get3A_988 : i32 to index
      %get3A_990 = arith.constant 32 : index
      %get3A_991 = tpu.vector_load %arg11[%get3A_989, %get3A_990] {strides = array<i32>} : memref<16x128xf32, #tpu.memory_space<vmem>>, vector<16xf32>,
      %add3A_992 = arith.addf %add3A_987, %get3A_991 : vector<16xf32>
      %get3A_993 = arith.constant 14 : i32
      %get3A_994 = arith.index_cast %get3A_993 : i32 to index
      %get3A_995 = arith.constant 32 : index
      %get3A_996 = tpu.vector_load %arg11[%get3A_994, %get3A_995] {strides = array<i32>} : memref<16x128xf32, #tpu.memory_space<vmem>>, vector<16xf32>,
      %add3A_997 = arith.addf %add3A_992, %get3A_996 : vector<16xf32>
      %get3A_998 = arith.constant 15 : i32
      %get3A_999 = arith.index_cast %get3A_998 : i32 to index
      %get3A_1000 = arith.constant 32 : index
      %get3A_1001 = tpu.vector_load %arg11[%get3A_999, %get3A_1000] {strides = array<i32>} : memref<16x128xf32, #tpu.memory_space<vmem>>, vector<16xf32>,
      %add3A_1002 = arith.addf %add3A_997, %get3A_1001 : vector<16xf32>
      %swap3A_1003 = arith.constant 32 : index
      %swap3A_1004 = tpu.vector_load %arg10[%swap3A_1003] {strides = array<i32>} : memref<128xf32, #tpu.memory_space<vmem>>, vector<16xf32>,
      tpu.vector_store %arg10[%swap3A_1003], %add3A_1002 {strides = array<i32>} : memref<128xf32, #tpu.memory_space<vmem>>, vector<16xf32>,
      %broadcast_in_dim3A_1005 = arith.constant 0.000000e+00 : f32
      %broadcast_in_dim3A_1006 = vector.broadcast %broadcast_in_dim3A_1005 : f32 to vector<16xf32>
      %get3A_1007 = arith.constant 0 : i32
      %get3A_1008 = arith.index_cast %get3A_1007 : i32 to index
      %get3A_1009 = arith.constant 48 : index
      %get3A_1010 = tpu.vector_load %arg11[%get3A_1008, %get3A_1009] {strides = array<i32>} : memref<16x128xf32, #tpu.memory_space<vmem>>, vector<16xf32>,
      %add3A_1011 = arith.addf %broadcast_in_dim3A_1006, %get3A_1010 : vector<16xf32>
      %get3A_1012 = arith.constant 1 : i32
      %get3A_1013 = arith.index_cast %get3A_1012 : i32 to index
      %get3A_1014 = arith.constant 48 : index
      %get3A_1015 = tpu.vector_load %arg11[%get3A_1013, %get3A_1014] {strides = array<i32>} : memref<16x128xf32, #tpu.memory_space<vmem>>, vector<16xf32>,
      %add3A_1016 = arith.addf %add3A_1011, %get3A_1015 : vector<16xf32>
      %get3A_1017 = arith.constant 2 : i32
      %get3A_1018 = arith.index_cast %get3A_1017 : i32 to index
      %get3A_1019 = arith.constant 48 : index
      %get3A_1020 = tpu.vector_load %arg11[%get3A_1018, %get3A_1019] {strides = array<i32>} : memref<16x128xf32, #tpu.memory_space<vmem>>, vector<16xf32>,
      %add3A_1021 = arith.addf %add3A_1016, %get3A_1020 : vector<16xf32>
      %get3A_1022 = arith.constant 3 : i32
      %get3A_1023 = arith.index_cast %get3A_1022 : i32 to index
      %get3A_1024 = arith.constant 48 : index
      %get3A_1025 = tpu.vector_load %arg11[%get3A_1023, %get3A_1024] {strides = array<i32>} : memref<16x128xf32, #tpu.memory_space<vmem>>, vector<16xf32>,
      %add3A_1026 = arith.addf %add3A_1021, %get3A_1025 : vector<16xf32>
      %get3A_1027 = arith.constant 4 : i32
      %get3A_1028 = arith.index_cast %get3A_1027 : i32 to index
      %get3A_1029 = arith.constant 48 : index
      %get3A_1030 = tpu.vector_load %arg11[%get3A_1028, %get3A_1029] {strides = array<i32>} : memref<16x128xf32, #tpu.memory_space<vmem>>, vector<16xf32>,
      %add3A_1031 = arith.addf %add3A_1026, %get3A_1030 : vector<16xf32>
      %get3A_1032 = arith.constant 5 : i32
      %get3A_1033 = arith.index_cast %get3A_1032 : i32 to index
      %get3A_1034 = arith.constant 48 : index
      %get3A_1035 = tpu.vector_load %arg11[%get3A_1033, %get3A_1034] {strides = array<i32>} : memref<16x128xf32, #tpu.memory_space<vmem>>, vector<16xf32>,
      %add3A_1036 = arith.addf %add3A_1031, %get3A_1035 : vector<16xf32>
      %get3A_1037 = arith.constant 6 : i32
      %get3A_1038 = arith.index_cast %get3A_1037 : i32 to index
      %get3A_1039 = arith.constant 48 : index
      %get3A_1040 = tpu.vector_load %arg11[%get3A_1038, %get3A_1039] {strides = array<i32>} : memref<16x128xf32, #tpu.memory_space<vmem>>, vector<16xf32>,
      %add3A_1041 = arith.addf %add3A_1036, %get3A_1040 : vector<16xf32>
      %get3A_1042 = arith.constant 7 : i32
      %get3A_1043 = arith.index_cast %get3A_1042 : i32 to index
      %get3A_1044 = arith.constant 48 : index
      %get3A_1045 = tpu.vector_load %arg11[%get3A_1043, %get3A_1044] {strides = array<i32>} : memref<16x128xf32, #tpu.memory_space<vmem>>, vector<16xf32>,
      %add3A_1046 = arith.addf %add3A_1041, %get3A_1045 : vector<16xf32>
      %get3A_1047 = arith.constant 8 : i32
      %get3A_1048 = arith.index_cast %get3A_1047 : i32 to index
      %get3A_1049 = arith.constant 48 : index
      %get3A_1050 = tpu.vector_load %arg11[%get3A_1048, %get3A_1049] {strides = array<i32>} : memref<16x128xf32, #tpu.memory_space<vmem>>, vector<16xf32>,
      %add3A_1051 = arith.addf %add3A_1046, %get3A_1050 : vector<16xf32>
      %get3A_1052 = arith.constant 9 : i32
      %get3A_1053 = arith.index_cast %get3A_1052 : i32 to index
      %get3A_1054 = arith.constant 48 : index
      %get3A_1055 = tpu.vector_load %arg11[%get3A_1053, %get3A_1054] {strides = array<i32>} : memref<16x128xf32, #tpu.memory_space<vmem>>, vector<16xf32>,
      %add3A_1056 = arith.addf %add3A_1051, %get3A_1055 : vector<16xf32>
      %get3A_1057 = arith.constant 10 : i32
      %get3A_1058 = arith.index_cast %get3A_1057 : i32 to index
      %get3A_1059 = arith.constant 48 : index
      %get3A_1060 = tpu.vector_load %arg11[%get3A_1058, %get3A_1059] {strides = array<i32>} : memref<16x128xf32, #tpu.memory_space<vmem>>, vector<16xf32>,
      %add3A_1061 = arith.addf %add3A_1056, %get3A_1060 : vector<16xf32>
      %get3A_1062 = arith.constant 11 : i32
      %get3A_1063 = arith.index_cast %get3A_1062 : i32 to index
      %get3A_1064 = arith.constant 48 : index
      %get3A_1065 = tpu.vector_load %arg11[%get3A_1063, %get3A_1064] {strides = array<i32>} : memref<16x128xf32, #tpu.memory_space<vmem>>, vector<16xf32>,
      %add3A_1066 = arith.addf %add3A_1061, %get3A_1065 : vector<16xf32>
      %get3A_1067 = arith.constant 12 : i32
      %get3A_1068 = arith.index_cast %get3A_1067 : i32 to index
      %get3A_1069 = arith.constant 48 : index
      %get3A_1070 = tpu.vector_load %arg11[%get3A_1068, %get3A_1069] {strides = array<i32>} : memref<16x128xf32, #tpu.memory_space<vmem>>, vector<16xf32>,
      %add3A_1071 = arith.addf %add3A_1066, %get3A_1070 : vector<16xf32>
      %get3A_1072 = arith.constant 13 : i32
      %get3A_1073 = arith.index_cast %get3A_1072 : i32 to index
      %get3A_1074 = arith.constant 48 : index
      %get3A_1075 = tpu.vector_load %arg11[%get3A_1073, %get3A_1074] {strides = array<i32>} : memref<16x128xf32, #tpu.memory_space<vmem>>, vector<16xf32>,
      %add3A_1076 = arith.addf %add3A_1071, %get3A_1075 : vector<16xf32>
      %get3A_1077 = arith.constant 14 : i32
      %get3A_1078 = arith.index_cast %get3A_1077 : i32 to index
      %get3A_1079 = arith.constant 48 : index
      %get3A_1080 = tpu.vector_load %arg11[%get3A_1078, %get3A_1079] {strides = array<i32>} : memref<16x128xf32, #tpu.memory_space<vmem>>, vector<16xf32>,
      %add3A_1081 = arith.addf %add3A_1076, %get3A_1080 : vector<16xf32>
      %get3A_1082 = arith.constant 15 : i32
      %get3A_1083 = arith.index_cast %get3A_1082 : i32 to index
      %get3A_1084 = arith.constant 48 : index
      %get3A_1085 = tpu.vector_load %arg11[%get3A_1083, %get3A_1084] {strides = array<i32>} : memref<16x128xf32, #tpu.memory_space<vmem>>, vector<16xf32>,
      %add3A_1086 = arith.addf %add3A_1081, %get3A_1085 : vector<16xf32>
      %swap3A_1087 = arith.constant 48 : index
      %swap3A_1088 = tpu.vector_load %arg10[%swap3A_1087] {strides = array<i32>} : memref<128xf32, #tpu.memory_space<vmem>>, vector<16xf32>,
      tpu.vector_store %arg10[%swap3A_1087], %add3A_1086 {strides = array<i32>} : memref<128xf32, #tpu.memory_space<vmem>>, vector<16xf32>,
      %broadcast_in_dim3A_1089 = arith.constant 0.000000e+00 : f32
      %broadcast_in_dim3A_1090 = vector.broadcast %broadcast_in_dim3A_1089 : f32 to vector<16xf32>
      %get3A_1091 = arith.constant 0 : i32
      %get3A_1092 = arith.index_cast %get3A_1091 : i32 to index
      %get3A_1093 = arith.constant 64 : index
      %get3A_1094 = tpu.vector_load %arg11[%get3A_1092, %get3A_1093] {strides = array<i32>} : memref<16x128xf32, #tpu.memory_space<vmem>>, vector<16xf32>,
      %add3A_1095 = arith.addf %broadcast_in_dim3A_1090, %get3A_1094 : vector<16xf32>
      %get3A_1096 = arith.constant 1 : i32
      %get3A_1097 = arith.index_cast %get3A_1096 : i32 to index
      %get3A_1098 = arith.constant 64 : index
      %get3A_1099 = tpu.vector_load %arg11[%get3A_1097, %get3A_1098] {strides = array<i32>} : memref<16x128xf32, #tpu.memory_space<vmem>>, vector<16xf32>,
      %add3A_1100 = arith.addf %add3A_1095, %get3A_1099 : vector<16xf32>
      %get3A_1101 = arith.constant 2 : i32
      %get3A_1102 = arith.index_cast %get3A_1101 : i32 to index
      %get3A_1103 = arith.constant 64 : index
      %get3A_1104 = tpu.vector_load %arg11[%get3A_1102, %get3A_1103] {strides = array<i32>} : memref<16x128xf32, #tpu.memory_space<vmem>>, vector<16xf32>,
      %add3A_1105 = arith.addf %add3A_1100, %get3A_1104 : vector<16xf32>
      %get3A_1106 = arith.constant 3 : i32
      %get3A_1107 = arith.index_cast %get3A_1106 : i32 to index
      %get3A_1108 = arith.constant 64 : index
      %get3A_1109 = tpu.vector_load %arg11[%get3A_1107, %get3A_1108] {strides = array<i32>} : memref<16x128xf32, #tpu.memory_space<vmem>>, vector<16xf32>,
      %add3A_1110 = arith.addf %add3A_1105, %get3A_1109 : vector<16xf32>
      %get3A_1111 = arith.constant 4 : i32
      %get3A_1112 = arith.index_cast %get3A_1111 : i32 to index
      %get3A_1113 = arith.constant 64 : index
      %get3A_1114 = tpu.vector_load %arg11[%get3A_1112, %get3A_1113] {strides = array<i32>} : memref<16x128xf32, #tpu.memory_space<vmem>>, vector<16xf32>,
      %add3A_1115 = arith.addf %add3A_1110, %get3A_1114 : vector<16xf32>
      %get3A_1116 = arith.constant 5 : i32
      %get3A_1117 = arith.index_cast %get3A_1116 : i32 to index
      %get3A_1118 = arith.constant 64 : index
      %get3A_1119 = tpu.vector_load %arg11[%get3A_1117, %get3A_1118] {strides = array<i32>} : memref<16x128xf32, #tpu.memory_space<vmem>>, vector<16xf32>,
      %add3A_1120 = arith.addf %add3A_1115, %get3A_1119 : vector<16xf32>
      %get3A_1121 = arith.constant 6 : i32
      %get3A_1122 = arith.index_cast %get3A_1121 : i32 to index
      %get3A_1123 = arith.constant 64 : index
      %get3A_1124 = tpu.vector_load %arg11[%get3A_1122, %get3A_1123] {strides = array<i32>} : memref<16x128xf32, #tpu.memory_space<vmem>>, vector<16xf32>,
      %add3A_1125 = arith.addf %add3A_1120, %get3A_1124 : vector<16xf32>
      %get3A_1126 = arith.constant 7 : i32
      %get3A_1127 = arith.index_cast %get3A_1126 : i32 to index
      %get3A_1128 = arith.constant 64 : index
      %get3A_1129 = tpu.vector_load %arg11[%get3A_1127, %get3A_1128] {strides = array<i32>} : memref<16x128xf32, #tpu.memory_space<vmem>>, vector<16xf32>,
      %add3A_1130 = arith.addf %add3A_1125, %get3A_1129 : vector<16xf32>
      %get3A_1131 = arith.constant 8 : i32
      %get3A_1132 = arith.index_cast %get3A_1131 : i32 to index
      %get3A_1133 = arith.constant 64 : index
      %get3A_1134 = tpu.vector_load %arg11[%get3A_1132, %get3A_1133] {strides = array<i32>} : memref<16x128xf32, #tpu.memory_space<vmem>>, vector<16xf32>,
      %add3A_1135 = arith.addf %add3A_1130, %get3A_1134 : vector<16xf32>
      %get3A_1136 = arith.constant 9 : i32
      %get3A_1137 = arith.index_cast %get3A_1136 : i32 to index
      %get3A_1138 = arith.constant 64 : index
      %get3A_1139 = tpu.vector_load %arg11[%get3A_1137, %get3A_1138] {strides = array<i32>} : memref<16x128xf32, #tpu.memory_space<vmem>>, vector<16xf32>,
      %add3A_1140 = arith.addf %add3A_1135, %get3A_1139 : vector<16xf32>
      %get3A_1141 = arith.constant 10 : i32
      %get3A_1142 = arith.index_cast %get3A_1141 : i32 to index
      %get3A_1143 = arith.constant 64 : index
      %get3A_1144 = tpu.vector_load %arg11[%get3A_1142, %get3A_1143] {strides = array<i32>} : memref<16x128xf32, #tpu.memory_space<vmem>>, vector<16xf32>,
      %add3A_1145 = arith.addf %add3A_1140, %get3A_1144 : vector<16xf32>
      %get3A_1146 = arith.constant 11 : i32
      %get3A_1147 = arith.index_cast %get3A_1146 : i32 to index
      %get3A_1148 = arith.constant 64 : index
      %get3A_1149 = tpu.vector_load %arg11[%get3A_1147, %get3A_1148] {strides = array<i32>} : memref<16x128xf32, #tpu.memory_space<vmem>>, vector<16xf32>,
      %add3A_1150 = arith.addf %add3A_1145, %get3A_1149 : vector<16xf32>
      %get3A_1151 = arith.constant 12 : i32
      %get3A_1152 = arith.index_cast %get3A_1151 : i32 to index
      %get3A_1153 = arith.constant 64 : index
      %get3A_1154 = tpu.vector_load %arg11[%get3A_1152, %get3A_1153] {strides = array<i32>} : memref<16x128xf32, #tpu.memory_space<vmem>>, vector<16xf32>,
      %add3A_1155 = arith.addf %add3A_1150, %get3A_1154 : vector<16xf32>
      %get3A_1156 = arith.constant 13 : i32
      %get3A_1157 = arith.index_cast %get3A_1156 : i32 to index
      %get3A_1158 = arith.constant 64 : index
      %get3A_1159 = tpu.vector_load %arg11[%get3A_1157, %get3A_1158] {strides = array<i32>} : memref<16x128xf32, #tpu.memory_space<vmem>>, vector<16xf32>,
      %add3A_1160 = arith.addf %add3A_1155, %get3A_1159 : vector<16xf32>
      %get3A_1161 = arith.constant 14 : i32
      %get3A_1162 = arith.index_cast %get3A_1161 : i32 to index
      %get3A_1163 = arith.constant 64 : index
      %get3A_1164 = tpu.vector_load %arg11[%get3A_1162, %get3A_1163] {strides = array<i32>} : memref<16x128xf32, #tpu.memory_space<vmem>>, vector<16xf32>,
      %add3A_1165 = arith.addf %add3A_1160, %get3A_1164 : vector<16xf32>
      %get3A_1166 = arith.constant 15 : i32
      %get3A_1167 = arith.index_cast %get3A_1166 : i32 to index
      %get3A_1168 = arith.constant 64 : index
      %get3A_1169 = tpu.vector_load %arg11[%get3A_1167, %get3A_1168] {strides = array<i32>} : memref<16x128xf32, #tpu.memory_space<vmem>>, vector<16xf32>,
      %add3A_1170 = arith.addf %add3A_1165, %get3A_1169 : vector<16xf32>
      %swap3A_1171 = arith.constant 64 : index
      %swap3A_1172 = tpu.vector_load %arg10[%swap3A_1171] {strides = array<i32>} : memref<128xf32, #tpu.memory_space<vmem>>, vector<16xf32>,
      tpu.vector_store %arg10[%swap3A_1171], %add3A_1170 {strides = array<i32>} : memref<128xf32, #tpu.memory_space<vmem>>, vector<16xf32>,
      %broadcast_in_dim3A_1173 = arith.constant 0.000000e+00 : f32
      %broadcast_in_dim3A_1174 = vector.broadcast %broadcast_in_dim3A_1173 : f32 to vector<16xf32>
      %get3A_1175 = arith.constant 0 : i32
      %get3A_1176 = arith.index_cast %get3A_1175 : i32 to index
      %get3A_1177 = arith.constant 80 : index
      %get3A_1178 = tpu.vector_load %arg11[%get3A_1176, %get3A_1177] {strides = array<i32>} : memref<16x128xf32, #tpu.memory_space<vmem>>, vector<16xf32>,
      %add3A_1179 = arith.addf %broadcast_in_dim3A_1174, %get3A_1178 : vector<16xf32>
      %get3A_1180 = arith.constant 1 : i32
      %get3A_1181 = arith.index_cast %get3A_1180 : i32 to index
      %get3A_1182 = arith.constant 80 : index
      %get3A_1183 = tpu.vector_load %arg11[%get3A_1181, %get3A_1182] {strides = array<i32>} : memref<16x128xf32, #tpu.memory_space<vmem>>, vector<16xf32>,
      %add3A_1184 = arith.addf %add3A_1179, %get3A_1183 : vector<16xf32>
      %get3A_1185 = arith.constant 2 : i32
      %get3A_1186 = arith.index_cast %get3A_1185 : i32 to index
      %get3A_1187 = arith.constant 80 : index
      %get3A_1188 = tpu.vector_load %arg11[%get3A_1186, %get3A_1187] {strides = array<i32>} : memref<16x128xf32, #tpu.memory_space<vmem>>, vector<16xf32>,
      %add3A_1189 = arith.addf %add3A_1184, %get3A_1188 : vector<16xf32>
      %get3A_1190 = arith.constant 3 : i32
      %get3A_1191 = arith.index_cast %get3A_1190 : i32 to index
      %get3A_1192 = arith.constant 80 : index
      %get3A_1193 = tpu.vector_load %arg11[%get3A_1191, %get3A_1192] {strides = array<i32>} : memref<16x128xf32, #tpu.memory_space<vmem>>, vector<16xf32>,
      %add3A_1194 = arith.addf %add3A_1189, %get3A_1193 : vector<16xf32>
      %get3A_1195 = arith.constant 4 : i32
      %get3A_1196 = arith.index_cast %get3A_1195 : i32 to index
      %get3A_1197 = arith.constant 80 : index
      %get3A_1198 = tpu.vector_load %arg11[%get3A_1196, %get3A_1197] {strides = array<i32>} : memref<16x128xf32, #tpu.memory_space<vmem>>, vector<16xf32>,
      %add3A_1199 = arith.addf %add3A_1194, %get3A_1198 : vector<16xf32>
      %get3A_1200 = arith.constant 5 : i32
      %get3A_1201 = arith.index_cast %get3A_1200 : i32 to index
      %get3A_1202 = arith.constant 80 : index
      %get3A_1203 = tpu.vector_load %arg11[%get3A_1201, %get3A_1202] {strides = array<i32>} : memref<16x128xf32, #tpu.memory_space<vmem>>, vector<16xf32>,
      %add3A_1204 = arith.addf %add3A_1199, %get3A_1203 : vector<16xf32>
      %get3A_1205 = arith.constant 6 : i32
      %get3A_1206 = arith.index_cast %get3A_1205 : i32 to index
      %get3A_1207 = arith.constant 80 : index
      %get3A_1208 = tpu.vector_load %arg11[%get3A_1206, %get3A_1207] {strides = array<i32>} : memref<16x128xf32, #tpu.memory_space<vmem>>, vector<16xf32>,
      %add3A_1209 = arith.addf %add3A_1204, %get3A_1208 : vector<16xf32>
      %get3A_1210 = arith.constant 7 : i32
      %get3A_1211 = arith.index_cast %get3A_1210 : i32 to index
      %get3A_1212 = arith.constant 80 : index
      %get3A_1213 = tpu.vector_load %arg11[%get3A_1211, %get3A_1212] {strides = array<i32>} : memref<16x128xf32, #tpu.memory_space<vmem>>, vector<16xf32>,
      %add3A_1214 = arith.addf %add3A_1209, %get3A_1213 : vector<16xf32>
      %get3A_1215 = arith.constant 8 : i32
      %get3A_1216 = arith.index_cast %get3A_1215 : i32 to index
      %get3A_1217 = arith.constant 80 : index
      %get3A_1218 = tpu.vector_load %arg11[%get3A_1216, %get3A_1217] {strides = array<i32>} : memref<16x128xf32, #tpu.memory_space<vmem>>, vector<16xf32>,
      %add3A_1219 = arith.addf %add3A_1214, %get3A_1218 : vector<16xf32>
      %get3A_1220 = arith.constant 9 : i32
      %get3A_1221 = arith.index_cast %get3A_1220 : i32 to index
      %get3A_1222 = arith.constant 80 : index
      %get3A_1223 = tpu.vector_load %arg11[%get3A_1221, %get3A_1222] {strides = array<i32>} : memref<16x128xf32, #tpu.memory_space<vmem>>, vector<16xf32>,
      %add3A_1224 = arith.addf %add3A_1219, %get3A_1223 : vector<16xf32>
      %get3A_1225 = arith.constant 10 : i32
      %get3A_1226 = arith.index_cast %get3A_1225 : i32 to index
      %get3A_1227 = arith.constant 80 : index
      %get3A_1228 = tpu.vector_load %arg11[%get3A_1226, %get3A_1227] {strides = array<i32>} : memref<16x128xf32, #tpu.memory_space<vmem>>, vector<16xf32>,
      %add3A_1229 = arith.addf %add3A_1224, %get3A_1228 : vector<16xf32>
      %get3A_1230 = arith.constant 11 : i32
      %get3A_1231 = arith.index_cast %get3A_1230 : i32 to index
      %get3A_1232 = arith.constant 80 : index
      %get3A_1233 = tpu.vector_load %arg11[%get3A_1231, %get3A_1232] {strides = array<i32>} : memref<16x128xf32, #tpu.memory_space<vmem>>, vector<16xf32>,
      %add3A_1234 = arith.addf %add3A_1229, %get3A_1233 : vector<16xf32>
      %get3A_1235 = arith.constant 12 : i32
      %get3A_1236 = arith.index_cast %get3A_1235 : i32 to index
      %get3A_1237 = arith.constant 80 : index
      %get3A_1238 = tpu.vector_load %arg11[%get3A_1236, %get3A_1237] {strides = array<i32>} : memref<16x128xf32, #tpu.memory_space<vmem>>, vector<16xf32>,
      %add3A_1239 = arith.addf %add3A_1234, %get3A_1238 : vector<16xf32>
      %get3A_1240 = arith.constant 13 : i32
      %get3A_1241 = arith.index_cast %get3A_1240 : i32 to index
      %get3A_1242 = arith.constant 80 : index
      %get3A_1243 = tpu.vector_load %arg11[%get3A_1241, %get3A_1242] {strides = array<i32>} : memref<16x128xf32, #tpu.memory_space<vmem>>, vector<16xf32>,
      %add3A_1244 = arith.addf %add3A_1239, %get3A_1243 : vector<16xf32>
      %get3A_1245 = arith.constant 14 : i32
      %get3A_1246 = arith.index_cast %get3A_1245 : i32 to index
      %get3A_1247 = arith.constant 80 : index
      %get3A_1248 = tpu.vector_load %arg11[%get3A_1246, %get3A_1247] {strides = array<i32>} : memref<16x128xf32, #tpu.memory_space<vmem>>, vector<16xf32>,
      %add3A_1249 = arith.addf %add3A_1244, %get3A_1248 : vector<16xf32>
      %get3A_1250 = arith.constant 15 : i32
      %get3A_1251 = arith.index_cast %get3A_1250 : i32 to index
      %get3A_1252 = arith.constant 80 : index
      %get3A_1253 = tpu.vector_load %arg11[%get3A_1251, %get3A_1252] {strides = array<i32>} : memref<16x128xf32, #tpu.memory_space<vmem>>, vector<16xf32>,
      %add3A_1254 = arith.addf %add3A_1249, %get3A_1253 : vector<16xf32>
      %swap3A_1255 = arith.constant 80 : index
      %swap3A_1256 = tpu.vector_load %arg10[%swap3A_1255] {strides = array<i32>} : memref<128xf32, #tpu.memory_space<vmem>>, vector<16xf32>,
      tpu.vector_store %arg10[%swap3A_1255], %add3A_1254 {strides = array<i32>} : memref<128xf32, #tpu.memory_space<vmem>>, vector<16xf32>,
      %broadcast_in_dim3A_1257 = arith.constant 0.000000e+00 : f32
      %broadcast_in_dim3A_1258 = vector.broadcast %broadcast_in_dim3A_1257 : f32 to vector<16xf32>
      %get3A_1259 = arith.constant 0 : i32
      %get3A_1260 = arith.index_cast %get3A_1259 : i32 to index
      %get3A_1261 = arith.constant 96 : index
      %get3A_1262 = tpu.vector_load %arg11[%get3A_1260, %get3A_1261] {strides = array<i32>} : memref<16x128xf32, #tpu.memory_space<vmem>>, vector<16xf32>,
      %add3A_1263 = arith.addf %broadcast_in_dim3A_1258, %get3A_1262 : vector<16xf32>
      %get3A_1264 = arith.constant 1 : i32
      %get3A_1265 = arith.index_cast %get3A_1264 : i32 to index
      %get3A_1266 = arith.constant 96 : index
      %get3A_1267 = tpu.vector_load %arg11[%get3A_1265, %get3A_1266] {strides = array<i32>} : memref<16x128xf32, #tpu.memory_space<vmem>>, vector<16xf32>,
      %add3A_1268 = arith.addf %add3A_1263, %get3A_1267 : vector<16xf32>
      %get3A_1269 = arith.constant 2 : i32
      %get3A_1270 = arith.index_cast %get3A_1269 : i32 to index
      %get3A_1271 = arith.constant 96 : index
      %get3A_1272 = tpu.vector_load %arg11[%get3A_1270, %get3A_1271] {strides = array<i32>} : memref<16x128xf32, #tpu.memory_space<vmem>>, vector<16xf32>,
      %add3A_1273 = arith.addf %add3A_1268, %get3A_1272 : vector<16xf32>
      %get3A_1274 = arith.constant 3 : i32
      %get3A_1275 = arith.index_cast %get3A_1274 : i32 to index
      %get3A_1276 = arith.constant 96 : index
      %get3A_1277 = tpu.vector_load %arg11[%get3A_1275, %get3A_1276] {strides = array<i32>} : memref<16x128xf32, #tpu.memory_space<vmem>>, vector<16xf32>,
      %add3A_1278 = arith.addf %add3A_1273, %get3A_1277 : vector<16xf32>
      %get3A_1279 = arith.constant 4 : i32
      %get3A_1280 = arith.index_cast %get3A_1279 : i32 to index
      %get3A_1281 = arith.constant 96 : index
      %get3A_1282 = tpu.vector_load %arg11[%get3A_1280, %get3A_1281] {strides = array<i32>} : memref<16x128xf32, #tpu.memory_space<vmem>>, vector<16xf32>,
      %add3A_1283 = arith.addf %add3A_1278, %get3A_1282 : vector<16xf32>
      %get3A_1284 = arith.constant 5 : i32
      %get3A_1285 = arith.index_cast %get3A_1284 : i32 to index
      %get3A_1286 = arith.constant 96 : index
      %get3A_1287 = tpu.vector_load %arg11[%get3A_1285, %get3A_1286] {strides = array<i32>} : memref<16x128xf32, #tpu.memory_space<vmem>>, vector<16xf32>,
      %add3A_1288 = arith.addf %add3A_1283, %get3A_1287 : vector<16xf32>
      %get3A_1289 = arith.constant 6 : i32
      %get3A_1290 = arith.index_cast %get3A_1289 : i32 to index
      %get3A_1291 = arith.constant 96 : index
      %get3A_1292 = tpu.vector_load %arg11[%get3A_1290, %get3A_1291] {strides = array<i32>} : memref<16x128xf32, #tpu.memory_space<vmem>>, vector<16xf32>,
      %add3A_1293 = arith.addf %add3A_1288, %get3A_1292 : vector<16xf32>
      %get3A_1294 = arith.constant 7 : i32
      %get3A_1295 = arith.index_cast %get3A_1294 : i32 to index
      %get3A_1296 = arith.constant 96 : index
      %get3A_1297 = tpu.vector_load %arg11[%get3A_1295, %get3A_1296] {strides = array<i32>} : memref<16x128xf32, #tpu.memory_space<vmem>>, vector<16xf32>,
      %add3A_1298 = arith.addf %add3A_1293, %get3A_1297 : vector<16xf32>
      %get3A_1299 = arith.constant 8 : i32
      %get3A_1300 = arith.index_cast %get3A_1299 : i32 to index
      %get3A_1301 = arith.constant 96 : index
      %get3A_1302 = tpu.vector_load %arg11[%get3A_1300, %get3A_1301] {strides = array<i32>} : memref<16x128xf32, #tpu.memory_space<vmem>>, vector<16xf32>,
      %add3A_1303 = arith.addf %add3A_1298, %get3A_1302 : vector<16xf32>
      %get3A_1304 = arith.constant 9 : i32
      %get3A_1305 = arith.index_cast %get3A_1304 : i32 to index
      %get3A_1306 = arith.constant 96 : index
      %get3A_1307 = tpu.vector_load %arg11[%get3A_1305, %get3A_1306] {strides = array<i32>} : memref<16x128xf32, #tpu.memory_space<vmem>>, vector<16xf32>,
      %add3A_1308 = arith.addf %add3A_1303, %get3A_1307 : vector<16xf32>
      %get3A_1309 = arith.constant 10 : i32
      %get3A_1310 = arith.index_cast %get3A_1309 : i32 to index
      %get3A_1311 = arith.constant 96 : index
      %get3A_1312 = tpu.vector_load %arg11[%get3A_1310, %get3A_1311] {strides = array<i32>} : memref<16x128xf32, #tpu.memory_space<vmem>>, vector<16xf32>,
      %add3A_1313 = arith.addf %add3A_1308, %get3A_1312 : vector<16xf32>
      %get3A_1314 = arith.constant 11 : i32
      %get3A_1315 = arith.index_cast %get3A_1314 : i32 to index
      %get3A_1316 = arith.constant 96 : index
      %get3A_1317 = tpu.vector_load %arg11[%get3A_1315, %get3A_1316] {strides = array<i32>} : memref<16x128xf32, #tpu.memory_space<vmem>>, vector<16xf32>,
      %add3A_1318 = arith.addf %add3A_1313, %get3A_1317 : vector<16xf32>
      %get3A_1319 = arith.constant 12 : i32
      %get3A_1320 = arith.index_cast %get3A_1319 : i32 to index
      %get3A_1321 = arith.constant 96 : index
      %get3A_1322 = tpu.vector_load %arg11[%get3A_1320, %get3A_1321] {strides = array<i32>} : memref<16x128xf32, #tpu.memory_space<vmem>>, vector<16xf32>,
      %add3A_1323 = arith.addf %add3A_1318, %get3A_1322 : vector<16xf32>
      %get3A_1324 = arith.constant 13 : i32
      %get3A_1325 = arith.index_cast %get3A_1324 : i32 to index
      %get3A_1326 = arith.constant 96 : index
      %get3A_1327 = tpu.vector_load %arg11[%get3A_1325, %get3A_1326] {strides = array<i32>} : memref<16x128xf32, #tpu.memory_space<vmem>>, vector<16xf32>,
      %add3A_1328 = arith.addf %add3A_1323, %get3A_1327 : vector<16xf32>
      %get3A_1329 = arith.constant 14 : i32
      %get3A_1330 = arith.index_cast %get3A_1329 : i32 to index
      %get3A_1331 = arith.constant 96 : index
      %get3A_1332 = tpu.vector_load %arg11[%get3A_1330, %get3A_1331] {strides = array<i32>} : memref<16x128xf32, #tpu.memory_space<vmem>>, vector<16xf32>,
      %add3A_1333 = arith.addf %add3A_1328, %get3A_1332 : vector<16xf32>
      %get3A_1334 = arith.constant 15 : i32
      %get3A_1335 = arith.index_cast %get3A_1334 : i32 to index
      %get3A_1336 = arith.constant 96 : index
      %get3A_1337 = tpu.vector_load %arg11[%get3A_1335, %get3A_1336] {strides = array<i32>} : memref<16x128xf32, #tpu.memory_space<vmem>>, vector<16xf32>,
      %add3A_1338 = arith.addf %add3A_1333, %get3A_1337 : vector<16xf32>
      %swap3A_1339 = arith.constant 96 : index
      %swap3A_1340 = tpu.vector_load %arg10[%swap3A_1339] {strides = array<i32>} : memref<128xf32, #tpu.memory_space<vmem>>, vector<16xf32>,
      tpu.vector_store %arg10[%swap3A_1339], %add3A_1338 {strides = array<i32>} : memref<128xf32, #tpu.memory_space<vmem>>, vector<16xf32>,
      %broadcast_in_dim3A_1341 = arith.constant 0.000000e+00 : f32
      %broadcast_in_dim3A_1342 = vector.broadcast %broadcast_in_dim3A_1341 : f32 to vector<16xf32>
      %get3A_1343 = arith.constant 0 : i32
      %get3A_1344 = arith.index_cast %get3A_1343 : i32 to index
      %get3A_1345 = arith.constant 112 : index
      %get3A_1346 = tpu.vector_load %arg11[%get3A_1344, %get3A_1345] {strides = array<i32>} : memref<16x128xf32, #tpu.memory_space<vmem>>, vector<16xf32>,
      %add3A_1347 = arith.addf %broadcast_in_dim3A_1342, %get3A_1346 : vector<16xf32>
      %get3A_1348 = arith.constant 1 : i32
      %get3A_1349 = arith.index_cast %get3A_1348 : i32 to index
      %get3A_1350 = arith.constant 112 : index
      %get3A_1351 = tpu.vector_load %arg11[%get3A_1349, %get3A_1350] {strides = array<i32>} : memref<16x128xf32, #tpu.memory_space<vmem>>, vector<16xf32>,
      %add3A_1352 = arith.addf %add3A_1347, %get3A_1351 : vector<16xf32>
      %get3A_1353 = arith.constant 2 : i32
      %get3A_1354 = arith.index_cast %get3A_1353 : i32 to index
      %get3A_1355 = arith.constant 112 : index
      %get3A_1356 = tpu.vector_load %arg11[%get3A_1354, %get3A_1355] {strides = array<i32>} : memref<16x128xf32, #tpu.memory_space<vmem>>, vector<16xf32>,
      %add3A_1357 = arith.addf %add3A_1352, %get3A_1356 : vector<16xf32>
      %get3A_1358 = arith.constant 3 : i32
      %get3A_1359 = arith.index_cast %get3A_1358 : i32 to index
      %get3A_1360 = arith.constant 112 : index
      %get3A_1361 = tpu.vector_load %arg11[%get3A_1359, %get3A_1360] {strides = array<i32>} : memref<16x128xf32, #tpu.memory_space<vmem>>, vector<16xf32>,
      %add3A_1362 = arith.addf %add3A_1357, %get3A_1361 : vector<16xf32>
      %get3A_1363 = arith.constant 4 : i32
      %get3A_1364 = arith.index_cast %get3A_1363 : i32 to index
      %get3A_1365 = arith.constant 112 : index
      %get3A_1366 = tpu.vector_load %arg11[%get3A_1364, %get3A_1365] {strides = array<i32>} : memref<16x128xf32, #tpu.memory_space<vmem>>, vector<16xf32>,
      %add3A_1367 = arith.addf %add3A_1362, %get3A_1366 : vector<16xf32>
      %get3A_1368 = arith.constant 5 : i32
      %get3A_1369 = arith.index_cast %get3A_1368 : i32 to index
      %get3A_1370 = arith.constant 112 : index
      %get3A_1371 = tpu.vector_load %arg11[%get3A_1369, %get3A_1370] {strides = array<i32>} : memref<16x128xf32, #tpu.memory_space<vmem>>, vector<16xf32>,
      %add3A_1372 = arith.addf %add3A_1367, %get3A_1371 : vector<16xf32>
      %get3A_1373 = arith.constant 6 : i32
      %get3A_1374 = arith.index_cast %get3A_1373 : i32 to index
      %get3A_1375 = arith.constant 112 : index
      %get3A_1376 = tpu.vector_load %arg11[%get3A_1374, %get3A_1375] {strides = array<i32>} : memref<16x128xf32, #tpu.memory_space<vmem>>, vector<16xf32>,
      %add3A_1377 = arith.addf %add3A_1372, %get3A_1376 : vector<16xf32>
      %get3A_1378 = arith.constant 7 : i32
      %get3A_1379 = arith.index_cast %get3A_1378 : i32 to index
      %get3A_1380 = arith.constant 112 : index
      %get3A_1381 = tpu.vector_load %arg11[%get3A_1379, %get3A_1380] {strides = array<i32>} : memref<16x128xf32, #tpu.memory_space<vmem>>, vector<16xf32>,
      %add3A_1382 = arith.addf %add3A_1377, %get3A_1381 : vector<16xf32>
      %get3A_1383 = arith.constant 8 : i32
      %get3A_1384 = arith.index_cast %get3A_1383 : i32 to index
      %get3A_1385 = arith.constant 112 : index
      %get3A_1386 = tpu.vector_load %arg11[%get3A_1384, %get3A_1385] {strides = array<i32>} : memref<16x128xf32, #tpu.memory_space<vmem>>, vector<16xf32>,
      %add3A_1387 = arith.addf %add3A_1382, %get3A_1386 : vector<16xf32>
      %get3A_1388 = arith.constant 9 : i32
      %get3A_1389 = arith.index_cast %get3A_1388 : i32 to index
      %get3A_1390 = arith.constant 112 : index
      %get3A_1391 = tpu.vector_load %arg11[%get3A_1389, %get3A_1390] {strides = array<i32>} : memref<16x128xf32, #tpu.memory_space<vmem>>, vector<16xf32>,
      %add3A_1392 = arith.addf %add3A_1387, %get3A_1391 : vector<16xf32>
      %get3A_1393 = arith.constant 10 : i32
      %get3A_1394 = arith.index_cast %get3A_1393 : i32 to index
      %get3A_1395 = arith.constant 112 : index
      %get3A_1396 = tpu.vector_load %arg11[%get3A_1394, %get3A_1395] {strides = array<i32>} : memref<16x128xf32, #tpu.memory_space<vmem>>, vector<16xf32>,
      %add3A_1397 = arith.addf %add3A_1392, %get3A_1396 : vector<16xf32>
      %get3A_1398 = arith.constant 11 : i32
      %get3A_1399 = arith.index_cast %get3A_1398 : i32 to index
      %get3A_1400 = arith.constant 112 : index
      %get3A_1401 = tpu.vector_load %arg11[%get3A_1399, %get3A_1400] {strides = array<i32>} : memref<16x128xf32, #tpu.memory_space<vmem>>, vector<16xf32>,
      %add3A_1402 = arith.addf %add3A_1397, %get3A_1401 : vector<16xf32>
      %get3A_1403 = arith.constant 12 : i32
      %get3A_1404 = arith.index_cast %get3A_1403 : i32 to index
      %get3A_1405 = arith.constant 112 : index
      %get3A_1406 = tpu.vector_load %arg11[%get3A_1404, %get3A_1405] {strides = array<i32>} : memref<16x128xf32, #tpu.memory_space<vmem>>, vector<16xf32>,
      %add3A_1407 = arith.addf %add3A_1402, %get3A_1406 : vector<16xf32>
      %get3A_1408 = arith.constant 13 : i32
      %get3A_1409 = arith.index_cast %get3A_1408 : i32 to index
      %get3A_1410 = arith.constant 112 : index
      %get3A_1411 = tpu.vector_load %arg11[%get3A_1409, %get3A_1410] {strides = array<i32>} : memref<16x128xf32, #tpu.memory_space<vmem>>, vector<16xf32>,
      %add3A_1412 = arith.addf %add3A_1407, %get3A_1411 : vector<16xf32>
      %get3A_1413 = arith.constant 14 : i32
      %get3A_1414 = arith.index_cast %get3A_1413 : i32 to index
      %get3A_1415 = arith.constant 112 : index
      %get3A_1416 = tpu.vector_load %arg11[%get3A_1414, %get3A_1415] {strides = array<i32>} : memref<16x128xf32, #tpu.memory_space<vmem>>, vector<16xf32>,
      %add3A_1417 = arith.addf %add3A_1412, %get3A_1416 : vector<16xf32>
      %get3A_1418 = arith.constant 15 : i32
      %get3A_1419 = arith.index_cast %get3A_1418 : i32 to index
      %get3A_1420 = arith.constant 112 : index
      %get3A_1421 = tpu.vector_load %arg11[%get3A_1419, %get3A_1420] {strides = array<i32>} : memref<16x128xf32, #tpu.memory_space<vmem>>, vector<16xf32>,
      %add3A_1422 = arith.addf %add3A_1417, %get3A_1421 : vector<16xf32>
      %swap3A_1423 = arith.constant 112 : index
      %swap3A_1424 = tpu.vector_load %arg10[%swap3A_1423] {strides = array<i32>} : memref<128xf32, #tpu.memory_space<vmem>>, vector<16xf32>,
      tpu.vector_store %arg10[%swap3A_1423], %add3A_1422 {strides = array<i32>} : memref<128xf32, #tpu.memory_space<vmem>>, vector<16xf32>,
      %mul3A_1425 = arith.constant 128 : i32
      %mul3A_1426 = arith.muli %arg0, %mul3A_1425 : i32
      "tpu.region"() ({
        %run_scoped3A = tpu.sem_alloc : memref<!tpu.dma_semaphore, #tpu.memory_space<semaphore_mem>>
        %dma_start3A = tpu.memref_slice %arg5[%mul3A_1426] : memref<256xf32, #tpu.memory_space<hbm>> -> memref<128xf32, #tpu.memory_space<hbm>>
        %dma_start3A_1427 = tpu.memref_slice %arg5[%mul3A_1426] : memref<256xf32, #tpu.memory_space<hbm>> -> memref<128xf32, #tpu.memory_space<hbm>>
        tpu.enqueue_dma source(%arg10 : memref<128xf32, #tpu.memory_space<vmem>>) target(%dma_start3A_1427 : memref<128xf32, #tpu.memory_space<hbm>>) target_semaphore(%run_scoped3A : memref<!tpu.dma_semaphore, #tpu.memory_space<semaphore_mem>>)
        %dma_wait3A = tpu.memref_slice %arg5[%mul3A_1426] : memref<256xf32, #tpu.memory_space<hbm>> -> memref<128xf32, #tpu.memory_space<hbm>>
        %dma_wait3A_1428 = tpu.memref_slice %arg5[%mul3A_1426] : memref<256xf32, #tpu.memory_space<hbm>> -> memref<128xf32, #tpu.memory_space<hbm>>
        tpu.wait_dma2 semaphore(%run_scoped3A : memref<!tpu.dma_semaphore, #tpu.memory_space<semaphore_mem>>) src(%arg10 : memref<128xf32, #tpu.memory_space<vmem>>) dst(%dma_wait3A_1428 : memref<128xf32, #tpu.memory_space<hbm>>)
        tpu.yield
      }) : () -> ()
    } else {
    }
    return
  }
}

module attributes {stable_mosaic.version = 14 : i64} {
  func.func @_gate_body(%arg0: i32, %arg1: memref<4000x129xf32, #tpu.memory_space<vmem>>, %arg2: memref<129x256xbf16, #tpu.memory_space<vmem>>, %arg3: memref<1x256xbf16, #tpu.memory_space<vmem>>, %arg4: memref<256x2xbf16, #tpu.memory_space<vmem>>, %arg5: memref<1x2xf32, #tpu.memory_space<vmem>>, %arg6: memref<4000x2xf32, #tpu.memory_space<vmem>>) attributes {dimension_semantics = [#tpu.dimension_semantics<arbitrary>], iteration_bounds = array<i64: 25>, scalar_prefetch = 0 : i64, scratch_operands = 0 : i64, tpu.core_type = #tpu.core_type<tc>, window_params = [{transform_indices = @transform_0, window_bounds = array<i64: 4000, 129>}, {pipeline_mode = #tpu.pipeline_mode<synchronous>, transform_indices = @transform_1, window_bounds = array<i64: 129, 256>}, {pipeline_mode = #tpu.pipeline_mode<synchronous>, transform_indices = @transform_2, window_bounds = array<i64: 1, 256>}, {pipeline_mode = #tpu.pipeline_mode<synchronous>, transform_indices = @transform_3, window_bounds = array<i64: 256, 2>}, {pipeline_mode = #tpu.pipeline_mode<synchronous>, transform_indices = @transform_4, window_bounds = array<i64: 1, 2>}, {transform_indices = @transform_5, window_bounds = array<i64: 4000, 2>}]} {
    %get3A = arith.constant 0 : index
    %get3A_0 = arith.constant 0 : index
    %get3A_1 = vector.load %arg1[%get3A, %get3A_0] : memref<4000x129xf32, #tpu.memory_space<vmem>>, vector<4000x129xf32>
    %convert_element_type3A = arith.truncf %get3A_1 : vector<4000x129xf32> to vector<4000x129xbf16>
    %get3A_2 = arith.constant 0 : index
    %get3A_3 = arith.constant 0 : index
    %get3A_4 = vector.load %arg2[%get3A_2, %get3A_3] : memref<129x256xbf16, #tpu.memory_space<vmem>>, vector<129x256xbf16>
    %dot_general3A = arith.constant dense<0.000000e+00> : vector<4000x256xf32>
    %dot_general3A_5 = tpu.matmul %convert_element_type3A, %get3A_4, %dot_general3A {dimension_numbers = #tpu.dot_dimension_numbers<[1], [0], [0], [1], [0, 0, 1, 1], [], []>, transpose_lhs_hint = false} : vector<4000x129xbf16>, vector<129x256xbf16>, vector<4000x256xf32> -> vector<4000x256xf32>
    %convert_element_type3A_6 = arith.truncf %dot_general3A_5 : vector<4000x256xf32> to vector<4000x256xbf16>
    %get3A_7 = arith.constant 0 : index
    %get3A_8 = arith.constant 0 : index
    %get3A_9 = vector.load %arg3[%get3A_7, %get3A_8] : memref<1x256xbf16, #tpu.memory_space<vmem>>, vector<1x256xbf16>
    %add3A = vector.broadcast %get3A_9 : vector<1x256xbf16> to vector<4000x256xbf16>
    %add3A_10 = arith.addf %convert_element_type3A_6, %add3A : vector<4000x256xbf16>
    %max3A = arith.constant 0.000000e+00 : bf16
    %max3A_11 = vector.broadcast %max3A : bf16 to vector<4000x256xbf16>
    %max3A_12 = arith.maximumf %add3A_10, %max3A_11 : vector<4000x256xbf16>
    %get3A_13 = arith.constant 0 : index
    %get3A_14 = arith.constant 0 : index
    %get3A_15 = vector.load %arg4[%get3A_13, %get3A_14] : memref<256x2xbf16, #tpu.memory_space<vmem>>, vector<256x2xbf16>
    %dot_general3A_16 = arith.constant dense<0.000000e+00> : vector<4000x2xf32>
    %dot_general3A_17 = tpu.matmul %max3A_12, %get3A_15, %dot_general3A_16 {dimension_numbers = #tpu.dot_dimension_numbers<[1], [0], [0], [1], [0, 0, 1, 1], [], []>, transpose_lhs_hint = false} : vector<4000x256xbf16>, vector<256x2xbf16>, vector<4000x2xf32> -> vector<4000x2xf32>
    %get3A_18 = arith.constant 0 : index
    %get3A_19 = arith.constant 0 : index
    %get3A_20 = vector.load %arg5[%get3A_18, %get3A_19] : memref<1x2xf32, #tpu.memory_space<vmem>>, vector<1x2xf32>
    %add3A_21 = vector.broadcast %get3A_20 : vector<1x2xf32> to vector<4000x2xf32>
    %add3A_22 = arith.addf %dot_general3A_17, %add3A_21 : vector<4000x2xf32>
    %swap3A = arith.constant 0 : index
    %swap3A_23 = arith.constant 0 : index
    %swap3A_24 = vector.load %arg6[%swap3A, %swap3A_23] : memref<4000x2xf32, #tpu.memory_space<vmem>>, vector<4000x2xf32>
    tpu.vector_store %arg6[%swap3A, %swap3A_23], %add3A_22 {strides = array<i32>} : memref<4000x2xf32, #tpu.memory_space<vmem>>, vector<4000x2xf32>,
    return
  }
  func.func @transform_0(%arg0: i32) -> (i32, i32) {
    %c0_i32 = arith.constant 0 : i32
    %c0_i32_0 = arith.constant 0 : i32
    return %arg0, %c0_i32 : i32, i32
  }
  func.func @transform_1(%arg0: i32) -> (i32, i32) {
    %c0_i32 = arith.constant 0 : i32
    %c0_i32_0 = arith.constant 0 : i32
    %c0_i32_1 = arith.constant 0 : i32
    return %c0_i32, %c0_i32_0 : i32, i32
  }
  func.func @transform_2(%arg0: i32) -> (i32, i32) {
    %c0_i32 = arith.constant 0 : i32
    %c0_i32_0 = arith.constant 0 : i32
    %c0_i32_1 = arith.constant 0 : i32
    return %c0_i32, %c0_i32_0 : i32, i32
  }
  func.func @transform_3(%arg0: i32) -> (i32, i32) {
    %c0_i32 = arith.constant 0 : i32
    %c0_i32_0 = arith.constant 0 : i32
    %c0_i32_1 = arith.constant 0 : i32
    return %c0_i32, %c0_i32_0 : i32, i32
  }
  func.func @transform_4(%arg0: i32) -> (i32, i32) {
    %c0_i32 = arith.constant 0 : i32
    %c0_i32_0 = arith.constant 0 : i32
    %c0_i32_1 = arith.constant 0 : i32
    return %c0_i32, %c0_i32_0 : i32, i32
  }
  func.func @transform_5(%arg0: i32) -> (i32, i32) {
    %c0_i32 = arith.constant 0 : i32
    %c0_i32_0 = arith.constant 0 : i32
    return %arg0, %c0_i32 : i32, i32
  }
}

module attributes {stable_mosaic.version = 14 : i64} {
  func.func @_feat_body(%arg0: i32, %arg1: memref<4000x129xf32, #tpu.memory_space<vmem>>, %arg2: memref<4000x1xi32, #tpu.memory_space<vmem>>, %arg3: memref<4000x2xf32, #tpu.memory_space<vmem>>, %arg4: memref<129x256xbf16, #tpu.memory_space<vmem>>, %arg5: memref<1x256xbf16, #tpu.memory_space<vmem>>, %arg6: memref<2x128x128xbf16, #tpu.memory_space<vmem>>, %arg7: memref<1x256xbf16, #tpu.memory_space<vmem>>, %arg8: memref<1x128xf32, #tpu.memory_space<vmem>>, %arg9: memref<2x64x128xf32, #tpu.memory_space<vmem>>, %arg10: memref<128x256xf32, #tpu.memory_space<vmem>>) attributes {dimension_semantics = [#tpu.dimension_semantics<arbitrary>], iteration_bounds = array<i64: 25>, scalar_prefetch = 0 : i64, scratch_operands = 1 : i64, tpu.core_type = #tpu.core_type<tc>, window_params = [{transform_indices = @transform_0, window_bounds = array<i64: 4000, 129>}, {transform_indices = @transform_1, window_bounds = array<i64: 4000, 1>}, {transform_indices = @transform_2, window_bounds = array<i64: 4000, 2>}, {pipeline_mode = #tpu.pipeline_mode<synchronous>, transform_indices = @transform_3, window_bounds = array<i64: 129, 256>}, {pipeline_mode = #tpu.pipeline_mode<synchronous>, transform_indices = @transform_4, window_bounds = array<i64: 1, 256>}, {pipeline_mode = #tpu.pipeline_mode<synchronous>, transform_indices = @transform_5, window_bounds = array<i64: 2, 128, 128>}, {pipeline_mode = #tpu.pipeline_mode<synchronous>, transform_indices = @transform_6, window_bounds = array<i64: 1, 256>}, {pipeline_mode = #tpu.pipeline_mode<synchronous>, transform_indices = @transform_7, window_bounds = array<i64: 1, 128>}, {pipeline_mode = #tpu.pipeline_mode<synchronous>, transform_indices = @transform_8, window_bounds = array<i64: 2, 64, 128>}]} {
    %eq3A = arith.constant 0 : i32
    %eq3A_0 = arith.cmpi eq, %arg0, %eq3A : i32
    %convert_element_type3A = arith.extui %eq3A_0 : i1 to i32
    %cond3A = arith.constant 0 : i32
    %cond3A_1 = arith.cmpi ne, %convert_element_type3A, %cond3A : i32
    scf.if %cond3A_1 {
      %broadcast_in_dim3A_70 = arith.constant 0.000000e+00 : f32
      %broadcast_in_dim3A_71 = vector.broadcast %broadcast_in_dim3A_70 : f32 to vector<128x256xf32>
      %swap3A_72 = arith.constant 0 : index
      %swap3A_73 = arith.constant 0 : index
      %swap3A_74 = vector.load %arg10[%swap3A_72, %swap3A_73] : memref<128x256xf32, #tpu.memory_space<vmem>>, vector<128x256xf32>
      tpu.vector_store %arg10[%swap3A_72, %swap3A_73], %broadcast_in_dim3A_71 {strides = array<i32>} : memref<128x256xf32, #tpu.memory_space<vmem>>, vector<128x256xf32>,
    } else {
    }
    %get3A = arith.constant 0 : index
    %get3A_2 = arith.constant 0 : index
    %get3A_3 = vector.load %arg1[%get3A, %get3A_2] : memref<4000x129xf32, #tpu.memory_space<vmem>>, vector<4000x129xf32>
    %convert_element_type3A_4 = arith.truncf %get3A_3 : vector<4000x129xf32> to vector<4000x129xbf16>
    %get3A_5 = arith.constant 0 : index
    %get3A_6 = arith.constant 0 : index
    %get3A_7 = vector.load %arg4[%get3A_5, %get3A_6] : memref<129x256xbf16, #tpu.memory_space<vmem>>, vector<129x256xbf16>
    %dot_general3A = arith.constant dense<0.000000e+00> : vector<4000x256xf32>
    %dot_general3A_8 = tpu.matmul %convert_element_type3A_4, %get3A_7, %dot_general3A {dimension_numbers = #tpu.dot_dimension_numbers<[1], [0], [0], [1], [0, 0, 1, 1], [], []>, transpose_lhs_hint = false} : vector<4000x129xbf16>, vector<129x256xbf16>, vector<4000x256xf32> -> vector<4000x256xf32>
    %convert_element_type3A_9 = arith.truncf %dot_general3A_8 : vector<4000x256xf32> to vector<4000x256xbf16>
    %get3A_10 = arith.constant 0 : index
    %get3A_11 = arith.constant 0 : index
    %get3A_12 = vector.load %arg5[%get3A_10, %get3A_11] : memref<1x256xbf16, #tpu.memory_space<vmem>>, vector<1x256xbf16>
    %add3A = vector.broadcast %get3A_12 : vector<1x256xbf16> to vector<4000x256xbf16>
    %add3A_13 = arith.addf %convert_element_type3A_9, %add3A : vector<4000x256xbf16>
    %max3A = arith.constant 0.000000e+00 : bf16
    %max3A_14 = vector.broadcast %max3A : bf16 to vector<4000x256xbf16>
    %max3A_15 = arith.maximumf %add3A_13, %max3A_14 : vector<4000x256xbf16>
    %get3A_16 = arith.constant 0 : index
    %get3A_17 = arith.constant 0 : index
    %get3A_18 = vector.load %arg2[%get3A_16, %get3A_17] : memref<4000x1xi32, #tpu.memory_space<vmem>>, vector<4000x1xi32>
    %iota3A = tpu.iota {dimensions = array<i32: 1>} : vector<4000x128xi32>
    %and3A = arith.constant 63 : i32
    %and3A_19 = vector.broadcast %and3A : i32 to vector<4000x128xi32>
    %and3A_20 = arith.andi %iota3A, %and3A_19 : vector<4000x128xi32>
    %eq3A_21 = vector.broadcast %get3A_18 : vector<4000x1xi32> to vector<4000x128xi32>
    %eq3A_22 = arith.cmpi eq, %eq3A_21, %and3A_20 : vector<4000x128xi32>
    %get3A_23 = arith.constant 0 : index
    %get3A_24 = arith.constant 0 : index
    %get3A_25 = vector.load %arg3[%get3A_23, %get3A_24] : memref<4000x2xf32, #tpu.memory_space<vmem>>, vector<4000x2xf32>
    %lt3A = arith.constant 64 : i32
    %lt3A_26 = vector.broadcast %lt3A : i32 to vector<4000x128xi32>
    %lt3A_27 = arith.cmpi slt, %iota3A, %lt3A_26 : vector<4000x128xi32>
    %slice3A = vector.extract_strided_slice %get3A_25 {offsets = [0, 0], sizes = [4000, 1], strides = [1, 1]} : vector<4000x2xf32> to vector<4000x1xf32>
    %slice3A_28 = vector.extract_strided_slice %get3A_25 {offsets = [0, 1], sizes = [4000, 1], strides = [1, 1]} : vector<4000x2xf32> to vector<4000x1xf32>
    %broadcast_in_dim3A = vector.shape_cast %slice3A : vector<4000x1xf32> to vector<4000x1xf32>
    %broadcast_in_dim3A_29 = vector.broadcast %broadcast_in_dim3A : vector<4000x1xf32> to vector<4000x128xf32>
    %broadcast_in_dim3A_30 = vector.shape_cast %slice3A_28 : vector<4000x1xf32> to vector<4000x1xf32>
    %broadcast_in_dim3A_31 = vector.broadcast %broadcast_in_dim3A_30 : vector<4000x1xf32> to vector<4000x128xf32>
    %select_n3A = arith.select %lt3A_27, %broadcast_in_dim3A_29, %broadcast_in_dim3A_31 : vector<4000x128xi1>, vector<4000x128xf32>
    %jit3A = arith.constant 0.000000e+00 : f32
    %broadcast_in_dim3A_32 = vector.broadcast %jit3A : f32 to vector<4000x128xf32>
    %select_n3A_33 = arith.select %eq3A_22, %select_n3A, %broadcast_in_dim3A_32 : vector<4000x128xi1>, vector<4000x128xf32>
    %slice3A_34 = vector.extract_strided_slice %max3A_15 {offsets = [0, 0], sizes = [4000, 128], strides = [1, 1]} : vector<4000x256xbf16> to vector<4000x128xbf16>
    %get3A_35 = arith.constant 0 : index
    %get3A_36 = arith.constant 0 : index
    %get3A_37 = arith.constant 0 : index
    %get3A_38 = vector.load %arg6[%get3A_35, %get3A_36, %get3A_37] : memref<2x128x128xbf16, #tpu.memory_space<vmem>>, vector<1x128x128xbf16>
    %get3A_39 = vector.shape_cast %get3A_38 : vector<1x128x128xbf16> to vector<128x128xbf16>
    %dot_general3A_40 = arith.constant dense<0.000000e+00> : vector<4000x128xf32>
    %dot_general3A_41 = tpu.matmul %slice3A_34, %get3A_39, %dot_general3A_40 {dimension_numbers = #tpu.dot_dimension_numbers<[1], [0], [0], [1], [0, 0, 1, 1], [], []>, transpose_lhs_hint = false} : vector<4000x128xbf16>, vector<128x128xbf16>, vector<4000x128xf32> -> vector<4000x128xf32>
    %slice3A_42 = vector.extract_strided_slice %max3A_15 {offsets = [0, 128], sizes = [4000, 128], strides = [1, 1]} : vector<4000x256xbf16> to vector<4000x128xbf16>
    %get3A_43 = arith.constant 1 : index
    %get3A_44 = arith.constant 0 : index
    %get3A_45 = arith.constant 0 : index
    %get3A_46 = vector.load %arg6[%get3A_43, %get3A_44, %get3A_45] : memref<2x128x128xbf16, #tpu.memory_space<vmem>>, vector<1x128x128xbf16>
    %get3A_47 = vector.shape_cast %get3A_46 : vector<1x128x128xbf16> to vector<128x128xbf16>
    %dot_general3A_48 = arith.constant dense<0.000000e+00> : vector<4000x128xf32>
    %dot_general3A_49 = tpu.matmul %slice3A_42, %get3A_47, %dot_general3A_48 {dimension_numbers = #tpu.dot_dimension_numbers<[1], [0], [0], [1], [0, 0, 1, 1], [], []>, transpose_lhs_hint = false} : vector<4000x128xbf16>, vector<128x128xbf16>, vector<4000x128xf32> -> vector<4000x128xf32>
    %concatenate3A = tpu.concatenate %dot_general3A_41, %dot_general3A_49 in 1 : vector<4000x128xf32>, vector<4000x128xf32> -> vector<4000x256xf32>
    %convert_element_type3A_50 = arith.truncf %concatenate3A : vector<4000x256xf32> to vector<4000x256xbf16>
    %get3A_51 = arith.constant 0 : index
    %get3A_52 = arith.constant 0 : index
    %get3A_53 = vector.load %arg7[%get3A_51, %get3A_52] : memref<1x256xbf16, #tpu.memory_space<vmem>>, vector<1x256xbf16>
    %add3A_54 = vector.broadcast %get3A_53 : vector<1x256xbf16> to vector<4000x256xbf16>
    %add3A_55 = arith.addf %convert_element_type3A_50, %add3A_54 : vector<4000x256xbf16>
    %get3A_56 = arith.constant 0 : index
    %get3A_57 = arith.constant 0 : index
    %get3A_58 = vector.load %arg10[%get3A_56, %get3A_57] : memref<128x256xf32, #tpu.memory_space<vmem>>, vector<128x256xf32>
    %convert_element_type3A_59 = arith.truncf %select_n3A_33 : vector<4000x128xf32> to vector<4000x128xbf16>
    %dot_general3A_60 = arith.constant dense<0.000000e+00> : vector<128x256xf32>
    %dot_general3A_61 = tpu.matmul %convert_element_type3A_59, %add3A_55, %dot_general3A_60 {dimension_numbers = #tpu.dot_dimension_numbers<[0], [0], [1], [1], [0, 1, 1, 1], [], []>, transpose_lhs_hint = false} : vector<4000x128xbf16>, vector<4000x256xbf16>, vector<128x256xf32> -> vector<128x256xf32>
    %add3A_62 = arith.addf %get3A_58, %dot_general3A_61 : vector<128x256xf32>
    %swap3A = arith.constant 0 : index
    %swap3A_63 = arith.constant 0 : index
    %swap3A_64 = vector.load %arg10[%swap3A, %swap3A_63] : memref<128x256xf32, #tpu.memory_space<vmem>>, vector<128x256xf32>
    tpu.vector_store %arg10[%swap3A, %swap3A_63], %add3A_62 {strides = array<i32>} : memref<128x256xf32, #tpu.memory_space<vmem>>, vector<128x256xf32>,
    %eq3A_65 = arith.constant 24 : i32
    %eq3A_66 = arith.cmpi eq, %arg0, %eq3A_65 : i32
    %convert_element_type3A_67 = arith.extui %eq3A_66 : i1 to i32
    %cond3A_68 = arith.constant 0 : i32
    %cond3A_69 = arith.cmpi ne, %convert_element_type3A_67, %cond3A_68 : i32
    scf.if %cond3A_69 {
      %get3A_70 = arith.constant 0 : index
      %get3A_71 = arith.constant 0 : index
      %get3A_72 = vector.load %arg8[%get3A_70, %get3A_71] : memref<1x128xf32, #tpu.memory_space<vmem>>, vector<1x64xf32>
      %transpose3A = tpu.transpose %get3A_72, [1, 0] : vector<1x64xf32> -> vector<64x1xf32>
      %get3A_73 = arith.constant 0 : index
      %get3A_74 = arith.constant 0 : index
      %get3A_75 = vector.load %arg10[%get3A_73, %get3A_74] : memref<128x256xf32, #tpu.memory_space<vmem>>, vector<64x128xf32>
      %gt3A = arith.constant 0.000000e+00 : f32
      %gt3A_76 = vector.broadcast %gt3A : f32 to vector<64x1xf32>
      %gt3A_77 = arith.cmpf ogt, %transpose3A, %gt3A_76 : vector<64x1xf32>
      %div3A = vector.broadcast %transpose3A : vector<64x1xf32> to vector<64x128xf32>
      %div3A_78 = arith.divf %get3A_75, %div3A : vector<64x128xf32>
      %jit3A_79 = arith.constant 0.000000e+00 : f32
      %broadcast_in_dim3A_80 = vector.shape_cast %gt3A_77 : vector<64x1xi1> to vector<64x1xi1>
      %broadcast_in_dim3A_81 = vector.broadcast %broadcast_in_dim3A_80 : vector<64x1xi1> to vector<64x128xi1>
      %broadcast_in_dim3A_82 = vector.broadcast %jit3A_79 : f32 to vector<64x128xf32>
      %select_n3A_83 = arith.select %broadcast_in_dim3A_81, %div3A_78, %broadcast_in_dim3A_82 : vector<64x128xi1>, vector<64x128xf32>
      %swap3A_84 = arith.constant 0 : index
      %swap3A_85 = arith.constant 0 : index
      %swap3A_86 = arith.constant 0 : index
      %swap3A_87 = vector.load %arg9[%swap3A_84, %swap3A_85, %swap3A_86] : memref<2x64x128xf32, #tpu.memory_space<vmem>>, vector<1x64x128xf32>
      %swap3A_88 = vector.shape_cast %swap3A_87 : vector<1x64x128xf32> to vector<64x128xf32>
      %swap3A_89 = vector.shape_cast %select_n3A_83 : vector<64x128xf32> to vector<1x64x128xf32>
      tpu.vector_store %arg9[%swap3A_84, %swap3A_85, %swap3A_86], %swap3A_89 {strides = array<i32>} : memref<2x64x128xf32, #tpu.memory_space<vmem>>, vector<1x64x128xf32>,
      %get3A_90 = arith.constant 0 : index
      %get3A_91 = arith.constant 64 : index
      %get3A_92 = vector.load %arg8[%get3A_90, %get3A_91] : memref<1x128xf32, #tpu.memory_space<vmem>>, vector<1x64xf32>
      %transpose3A_93 = tpu.transpose %get3A_92, [1, 0] : vector<1x64xf32> -> vector<64x1xf32>
      %get3A_94 = arith.constant 64 : index
      %get3A_95 = arith.constant 128 : index
      %get3A_96 = vector.load %arg10[%get3A_94, %get3A_95] : memref<128x256xf32, #tpu.memory_space<vmem>>, vector<64x128xf32>
      %gt3A_97 = arith.constant 0.000000e+00 : f32
      %gt3A_98 = vector.broadcast %gt3A_97 : f32 to vector<64x1xf32>
      %gt3A_99 = arith.cmpf ogt, %transpose3A_93, %gt3A_98 : vector<64x1xf32>
      %div3A_100 = vector.broadcast %transpose3A_93 : vector<64x1xf32> to vector<64x128xf32>
      %div3A_101 = arith.divf %get3A_96, %div3A_100 : vector<64x128xf32>
      %jit3A_102 = arith.constant 0.000000e+00 : f32
      %broadcast_in_dim3A_103 = vector.shape_cast %gt3A_99 : vector<64x1xi1> to vector<64x1xi1>
      %broadcast_in_dim3A_104 = vector.broadcast %broadcast_in_dim3A_103 : vector<64x1xi1> to vector<64x128xi1>
      %broadcast_in_dim3A_105 = vector.broadcast %jit3A_102 : f32 to vector<64x128xf32>
      %select_n3A_106 = arith.select %broadcast_in_dim3A_104, %div3A_101, %broadcast_in_dim3A_105 : vector<64x128xi1>, vector<64x128xf32>
      %swap3A_107 = arith.constant 1 : index
      %swap3A_108 = arith.constant 0 : index
      %swap3A_109 = arith.constant 0 : index
      %swap3A_110 = vector.load %arg9[%swap3A_107, %swap3A_108, %swap3A_109] : memref<2x64x128xf32, #tpu.memory_space<vmem>>, vector<1x64x128xf32>
      %swap3A_111 = vector.shape_cast %swap3A_110 : vector<1x64x128xf32> to vector<64x128xf32>
      %swap3A_112 = vector.shape_cast %select_n3A_106 : vector<64x128xf32> to vector<1x64x128xf32>
      tpu.vector_store %arg9[%swap3A_107, %swap3A_108, %swap3A_109], %swap3A_112 {strides = array<i32>} : memref<2x64x128xf32, #tpu.memory_space<vmem>>, vector<1x64x128xf32>,
    } else {
    }
    return
  }
  func.func @transform_0(%arg0: i32) -> (i32, i32) {
    %c0_i32 = arith.constant 0 : i32
    %c0_i32_0 = arith.constant 0 : i32
    return %arg0, %c0_i32 : i32, i32
  }
  func.func @transform_1(%arg0: i32) -> (i32, i32) {
    %c0_i32 = arith.constant 0 : i32
    %c0_i32_0 = arith.constant 0 : i32
    return %arg0, %c0_i32 : i32, i32
  }
  func.func @transform_2(%arg0: i32) -> (i32, i32) {
    %c0_i32 = arith.constant 0 : i32
    %c0_i32_0 = arith.constant 0 : i32
    return %arg0, %c0_i32 : i32, i32
  }
  func.func @transform_3(%arg0: i32) -> (i32, i32) {
    %c0_i32 = arith.constant 0 : i32
    %c0_i32_0 = arith.constant 0 : i32
    %c0_i32_1 = arith.constant 0 : i32
    return %c0_i32, %c0_i32_0 : i32, i32
  }
  func.func @transform_4(%arg0: i32) -> (i32, i32) {
    %c0_i32 = arith.constant 0 : i32
    %c0_i32_0 = arith.constant 0 : i32
    %c0_i32_1 = arith.constant 0 : i32
    return %c0_i32, %c0_i32_0 : i32, i32
  }
  func.func @transform_5(%arg0: i32) -> (i32, i32, i32) {
    %c0_i32 = arith.constant 0 : i32
    %c0_i32_0 = arith.constant 0 : i32
    %c0_i32_1 = arith.constant 0 : i32
    %c0_i32_2 = arith.constant 0 : i32
    return %c0_i32, %c0_i32_0, %c0_i32_1 : i32, i32, i32
  }
  func.func @transform_6(%arg0: i32) -> (i32, i32) {
    %c0_i32 = arith.constant 0 : i32
    %c0_i32_0 = arith.constant 0 : i32
    %c0_i32_1 = arith.constant 0 : i32
    return %c0_i32, %c0_i32_0 : i32, i32
  }
  func.func @transform_7(%arg0: i32) -> (i32, i32) {
    %c0_i32 = arith.constant 0 : i32
    %c0_i32_0 = arith.constant 0 : i32
    %c0_i32_1 = arith.constant 0 : i32
    return %c0_i32, %c0_i32_0 : i32, i32
  }
  func.func @transform_8(%arg0: i32) -> (i32, i32, i32) {
    %c0_i32 = arith.constant 0 : i32
    %c0_i32_0 = arith.constant 0 : i32
    %c0_i32_1 = arith.constant 0 : i32
    %c0_i32_2 = arith.constant 0 : i32
    return %c0_i32, %c0_i32_0, %c0_i32_1 : i32, i32, i32
  }
}

</mosaic_0001>

<sc_bundles>
// kernel: kernel.5.cloned.1.call-start
scs
__scs_entry_jumppad:
0x0: {  	(pc) =	sbr.rel $0x88, $3  }
0x1: {  	(tag) =	ssettag $0x0;
	lr =	simm.s32 $0x1  }
0x2: {  	[smem:$0x3F90] =	sst lr;
	_ =	strace $0xD0000000  }
0x3: {  	_ = 	snop  }
0x4: {  	_ = 	snop  }
0x5: {  	_ = 	snop  }
0x6: {  	_ = 	snop  }
0x7: {  	_ = 	snop  }
__scs_overlays_trampoline_lowered:
0x8: {  	[smem:$0x3F9F] =	sst s0  }
0x9: {  	[smem:$0x3FA0] =	sst s1  }
0xa: {  	[smem:$0x3FA1] =	sst s2  }
0xb: {  	[smem:$0x3FA2] =	sst s3  }
0xc: {  	[smem:$0x3FA3] =	sst s4  }
0xd: {  	[smem:$0x3FA4] =	sst s5  }
0xe: {  	[smem:$0x3FA5] =	sst s6  }
0xf: {  	[smem:$0x3FA6] =	sst s7  }
0x10: {  	[smem:$0x3FA7] =	sst s8  }
0x11: {  	[smem:$0x3FA8] =	sst s9;
	s0 =	simm.s32 @!p0 $0x0  }
0x12: {  	s1 =	sld [smem:$0x3F8E];
	s0 =	simm.s32 @p0 $0x1  }
0x13: {  	[smem:$0x3FA9] =	sst s0;
	s0 =	simm.s32 @!p1 $0x0  }
0x14: {  	s2 =	sld [smem:$0x3F8D];
	s0 =	simm.s32 @p1 $0x1  }
0x15: {  	[smem:$0x3FAA] =	sst s0;
	s0 =	simm.s32 @!p2 $0x0  }
0x16: {  	s3 =	sld [smem:$0x3FDB];
	s0 =	simm.s32 @p2 $0x1  }
0x17: {  	s4 =	simm.s32 $0x1BF5;
	[smem:$0x3FAC] =	sst s0  }
0x18: {  	s0 =	sld [smem:$0x3F8F];
	_ =	swait.ge [sflag:s4], $0x0  }
0x19: {  	s7 =	sld [smem:$0x3F90]  }
0x1a: {  	s8 =	sadd.s32 $0xFFFFE003, lr  }
0x1b: {  	s9 =	sadd.s32 $0xFFFFFEF7, lr;
	s5 =	simm.s32 $0xFFFFFFFF;
	p2 =	slt.u32 s8, $0xFFFFF086  }
0x1c: {  	p1 =	slt.u32 s9, $0xF7A;
	s5 =	simm.s32 @!p2 $0x0  }
0x1d: {  	s5 =	simm.s32 @p1 $0x1;
	p0 =	seq.s32 s7, s2  }
0x1e: {  	s7 =	smul.u32 @!p0 $0xF7A, s2;
	p2 =	seq.s32 @!p0 s5, $0x0  }
0x1f: {  	s9 =	smul.u32 $0xF7A, s1;
	s8 =	simm.s32 @!p0 $0x1BF5;
	p2 =	por !p2, p0  }
0x20: {  	[sflag:s8] =	ssyncset.s32 @!p0 $0xFFFFF086;
	s6 =	sadd.s32 @!p0 s3, s7;
	s7 =	simm.s32 @!p0 $0x108  }
0x21: {  	s3 =	sadd.s32 s3, s9;
	s6 =	sadd.s32 @!p0 $0x88, s6;
	s7 =	simm.s32 @p2 $0x1082  }
0x22: {  	[simem:s7], [sflag:s8] =	dma.local @!p0 [hbm:s6], $0xF7A  }
0x23: {  	s9 =	sor.u32 $0xD0000000, s2;
	s6 =	simm.s32 $0x108;
	_ =	swait.ge @!p0 [sflag:s8], $0x0  }
0x24: {  	s3 =	sadd.s32 $0x88, s3;
	s6 =	simm.s32 @!p1 $0x1082;
	[sflag:s4] =	ssyncset.s32 $0xFFFFF086  }
0x25: {  	[simem:s6], [sflag:s4] =	dma.local [hbm:s3], $0xF7A  }
0x26: {  	[smem:$0x3F90] =	sst s1;
	(tag) =	ssettag s2;
	_ =	strace s9  }
0x27: {  	s1 =	sld [smem:$0x3FA0]  }
0x28: {  	s2 =	sld [smem:$0x3FA1]  }
0x29: {  	s4 =	sld [smem:$0x3FA3]  }
0x2a: {  	p0 =	seq.s32 s5, $0x0;
	s5 =	sld [smem:$0x3FA4]  }
0x2b: {  	s6 =	sld [smem:$0x3FA5]  }
0x2c: {  	s7 =	sld [smem:$0x3FA6]  }
0x2d: {  	s3 =	simm.s32 $0x108;
	s8 =	sld [smem:$0x3FA7]  }
0x2e: {  	s3 =	simm.s32 @!p0 $0x1082;
	s9 =	sld [smem:$0x3FA8]  }
0x2f: {  	lr =	sadd.s32 s0, s3;
	s0 =	sld [smem:$0x3F9F]  }
0x30: {  	s3 =	sld [smem:$0x3FA2]  }
0x31: {  	[smem:$0x3FAB] =	sst s10  }
0x32: {  	s10 =	sld [smem:$0x3FA9];
	_ =	sdelay $0x3  }
0x33: {  	p0 =	seq.s32 s10, $0x1;
	s10 =	sld [smem:$0x3FAB];
	_ =	sdelay $0x3  }
0x34: {  	[smem:$0x3FAB] =	sst s10  }
0x35: {  	s10 =	sld [smem:$0x3FAA];
	_ =	sdelay $0x3  }
0x36: {  	p1 =	seq.s32 s10, $0x1;
	s10 =	sld [smem:$0x3FAB];
	_ =	sdelay $0x3  }
0x37: {  	[smem:$0x3FAB] =	sst s10  }
0x38: {  	s10 =	sld [smem:$0x3FAC]  }
0x39: {  	_ = 	snop;
	(pc) =	sbr.ind lr, $3  }
0x3a: {  	_ = 	snop  }
0x3b: {  	_ = 	snop  }
0x3c: {  	p2 =	seq.s32 s10, $0x1;
	s10 =	sld [smem:$0x3FAB]  }
0x3d: {  	_ =	shalt  }
0x3e: {  	_ =	shalt  }
0x3f: {  	_ =	shalt  }
0x40: {  	_ =	shalt  }
0x41: {  	_ =	shalt  }
0x42: {  	_ =	shalt  }
0x43: {  	_ =	shalt  }
0x44: {  	_ =	shalt  }
0x45: {  	_ =	shalt  }
0x46: {  	_ =	shalt  }
0x47: {  	_ =	shalt  }
0x48: {  	_ =	shalt  }
0x49: {  	_ =	shalt  }
0x4a: {  	_ =	shalt  }
0x4b: {  	_ =	shalt  }
0x4c: {  	_ =	shalt  }
0x4d: {  	_ =	shalt  }
0x4e: {  	_ =	shalt  }
0x4f: {  	_ =	shalt  }
0x50: {  	_ =	shalt  }
0x51: {  	_ =	shalt  }
0x52: {  	_ =	shalt  }
0x53: {  	_ =	shalt  }
0x54: {  	_ =	shalt  }
0x55: {  	_ =	shalt  }
0x56: {  	_ =	shalt  }
0x57: {  	_ =	shalt  }
0x58: {  	_ =	shalt  }
0x59: {  	_ =	shalt  }
0x5a: {  	_ =	shalt  }
0x5b: {  	_ =	shalt  }
0x5c: {  	_ =	shalt  }
0x5d: {  	_ =	shalt  }
0x5e: {  	_ =	shalt  }
0x5f: {  	_ =	shalt  }
0x60: {  	_ =	shalt  }
0x61: {  	_ =	shalt  }
0x62: {  	_ =	shalt  }
0x63: {  	_ =	shalt  }
0x64: {  	_ =	shalt  }
0x65: {  	_ =	shalt  }
0x66: {  	_ =	shalt  }
0x67: {  	_ =	shalt  }
0x68: {  	_ =	shalt  }
0x69: {  	_ =	shalt  }
0x6a: {  	_ =	shalt  }
0x6b: {  	_ =	shalt  }
0x6c: {  	_ =	shalt  }
0x6d: {  	_ =	shalt  }
0x6e: {  	_ =	shalt  }
0x6f: {  	_ =	shalt  }
0x70: {  	_ =	shalt  }
0x71: {  	_ =	shalt  }
0x72: {  	_ =	shalt  }
0x73: {  	_ =	shalt  }
0x74: {  	_ =	shalt  }
0x75: {  	_ =	shalt  }
0x76: {  	_ =	shalt  }
0x77: {  	_ =	shalt  }
0x78: {  	_ =	shalt  }
0x79: {  	_ =	shalt  }
0x7a: {  	_ =	shalt  }
0x7b: {  	_ =	shalt  }
0x7c: {  	_ =	shalt  }
0x7d: {  	_ =	shalt  }
0x7e: {  	_ =	shalt  }
0x7f: {  	_ =	shalt  }
0x80: {  	_ =	shalt  }
0x81: {  	_ =	shalt  }
0x82: {  	_ =	shalt  }
0x83: {  	_ =	shalt  }
0x84: {  	_ =	shalt  }
0x85: {  	_ =	shalt  }
0x86: {  	_ =	shalt  }
0x87: {  	_ =	shalt  }
.Lfunc_end0:
.L_simem_size_0:
called_computation_lowered:
.L_overlay_start_0:
0x88: {  	s2 =	sld [smem:$0x3FD9]  }
0x89: {  	s3 =	sld [smem:$0x3FFE];
	_ =	sdelay $0x1  }
0x8a: {  	s1 =	srdreg.scid  }
0x8b: {  	s0 =	sand.u32 $0x1, s1  }
0x8c: {  	s17 =	sshll.u32 s0, $0xA;
	s2 =	sadd.s32 s3, s2  }
0x8d: {  	s2 =	sadd.s32 s2, s17  }
0x8e: {  	[smem:$0x3FB7] =	sst s2  }
0x8f: {  	_ = 	snop  }
0x90: {  	s2 =	sld [smem:$0x3FD0];
	(tm) =	ssettm $0x1  }
0x91: {  	s18 =	sld [smem:$0x3FFB];
	_ =	sdelay $0x3  }
0x92: {  	_ =	strace s18  }
0x93: {  	s3 =	sld [smem:$0x3FFC];
	_ =	sdelay $0x3  }
0x94: {  	_ =	strace s3  }
0x95: {  	s3 =	sld [smem:$0x3FFD];
	_ =	sdelay $0x3  }
0x96: {  	_ =	strace s3  }
0x97: {  	_ =	strace $0x8FFFFFFF  }
0x98: {  	s19 =	sld [smem:$0x3FDB];
	_ =	sdelay $0x1  }
0x99: {  	s4 =	simm.s32 $_scs_section_size  }
0x9a: {  	s5 =	simm.s32 $_size__tile_overlayer_lowered;
	s6 =	simm.s32 $_tile_overlayer_lowered  }
0x9b: {  	s22 =	simm.s32 $0x1BFF;
	s21 =	sshll.u32 s6, $0x1;
	s3 =	sadd.s32 s4, s19  }
0x9c: {  	s7 =	simm.s32 $0x0;
	s20 =	sshll.u32 s5, $0x1;
	s5 =	sadd.s32 s21, s3  }
0x9d: {  	[timem:s7], [sflag:s22] =	dma.local [hbm:s5], s20  }
0x9e: {  	_ =	swait.ge [sflag:s22], s20  }
0x9f: {  	s4 =	ssub.s32 $0x0, s20;
	[sflag:s22] =	ssyncset.done $0x0  }
0xa0: {  	[sflag:s22] =	ssyncadd.s32 s4;
	_ =	sdelay $0x1  }
0xa1: {  	s23 =	simm.s32 $0x1B8B  }
0xa2: {  	_ =	swait.ge [sflag:s23], $0x1  }
0xa3: {  	[sflag:s23] =	ssyncset.done $0x0  }
0xa4: {  	s25 =	simm.s32 $0x1B8E;
	s24 =	sld [smem:$0x3FFE];
	[sflag:s23] =	ssyncadd.s32 $0xFFFFFFFF  }
0xa5: {  	s26 =	simm.s32 $execute0_lowered;
	[smem:$0x3FD2] =	sst s25  }
0xa6: {  	s5 =	sshll.u32 s26, $0x1;
	_ =	strace $0x80000046;
	[dreg:$0x1] =	wrdreg $0xFFFFFFFF  }
0xa7: {  	s28 =	simm.s32 $_size_execute0_lowered;
	s3 =	sadd.s32 s3, s5;
	[dreg:$0x0] =	wrdreg $0x0  }
0xa8: {  	s5 =	sshll.u32 s28, $0x1;
	[dreg:$0x2] =	wrdreg s3  }
0xa9: {  	[dreg:$0x3] =	wrdreg s5  }
0xaa: {  	[dreg:$0x4] =	wrdreg $0xC0  }
0xab: {  	_ =	task [dreg:s7], $0x5FFFF  }
0xac: {  	[dreg:$0x1] =	wrdreg $0xFFFFFFFF  }
0xad: {  	[dreg:$0x0] =	wrdreg $0x60  }
0xae: {  	[dreg:$0x2] =	wrdreg s24  }
0xaf: {  	[dreg:$0x3] =	wrdreg s2  }
0xb0: {  	[dreg:$0x4] =	wrdreg $0x52800  }
0xb1: {  	[dreg:$0x5] =	wrdreg $0x9  }
0xb2: {  	_ =	task.clear_ibuf [dreg:s7], $0x6FFFF;
	_ =	strace $0x90000046  }
0xb3: {  	s29 =	simm.s32 $0x9;
	_ =	strace $0x80000048  }
0xb4: {  	_ =	swait.ge [sflag:s29], $0x1  }
0xb5: {  	[sflag:s29] =	ssyncadd.s32 $0xFFFFFFFF  }
0xb6: {  	_ =	strace $0x90000048  }
0xb7: {  	_ =	sfence  }
0xb8: {  	s30 =	sld [smem:$0x0];
	_ =	sdelay $0x2  }
0xb9: {  	s31 =	sshll.u32 s1, $0xD;
	s1 =	sshrl.u32 s1, $0x2  }
0xba: {  	s3 =	sand.u32 $0x4000, s31;
	s1 =	sadd.s32 s1, s30  }
0xbb: {  	s0 =	sor.u32 s3, s0;
	s1 =	sshll.u32 s1, $0x11  }
0xbc: {  	s0 =	sor.u32 s1, s0  }
0xbd: {  	s0 =	sadd.s32 $0x8F2B, s0  }
0xbe: {  	[sflag:s0] =	ssyncadd.remote.s32 $0x1  }
0xbf: {  	_ =	sfence.sel $0xFFFF  }
0xc0: {  	[dreg:$0x0] =	wrdreg $0xFFFFFFFF;
	(pc) =	sbr.abs _section_cstart, $3  }
0xc1: {  	[dreg:$0x1] =	wrdreg $0xFFFFFFFF  }
0xc2: {  	_ =	task.clear_ibuf [dreg:s7], $0x2FFFF;
	_ =	strace $0x9FFFFFFF  }
0xc3: {  	(tm) =	ssettm $0x7FFFFFFF  }
tec
execute0_lowered:
.L_overlay_start_1:
0x0: {  	(tag) =	ssettag $0x1  }
0x1: {  	v0 =	vimm.s32 $0xEDCBA987;
	v1 =	vimm.s32 $0x65432100;
	s3 =	rddreg [dreg:$0x0];
	v2 =	vimm.s32 $0xDCBA9876  }
0x2: {  	s7 =	rddreg [dreg:$0x1];
	v3 =	vimm.s32 $0x54321000;
	v4 =	vimm.s32 $0xE40000;
	v0 =	vunpack.c.l.s4.s8 v0  }
0x3: {  	s1 =	rddreg [dreg:$0x2];
	v5 =	vimm.s32 $0x32100000;
	v6 =	vimm.s32 $0x87654321;
	v1 =	vunpack.c.l.s4.s8 v1  }
0x4: {  	s0 =	rddreg [dreg:$0x3];
	v7 =	vimm.s32 $0x7060504;
	vm0 =	vcmask $0x3F30;
	v0 =	vunpack.c.0.s8.s32 v0  }
0x5: {  	s14 =	stileid.u32;
	s4 =	srdreg.scid;
	s2 =	simm.s32 $0x0;
	vm1 =	vcmask $0x3F04;
	v2 =	vunpack.c.l.s4.s8 v2;
	v1 =	vunpack.c.0.s8.s32 v1  }
0x6: {  	s11 =	simm.s32 $0x4980;
	s12 =	simm.s32 $0x4A80;
	s13 =	simm.s32 $0x4A00;
	vm2 =	vcmask $0x3F08;
	v3 =	vunpack.c.l.s4.s8 v3;
	v0 =	vand.u32 $0xF, v0  }
0x7: {  	s15 =	simm.s32 $0x0;
	s5 =	smul.u32 $0x1870, s14;
	s6 =	sand.u32 $0x1, s4;
	v4 =	vunpack.c.l.s2.s4 v4;
	v0 =	vcombine.low v1, v0;
	v1 =	vunpack.c.0.s8.s32 v2  }
0x8: {  	vm3 =	vcmask $0x3F10;
	[smem:$0x7FF] =	sst s2;
	s30 =	sshll.u32 s14, $0x7;
	p0 =	sne.s32 s14, $0x0;
	v3 =	vunpack.c.0.s8.s32 v3;
	v2 =	vimm.s32 $0xBA987654  }
0x9: {  	s14 =	simm.s32 $0x3100;
	s4 =	smul.u32 $0x18700, s6;
	_ =	strace $0x80000047;
	v4 =	vunpack.c.l.s4.s8 v4;
	v2 =	vunpack.c.l.s4.s8 v2;
	v1 =	vand.u32 $0xF, v1  }
0xa: {  	s29 =	ssub.s32 $0x2, s6;
	s31 =	sshll.u32 s6, $0x4;
	s8 =	sshrl.u32 s5, $0x3;
	v1 =	vcombine.low v3, v1;
	v3 =	vunpack.c.l.s4.s8 v5;
	v5 =	vimm.s32 $0xFFEDCBA9  }
.Ltmp0:
0xb: {  	v6 =	vunpack.c.l.s4.s8 v6;
	s9 =	sshrl.u32 s29, $0x1;
	s4 =	sadd.s32 s5, s4;
	v2 =	vunpack.c.0.s8.s32 v2;
	v5 =	vunpack.c.l.s4.s8 v5;
	(pc) =	sbr.rel .LBB2_1-.Ltmp0, $4  }
0xc: {  	v7 =	vunpack.c.0.s8.s32 v7;
	s7 =	sadd.s32 s7, s31;
	s8 =	sadd.s32 s8, s3;
	s4 =	sshrl.u32 s4, $0x3;
	v4 =	vunpack.c.0.s8.s32 v4;
	v3 =	vunpack.c.0.s8.s32 v3  }
0xd: {  	v6 =	vunpack.c.0.s8.s32 v6;
	s9 =	ssub.s32 s29, s9;
	s5 =	sadd.s32 s30, s1;
	s10 =	sadd.s32 s4, s3;
	v2 =	vand.u32 $0xF, v2;
	v5 =	vunpack.c.0.s8.s32 v5  }
0xe: {  	vm4 =	vcmask $0x3F20;
	s3 =	sadd.s32 $0x316A00, s8;
	s8 =	smax.u32 s9, $0x1;
	s4 =	sadd.s32 $0x310800, s10;
	v2 =	vcombine.low v3, v2;
	v3 =	vand.u32 $0x3, v4  }
0xf: {  	s9 =	simm.s32 $0x1;
	s6 =	sadd.s32 $0x319C00, s10;
	s10 =	simm.s32 $0x1880;
	v3 =	vsel vm0, v7, v3;
	v5 =	vcombine.low v6, v5;
	vm0 =	vcmask $0x3F3C  }
.LBB2_7:
0x10: {  	s15 =	sadd.s32 $0x1, s15  }
0x11: {  	p1 =	sne.s32 s15, s8  }
.Ltmp1:
0x12: {  	_ = 	snop;
	(pc) =	sbr.rel @!p1 .LBB2_8-.Ltmp1, $1  }
0x13: {  	_ =	sdelay $0x3  }
.LBB2_1:
0x14: {  	[tilespmem:s2], [sflag:$0x1] =	stream.linear.gather [hbm4b:s3+s2], $0x1870, $0x38;
	[tilespmem:$0x5300] =	vst v63  }
0x15: {  	_ =	swait.ge [sflag:s9], $0x1870  }
0x16: {  	[sflag:s9] =	ssyncset.done $0x0  }
0x17: {  	[sflag:s9] =	ssyncadd.s32 $0xFFFFE790  }
0x18: {  	[tilespmem:s10], [sflag:$0x1] =	stream.linear.gather [hbm4b:s4+s2], $0x1870, $0x38;
	[tilespmem:$0x5300] =	vst v63  }
0x19: {  	_ =	swait.ge [sflag:s9], $0x1870  }
0x1a: {  	[sflag:s9] =	ssyncset.done $0x0  }
0x1b: {  	v4 =	vimm.f32 $-1.000000020e+30;
	[sflag:s9] =	ssyncadd.s32 $0xFFFFE790  }
0x1c: {  	[tilespmem:$0x4980] =	vst v4  }
0x1d: {  	[tilespmem:$0x4990] =	vst v4  }
0x1e: {  	[tilespmem:$0x49A0] =	vst v4  }
0x1f: {  	[tilespmem:$0x49B0] =	vst v4  }
0x20: {  	[tilespmem:$0x49C0] =	vst v4  }
0x21: {  	[tilespmem:$0x49D0] =	vst v4  }
0x22: {  	[tilespmem:$0x49E0] =	vst v4  }
0x23: {  	s17 =	simm.s32 $0x0;
	[tilespmem:$0x49F0] =	vst v4  }
0x24: {  	s16 =	simm.s32 $0x40;
	v7 =	vld [tilespmem:s17+$0x1880]  }
.LBB2_2:
0x25: {  	p1 =	sne.s32 s16, $0x6180;
	v8 =	vld [tilespmem:s17+$0x0];
	_ =	sdelay $0x4  }
0x26: {  	v10 =	vperm.xlane v7, v0;
	v9 =	vperm.xlane v8, v0;
	_ =	sdelay $0x1  }
0x27: {  	vm5 =	veq.s32 v9, v8;
	v9 =	vmax.f32 v7, v10  }
0x28: {  	v7 =	vsel vm5, v9, v7  }
0x29: {  	v9 =	vperm.xlane v8, v1;
	v10 =	vperm.xlane v7, v1;
	_ =	sdelay $0x1  }
0x2a: {  	vm5 =	veq.s32 v9, v8;
	v9 =	vmax.f32 v7, v10  }
0x2b: {  	v7 =	vsel vm5, v9, v7;
	v9 =	vperm.xlane v8, v2  }
0x2c: {  	v11 =	vperm.xlane v8, v5;
	v10 =	vperm.xlane v7, v2;
	_ =	sdelay $0x1  }
0x2d: {  	vm6 =	vne.s32 v8, v11;
	vm5 =	veq.s32 v9, v8;
	v9 =	vmax.f32 v7, v10;
	v10 =	vld.idx.msk [tilespmem:v8+s11+$0x0], $0xffff  }
0x2e: {  	v7 =	vsel vm5, v9, v7;
	vm5 =	vmor vm6, vm0  }
0x2f: {  	v9 =	vperm.xlane v8, v3;
	v11 =	vperm.xlane v7, v3;
	_ =	sdelay $0x1  }
.Ltmp2:
0x30: {  	vm6 =	veq.s32 v9, v8;
	v9 =	vmax.f32 v7, v11;
	(pc) =	sbr.rel @p1 .LBB2_2-.Ltmp2, $4  }
0x31: {  	v7 =	vsel vm6, v9, v7  }
0x32: {  	v7 =	vmax.f32 v10, v7  }
0x33: {  	s17 =	sshra.s32 s16, $0x2;
	[tilespmem:v8+s11+$0x0] =	vst.idx.msk vm5, v7  }
0x34: {  	s16 =	sadd.s32 $0x40, s16;
	v7 =	vld [tilespmem:s17+$0x1880]  }
0x35: {  	v8 =	vld [tilespmem:s17+$0x0];
	_ =	sdelay $0x4  }
0x36: {  	v10 =	vperm.xlane v7, v0;
	v9 =	vperm.xlane v8, v0;
	_ =	sdelay $0x1  }
0x37: {  	v43 =	vmax.f32 v7, v10;
	vm5 =	veq.s32 v9, v8  }
0x38: {  	v7 =	vsel vm5, v43, v7  }
0x39: {  	v44 =	vperm.xlane v8, v1;
	v45 =	vperm.xlane v7, v1;
	_ =	sdelay $0x1  }
0x3a: {  	vm5 =	veq.s32 v44, v8;
	v46 =	vmax.f32 v7, v45  }
0x3b: {  	v47 =	vperm.xlane v8, v2;
	v7 =	vsel vm5, v46, v7  }
0x3c: {  	v11 =	vperm.xlane v8, v5;
	v48 =	vperm.xlane v7, v2;
	_ =	sdelay $0x1  }
0x3d: {  	vm6 =	vne.s32 v8, v11;
	vm5 =	veq.s32 v47, v8;
	v49 =	vmax.f32 v7, v48  }
0x3e: {  	v50 =	vld.idx.msk [tilespmem:v8+s11+$0x0], $0xffff;
	v7 =	vsel vm5, v49, v7;
	vm5 =	vmor vm6, vm0  }
0x3f: {  	v51 =	vperm.xlane v8, v3;
	v52 =	vperm.xlane v7, v3;
	_ =	sdelay $0x1  }
0x40: {  	vm6 =	veq.s32 v51, v8;
	v53 =	vmax.f32 v7, v52  }
0x41: {  	v7 =	vsel vm6, v53, v7  }
0x42: {  	v7 =	vmax.f32 v50, v7  }
0x43: {  	[tilespmem:v8+s11+$0x0] =	vst.idx.msk vm5, v7  }
0x44: {  	[spmem:s5] =	stream.linear.scatter [tilespmem:s11], [sflag:$0x1], $0x80, $0x38;
	[tilespmem:$0x5300] =	vst v63  }
0x45: {  	_ =	swait.ge [sflag:s9], $0x80  }
0x46: {  	[sflag:s9] =	ssyncset.done $0x0  }
0x47: {  	[sflag:s9] =	ssyncadd.s32 $0xFFFFFF80  }
0x48: {  	[bflag:$0x0] =	sbarrier.arrive $0xFFFF  }
0x49: {  	[tilespmem:s12], [sflag:$0x1] =	stream.linear.gather [spmem:s1], $0x800, $0x38;
	[tilespmem:$0x5300] =	vst v63  }
0x4a: {  	_ =	swait.ge [sflag:s9], $0x800  }
0x4b: {  	[sflag:s9] =	ssyncset.done $0x0  }
0x4c: {  	[sflag:s9] =	ssyncadd.s32 $0xFFFFF800  }
0x4d: {  	v9 =	vld [tilespmem:$0x4A80]  }
0x4e: {  	v10 =	vld [tilespmem:$0x4B00]  }
0x4f: {  	v12 =	vld [tilespmem:$0x4B80]  }
0x50: {  	v13 =	vld [tilespmem:$0x4C00]  }
0x51: {  	v15 =	vld [tilespmem:$0x4C80]  }
0x52: {  	v18 =	vld [tilespmem:$0x4D00]  }
0x53: {  	v19 =	vld [tilespmem:$0x4D80]  }
0x54: {  	v20 =	vld [tilespmem:$0x4E00]  }
0x55: {  	v22 =	vld [tilespmem:$0x4E80]  }
0x56: {  	v23 =	vld [tilespmem:$0x4F00]  }
0x57: {  	v25 =	vld [tilespmem:$0x4F80]  }
0x58: {  	v27 =	vld [tilespmem:$0x5000]  }
0x59: {  	v28 =	vld [tilespmem:$0x5080]  }
0x5a: {  	v51 =	vld [tilespmem:$0x5100]  }
0x5b: {  	v55 =	vld [tilespmem:$0x5180]  }
0x5c: {  	v4 =	vld [tilespmem:$0x5200]  }
0x5d: {  	v29 =	vld [tilespmem:$0x4A90]  }
0x5e: {  	v30 =	vld [tilespmem:$0x4B10]  }
0x5f: {  	v31 =	vld [tilespmem:$0x4B90]  }
0x60: {  	v32 =	vld [tilespmem:$0x4C10]  }
0x61: {  	v33 =	vld [tilespmem:$0x4C90]  }
0x62: {  	v34 =	vld [tilespmem:$0x4D10]  }
0x63: {  	v35 =	vld [tilespmem:$0x4D90]  }
0x64: {  	v36 =	vld [tilespmem:$0x4E10]  }
0x65: {  	v37 =	vld [tilespmem:$0x4E90]  }
0x66: {  	v38 =	vld [tilespmem:$0x4F10]  }
0x67: {  	v39 =	vld [tilespmem:$0x4F90]  }
0x68: {  	v40 =	vld [tilespmem:$0x5010]  }
0x69: {  	v41 =	vld [tilespmem:$0x5090]  }
0x6a: {  	v42 =	vld [tilespmem:$0x5110]  }
0x6b: {  	v43 =	vld [tilespmem:$0x5190]  }
0x6c: {  	v44 =	vld [tilespmem:$0x5210]  }
0x6d: {  	v45 =	vld [tilespmem:$0x4AA0]  }
0x6e: {  	v46 =	vld [tilespmem:$0x4B20]  }
0x6f: {  	v47 =	vld [tilespmem:$0x4BA0]  }
0x70: {  	v48 =	vld [tilespmem:$0x4C20]  }
0x71: {  	v50 =	vld [tilespmem:$0x4CA0]  }
0x72: {  	v56 =	vld [tilespmem:$0x4AB0]  }
0x73: {  	[tilespmem:$0x1FE50] =	vst v4;
	v4 =	vld [tilespmem:$0x4D20]  }
0x74: {  	v57 =	vld [tilespmem:$0x4B30]  }
0x75: {  	v58 =	vld [tilespmem:$0x4BB0]  }
0x76: {  	v59 =	vld [tilespmem:$0x4C30]  }
0x77: {  	v54 =	vld [tilespmem:$0x5140]  }
0x78: {  	[tilespmem:$0x1FE60] =	vst v4;
	v4 =	vld [tilespmem:$0x4DA0]  }
0x79: {  	v60 =	vld [tilespmem:$0x4CB0]  }
0x7a: {  	v61 =	vld [tilespmem:$0x4D30]  }
0x7b: {  	v62 =	vld [tilespmem:$0x4DB0]  }
0x7c: {  	[tilespmem:$0x1FF70] =	vst v54;
	v54 =	vld [tilespmem:$0x51C0]  }
0x7d: {  	[tilespmem:$0x1FE70] =	vst v4;
	v4 =	vld [tilespmem:$0x4E20]  }
0x7e: {  	v63 =	vld [tilespmem:$0x4E30]  }
0x7f: {  	v52 =	vld [tilespmem:$0x4EB0]  }
0x80: {  	v6 =	vld [tilespmem:$0x4B40]  }
0x81: {  	[tilespmem:$0x1FF90] =	vst v54;
	v54 =	vld [tilespmem:$0x5240]  }
0x82: {  	[tilespmem:$0x1FE80] =	vst v4;
	v4 =	vld [tilespmem:$0x4EA0]  }
0x83: {  	v7 =	vld [tilespmem:$0x4BC0]  }
0x84: {  	v8 =	vld [tilespmem:$0x4C40]  }
0x85: {  	v11 =	vld [tilespmem:$0x4CC0]  }
0x86: {  	[tilespmem:$0x1FFB0] =	vst v54;
	v54 =	vld [tilespmem:$0x4AD0]  }
0x87: {  	[tilespmem:$0x1FE90] =	vst v4;
	v4 =	vld [tilespmem:$0x4F20]  }
0x88: {  	v14 =	vld [tilespmem:$0x4D40]  }
0x89: {  	v16 =	vld [tilespmem:$0x4DC0]  }
0x8a: {  	v17 =	vld [tilespmem:$0x4E40]  }
0x8b: {  	[tilespmem:$0x1FFA0] =	vst v54;
	v54 =	vld [tilespmem:$0x4B50]  }
0x8c: {  	[tilespmem:$0x1FEA0] =	vst v4;
	v4 =	vld [tilespmem:$0x4FA0]  }
0x8d: {  	v21 =	vld [tilespmem:$0x4EC0]  }
0x8e: {  	v24 =	vld [tilespmem:$0x4F40]  }
0x8f: {  	v26 =	vld [tilespmem:$0x4FC0]  }
0x90: {  	[tilespmem:$0x1FFC0] =	vst v54;
	v54 =	vld [tilespmem:$0x4BD0]  }
0x91: {  	[tilespmem:$0x1FEB0] =	vst v4;
	v4 =	vld [tilespmem:$0x5020]  }
0x92: {  	v49 =	vld [tilespmem:$0x5040];
	v9 =	vmax.f32 v9, $-1.000000020e+30  }
0x93: {  	v53 =	vld [tilespmem:$0x50C0];
	v9 =	vmax.f32 v9, v10  }
0x94: {  	v9 =	vmax.f32 v9, v12;
	v12 =	vld [tilespmem:$0x5150]  }
0x95: {  	[tilespmem:$0x1FFD0] =	vst v54;
	v54 =	vld [tilespmem:$0x4C50]  }
0x96: {  	[tilespmem:$0x1FED0] =	vst v4;
	v4 =	vld [tilespmem:$0x50A0]  }
0x97: {  	v9 =	vmax.f32 v9, v13;
	v13 =	vld [tilespmem:$0x50D0]  }
0x98: {  	v9 =	vmax.f32 v9, v15;
	v15 =	vld [tilespmem:$0x5050]  }
0x99: {  	v9 =	vmax.f32 v9, v18;
	v18 =	vld [tilespmem:$0x4FD0]  }
0x9a: {  	v9 =	vmax.f32 v9, v19;
	[tilespmem:$0x1FFE0] =	vst v54;
	v54 =	vld [tilespmem:$0x4CD0]  }
0x9b: {  	v9 =	vmax.f32 v9, v20;
	[tilespmem:$0x1FEF0] =	vst v4;
	v4 =	vld [tilespmem:$0x5120]  }
0x9c: {  	v9 =	vmax.f32 v9, v22;
	v22 =	vld [tilespmem:$0x4AE0]  }
0x9d: {  	v9 =	vmax.f32 v9, v23;
	v23 =	vld [tilespmem:$0x4B60]  }
0x9e: {  	v9 =	vmax.f32 v9, v25;
	v25 =	vld [tilespmem:$0x4BE0]  }
0x9f: {  	[tilespmem:$0x1FFF0] =	vst v54;
	v54 =	vmax.f32 v29, $-1.000000020e+30;
	v29 =	vld [tilespmem:$0x4D50]  }
0xa0: {  	[tilespmem:$0x1FF10] =	vst v4;
	v4 =	vld [tilespmem:$0x51A0]  }
0xa1: {  	v10 =	vmax.f32 v54, v30;
	v30 =	vld [tilespmem:$0x4DD0]  }
0xa2: {  	v54 =	vld [tilespmem:$0x1FE50]  }
0xa3: {  	v10 =	vmax.f32 v10, v31;
	v31 =	vld [tilespmem:$0x4E50]  }
0xa4: {  	v10 =	vmax.f32 v10, v32;
	v32 =	vld [tilespmem:$0x4ED0]  }
0xa5: {  	[tilespmem:$0x1FF30] =	vst v4;
	v4 =	vld [tilespmem:$0x5220]  }
0xa6: {  	v56 =	vmax.f32 v56, $-1.000000020e+30;
	v10 =	vmax.f32 v10, v33;
	v33 =	vld [tilespmem:$0x4F50]  }
0xa7: {  	v10 =	vmax.f32 v10, v34;
	v34 =	vmax.f32 v56, v57;
	v57 =	vld [tilespmem:$0x1FF70]  }
0xa8: {  	v10 =	vmax.f32 v10, v35;
	v35 =	vld [tilespmem:$0x4CE0]  }
0xa9: {  	v34 =	vmax.f32 v34, v58;
	v58 =	vld [tilespmem:$0x4BF0]  }
0xaa: {  	[tilespmem:$0x1FF50] =	vst v4;
	v4 =	vld [tilespmem:$0x4F30]  }
0xab: {  	v10 =	vmax.f32 v10, v36;
	v36 =	vld [tilespmem:$0x4D60]  }
0xac: {  	v34 =	vmax.f32 v34, v59;
	v59 =	vld [tilespmem:$0x1FE60]  }
0xad: {  	v10 =	vmax.f32 v10, v37;
	v34 =	vmax.f32 v34, v60;
	v60 =	vld [tilespmem:$0x1FE70]  }
0xae: {  	v37 =	vmax.f32 v10, v38;
	v10 =	vld [tilespmem:$0x51D0]  }
0xaf: {  	[tilespmem:$0x1FEC0] =	vst v4;
	v4 =	vld [tilespmem:$0x4FB0]  }
0xb0: {  	v38 =	vmax.f32 v9, v27;
	v9 =	vld [tilespmem:$0x5250]  }
0xb1: {  	v34 =	vmax.f32 v34, v61;
	v61 =	vld [tilespmem:$0x1FE80]  }
0xb2: {  	v20 =	vmax.f32 v38, v28;
	v28 =	vld [tilespmem:$0x4C60]  }
0xb3: {  	v34 =	vmax.f32 v34, v62;
	v62 =	vld [tilespmem:$0x1FE90]  }
0xb4: {  	v19 =	vmax.f32 v37, v39;
	[tilespmem:$0x1FEE0] =	vst v4;
	v4 =	vld [tilespmem:$0x5030]  }
0xb5: {  	v19 =	vmax.f32 v19, v40;
	v40 =	vld [tilespmem:$0x1FEA0]  }
0xb6: {  	v34 =	vmax.f32 v34, v63;
	v63 =	vld [tilespmem:$0x1FFB0]  }
0xb7: {  	v20 =	vmax.f32 v20, v51;
	v19 =	vmax.f32 v19, v41;
	v41 =	vld [tilespmem:$0x1FEB0]  }
0xb8: {  	v20 =	vmax.f32 v20, v55;
	v55 =	vmax.f32 v45, $-1.000000020e+30;
	v45 =	vld [tilespmem:$0x1FEF0]  }
0xb9: {  	[tilespmem:$0x1FF00] =	vst v4;
	v4 =	vld [tilespmem:$0x50B0]  }
0xba: {  	v19 =	vmax.f32 v19, v42;
	v20 =	vmax.f32 v20, v54;
	v27 =	vmax.f32 v55, v46;
	v54 =	vld [tilespmem:$0x4B70]  }
0xbb: {  	v19 =	vmax.f32 v19, v43;
	v27 =	vmax.f32 v27, v47;
	v43 =	vld [tilespmem:$0x1FED0]  }
0xbc: {  	v47 =	vld [tilespmem:$0x1FF10];
	v27 =	vmax.f32 v27, v48  }
0xbd: {  	v27 =	vmax.f32 v27, v50;
	v50 =	vld [tilespmem:$0x4AF0]  }
0xbe: {  	v27 =	vmax.f32 v27, v59;
	[tilespmem:$0x1FF20] =	vst v4;
	v4 =	vld [tilespmem:$0x5130]  }
0xbf: {  	v51 =	vld [tilespmem:$0x1FF30];
	v27 =	vmax.f32 v27, v60  }
0xc0: {  	v60 =	vld [tilespmem:$0x1FF90];
	v27 =	vmax.f32 v27, v61  }
0xc1: {  	v61 =	vld [tilespmem:$0x1FFA0];
	v27 =	vmax.f32 v27, v62  }
0xc2: {  	v62 =	vld [tilespmem:$0x4C70];
	v27 =	vmax.f32 v27, v40  }
0xc3: {  	v27 =	vmax.f32 v27, v41;
	[tilespmem:$0x1FF40] =	vst v4;
	v4 =	vld [tilespmem:$0x51B0]  }
0xc4: {  	v55 =	vld [tilespmem:$0x1FF50];
	v27 =	vmax.f32 v27, v43  }
0xc5: {  	v27 =	vmax.f32 v27, v45;
	v45 =	vld [tilespmem:$0x1FFC0]  }
0xc6: {  	v40 =	vmax.f32 v61, $-1.000000020e+30;
	v61 =	vld [tilespmem:$0x5170]  }
0xc7: {  	v27 =	vmax.f32 v27, v47;
	v47 =	vld [tilespmem:$0x1FFD0]  }
0xc8: {  	[tilespmem:$0x1FF60] =	vst v4;
	v4 =	vld [tilespmem:$0x5230]  }
0xc9: {  	v42 =	vld [tilespmem:$0x1FEC0]  }
0xca: {  	v19 =	vmax.f32 v19, v44;
	v44 =	vld [tilespmem:$0x1FEE0]  }
0xcb: {  	v46 =	vld [tilespmem:$0x1FF00]  }
0xcc: {  	v48 =	vld [tilespmem:$0x1FF20]  }
0xcd: {  	v34 =	vmax.f32 v34, v52;
	[tilespmem:$0x1FF80] =	vst v4;
	v4 =	vld [tilespmem:$0x4AC0]  }
0xce: {  	v27 =	vmax.f32 v27, v51;
	v51 =	vld [tilespmem:$0x4DF0];
	v34 =	vmax.f32 v34, v42  }
0xcf: {  	v27 =	vmax.f32 v27, v55;
	v55 =	vld [tilespmem:$0x4F70];
	v34 =	vmax.f32 v34, v44  }
0xd0: {  	v34 =	vmax.f32 v34, v46;
	v46 =	vld [tilespmem:$0x4CF0]  }
0xd1: {  	v22 =	vmax.f32 v22, $-1.000000020e+30;
	v52 =	vld [tilespmem:$0x1FF40]  }
0xd2: {  	v34 =	vmax.f32 v34, v48;
	v48 =	vmax.f32 v50, $-1.000000020e+30;
	v50 =	vld [tilespmem:$0x1FFE0];
	v4 =	vmax.f32 v4, $-1.000000020e+30  }
0xd3: {  	v22 =	vmax.f32 v22, v23;
	v23 =	vmax.f32 v48, v54;
	v54 =	vld [tilespmem:$0x4EF0];
	v4 =	vmax.f32 v4, v6  }
0xd4: {  	v23 =	vmax.f32 v23, v58;
	v58 =	vld [tilespmem:$0x5070];
	v4 =	vmax.f32 v4, v7  }
0xd5: {  	v23 =	vmax.f32 v23, v62;
	v62 =	vld [tilespmem:$0x51F0];
	v4 =	vmax.f32 v4, v8  }
0xd6: {  	v56 =	vld [tilespmem:$0x1FF60];
	v4 =	vmax.f32 v4, v11  }
0xd7: {  	v34 =	vmax.f32 v34, v52;
	v52 =	vld [tilespmem:$0x1FFF0];
	v4 =	vmax.f32 v4, v14  }
0xd8: {  	v59 =	vld [tilespmem:$0x1FF80];
	v4 =	vmax.f32 v4, v16  }
0xd9: {  	v40 =	vmax.f32 v40, v45;
	v6 =	vld [tilespmem:$0x4DE0];
	v4 =	vmax.f32 v4, v17  }
0xda: {  	v40 =	vmax.f32 v40, v47;
	v7 =	vld [tilespmem:$0x4E60];
	v4 =	vmax.f32 v4, v21  }
0xdb: {  	v40 =	vmax.f32 v40, v50;
	v8 =	vld [tilespmem:$0x4EE0];
	v4 =	vmax.f32 v4, v24  }
0xdc: {  	v38 =	vmax.f32 v40, v52;
	v11 =	vld [tilespmem:$0x4F60];
	v4 =	vmax.f32 v4, v26  }
0xdd: {  	v22 =	vmax.f32 v22, v25;
	v29 =	vmax.f32 v38, v29;
	v4 =	vmax.f32 v4, v49;
	v49 =	vld [tilespmem:$0x4D70]  }
0xde: {  	v22 =	vmax.f32 v22, v28;
	v29 =	vmax.f32 v29, v30;
	v14 =	vld [tilespmem:$0x4FE0]  }
0xdf: {  	v22 =	vmax.f32 v22, v35;
	v29 =	vmax.f32 v29, v31;
	v4 =	vmax.f32 v4, v53;
	v53 =	vld [tilespmem:$0x4E70]  }
0xe0: {  	v22 =	vmax.f32 v22, v36;
	v34 =	vmax.f32 v34, v56;
	v29 =	vmax.f32 v29, v32;
	v16 =	vld [tilespmem:$0x5060]  }
0xe1: {  	v23 =	vmax.f32 v23, v46;
	v34 =	vmax.f32 v34, v59;
	v59 =	vmax.f32 v29, v33;
	v17 =	vld [tilespmem:$0x50E0]  }
0xe2: {  	v6 =	vmax.f32 v22, v6;
	v4 =	vmax.f32 v4, v57;
	v57 =	vld [tilespmem:$0x4FF0];
	v56 =	vmax.f32 v23, v49  }
0xe3: {  	v18 =	vmax.f32 v59, v18;
	v6 =	vmax.f32 v6, v7;
	v21 =	vld [tilespmem:$0x5160];
	v7 =	vmax.f32 v56, v51  }
0xe4: {  	v6 =	vmax.f32 v6, v8;
	v4 =	vmax.f32 v4, v60;
	v60 =	vld [tilespmem:$0x50F0];
	v7 =	vmax.f32 v7, v53  }
0xe5: {  	v15 =	vmax.f32 v18, v15;
	v24 =	vld [tilespmem:$0x51E0];
	v6 =	vmax.f32 v6, v11;
	v7 =	vmax.f32 v7, v54  }
0xe6: {  	[tilespmem:$0x4980] =	vst v20;
	v13 =	vmax.f32 v15, v13;
	v26 =	vld [tilespmem:$0x5260];
	v6 =	vmax.f32 v6, v14;
	v7 =	vmax.f32 v7, v55  }
0xe7: {  	[tilespmem:$0x4990] =	vst v19;
	v6 =	vmax.f32 v6, v16;
	v4 =	vmax.f32 v4, v63;
	v63 =	vld [tilespmem:$0x5270];
	v7 =	vmax.f32 v7, v57  }
0xe8: {  	[tilespmem:$0x49A0] =	vst v27;
	v12 =	vmax.f32 v13, v12;
	v6 =	vmax.f32 v6, v17;
	v7 =	vmax.f32 v7, v58  }
0xe9: {  	[tilespmem:$0x49B0] =	vst v34;
	v10 =	vmax.f32 v12, v10;
	v6 =	vmax.f32 v6, v21;
	v7 =	vmax.f32 v7, v60  }
0xea: {  	v6 =	vmax.f32 v6, v24;
	[tilespmem:$0x49C0] =	vst v4;
	v4 =	vmax.f32 v10, v9;
	v7 =	vmax.f32 v7, v61  }
0xeb: {  	[tilespmem:$0x49D0] =	vst v4;
	v4 =	vmax.f32 v6, v26;
	v6 =	vmax.f32 v7, v62  }
0xec: {  	[tilespmem:$0x49E0] =	vst v4;
	v4 =	vmax.f32 v6, v63  }
0xed: {  	[tilespmem:$0x49F0] =	vst v4;
	v4 =	vimm.f32 $0.0e+00  }
0xee: {  	[tilespmem:$0x4A00] =	vst v4  }
0xef: {  	[tilespmem:$0x4A10] =	vst v4  }
0xf0: {  	[tilespmem:$0x4A20] =	vst v4  }
0xf1: {  	[tilespmem:$0x4A30] =	vst v4  }
0xf2: {  	[tilespmem:$0x4A40] =	vst v4  }
0xf3: {  	[tilespmem:$0x4A50] =	vst v4  }
0xf4: {  	[tilespmem:$0x4A60] =	vst v4  }
0xf5: {  	s17 =	simm.s32 $0x0;
	s16 =	simm.s32 $0x40;
	[tilespmem:$0x4A70] =	vst v4  }
.LBB2_4:
0xf6: {  	p1 =	sne.s32 s16, $0x6180;
	v4 =	vld [tilespmem:s17+$0x0];
	_ =	sdelay $0x7  }
0xf7: {  	v6 =	vld.idx.msk [tilespmem:v4+s11+$0x0], $0xffff  }
0xf8: {  	v7 =	vld [tilespmem:s17+$0x1880];
	_ =	sdelay $0x4  }
0xf9: {  	v6 =	vsub.f32 v7, v6;
	_ =	sdelay $0x1  }
0xfa: {  	v6 =	vmul.f32 $1.442695020e+00, v6;
	_ =	sdelay $0x1  }
0xfb: {  	(erf) = vpow2.f32 v6;
	_ =	sdelay $0x8  }
0xfc: {  	v6 =	vpop (erf)  }
0xfd: {  	v7 =	vperm.xlane v4, v0;
	[tilespmem:s17+$0x3100] =	vst v6;
	v8 =	vperm.xlane v6, v0  }
0xfe: {  	v9 =	vld.idx.msk [tilespmem:v4+s13+$0x0], $0xffff  }
0xff: {  	vm5 =	veq.s32 v7, v4;
	v7 =	vadd.f32 v8, v6  }
0x100: {  	vm5 =	vmand vm5, vm1  }
0x101: {  	v6 =	vsel vm5, v7, v6  }
0x102: {  	v7 =	vperm.xlane v4, v1;
	v8 =	vperm.xlane v6, v1;
	_ =	sdelay $0x1  }
0x103: {  	vm5 =	veq.s32 v7, v4;
	v7 =	vadd.f32 v8, v6  }
0x104: {  	vm5 =	vmand vm5, vm2  }
0x105: {  	v6 =	vsel vm5, v7, v6  }
0x106: {  	v7 =	vperm.xlane v4, v2;
	v8 =	vperm.xlane v6, v2;
	_ =	sdelay $0x1  }
0x107: {  	vm5 =	veq.s32 v7, v4;
	v7 =	vadd.f32 v8, v6  }
0x108: {  	vm5 =	vmand vm5, vm3;
	v8 =	vperm.xlane v4, v5  }
0x109: {  	v6 =	vsel vm5, v7, v6  }
0x10a: {  	v7 =	vperm.xlane v4, v3;
	vm5 =	vne.s32 v4, v8;
	v10 =	vperm.xlane v6, v3  }
0x10b: {  	vm5 =	vmor vm5, vm0  }
0x10c: {  	vm6 =	veq.s32 v7, v4;
	v7 =	vadd.f32 v10, v6  }
.Ltmp3:
0x10d: {  	vm6 =	vmand vm6, vm4;
	(pc) =	sbr.rel @p1 .LBB2_4-.Ltmp3, $3  }
0x10e: {  	v6 =	vsel vm6, v7, v6  }
0x10f: {  	v6 =	vadd.f32 v6, v9;
	_ =	sdelay $0x1  }
0x110: {  	s17 =	sshra.s32 s16, $0x2;
	s16 =	sadd.s32 $0x40, s16;
	[tilespmem:v4+s13+$0x0] =	vst.idx.msk vm5, v6  }
0x111: {  	v4 =	vld [tilespmem:s17+$0x0];
	_ =	sdelay $0x6  }
0x112: {  	v7 =	vld [tilespmem:s17+$0x1880]  }
0x113: {  	v6 =	vld.idx.msk [tilespmem:v4+s11+$0x0], $0xffff;
	_ =	sdelay $0x4  }
0x114: {  	v6 =	vsub.f32 v7, v6;
	_ =	sdelay $0x1  }
0x115: {  	v6 =	vmul.f32 $1.442695020e+00, v6;
	_ =	sdelay $0x1  }
0x116: {  	(erf) = vpow2.f32 v6;
	_ =	sdelay $0x8  }
0x117: {  	v6 =	vpop (erf)  }
0x118: {  	v7 =	vperm.xlane v4, v0;
	v8 =	vperm.xlane v6, v0;
	_ =	sdelay $0x1  }
0x119: {  	vm5 =	veq.s32 v7, v4;
	v7 =	vadd.f32 v8, v6  }
0x11a: {  	vm5 =	vmand vm5, vm1  }
0x11b: {  	v7 =	vsel vm5, v7, v6  }
0x11c: {  	v56 =	vperm.xlane v4, v1;
	v9 =	vperm.xlane v7, v1;
	_ =	sdelay $0x1  }
0x11d: {  	vm5 =	veq.s32 v56, v4;
	v57 =	vadd.f32 v9, v7  }
0x11e: {  	vm5 =	vmand vm5, vm2  }
0x11f: {  	v7 =	vsel vm5, v57, v7  }
0x120: {  	v58 =	vperm.xlane v4, v2;
	v59 =	vperm.xlane v7, v2;
	_ =	sdelay $0x1  }
0x121: {  	vm5 =	veq.s32 v58, v4;
	v60 =	vadd.f32 v59, v7  }
0x122: {  	v61 =	vperm.xlane v4, v5;
	vm5 =	vmand vm5, vm3  }
0x123: {  	[tilespmem:s17+$0x3100] =	vst v6;
	v6 =	vsel vm5, v60, v7  }
0x124: {  	v62 =	vperm.xlane v4, v3;
	v7 =	vld.idx.msk [tilespmem:v4+s13+$0x0], $0xffff;
	vm5 =	vne.s32 v4, v61;
	v10 =	vperm.xlane v6, v3  }
0x125: {  	vm5 =	vmor vm5, vm0  }
0x126: {  	vm6 =	veq.s32 v62, v4;
	v63 =	vadd.f32 v10, v6  }
0x127: {  	vm6 =	vmand vm6, vm4  }
0x128: {  	v6 =	vsel vm6, v63, v6  }
0x129: {  	v6 =	vadd.f32 v6, v7;
	_ =	sdelay $0x1  }
0x12a: {  	[tilespmem:v4+s13+$0x0] =	vst.idx.msk vm5, v6  }
0x12b: {  	[hbm4b:s6+s2] =	stream.linear.scatter [tilespmem:s14], [sflag:$0x1], $0x1870, $0x38;
	[tilespmem:$0x5300] =	vst v63  }
0x12c: {  	_ =	swait.ge [sflag:s9], $0x1870  }
0x12d: {  	[sflag:s9] =	ssyncset.done $0x0  }
0x12e: {  	[sflag:s9] =	ssyncadd.s32 $0xFFFFE790  }
0x12f: {  	[bflag:$0x0] =	sbarrier.arrive $0xFFFF  }
0x130: {  	[spmem:s5] =	stream.linear.scatter [tilespmem:s13], [sflag:$0x1], $0x80, $0x38;
	[tilespmem:$0x5300] =	vst v63  }
.Ltmp4:
0x131: {  	_ =	swait.ge [sflag:s9], $0x80;
	(pc) =	sbr.rel @p0 .LBB2_7-.Ltmp4, $3  }
0x132: {  	[sflag:s9] =	ssyncset.done $0x0  }
0x133: {  	[sflag:s9] =	ssyncadd.s32 $0xFFFFFF80  }
0x134: {  	[bflag:$0x0] =	sbarrier.arrive $0xFFFF;
	_ =	sdelay $0x1  }
0x135: {  	[tilespmem:s12], [sflag:$0x1] =	stream.linear.gather [spmem:s1], $0x800, $0x38;
	[tilespmem:$0x5300] =	vst v63  }
0x136: {  	_ =	swait.ge [sflag:s9], $0x800  }
0x137: {  	[sflag:s9] =	ssyncset.done $0x0  }
0x138: {  	[sflag:s9] =	ssyncadd.s32 $0xFFFFF800  }
0x139: {  	v4 =	vld [tilespmem:$0x4A80]  }
0x13a: {  	v6 =	vld [tilespmem:$0x4B00]  }
0x13b: {  	v7 =	vld [tilespmem:$0x4B80]  }
0x13c: {  	v8 =	vld [tilespmem:$0x4C00]  }
0x13d: {  	v10 =	vld [tilespmem:$0x4C80]  }
0x13e: {  	v17 =	vld [tilespmem:$0x4D00]  }
0x13f: {  	v18 =	vld [tilespmem:$0x4D80]  }
0x140: {  	v21 =	vld [tilespmem:$0x4E00]  }
0x141: {  	v24 =	vld [tilespmem:$0x4E80]  }
0x142: {  	v35 =	vld [tilespmem:$0x4F00]  }
0x143: {  	v9 =	vld [tilespmem:$0x4F80]  }
0x144: {  	v56 =	vld [tilespmem:$0x5000]  }
0x145: {  	v57 =	vld [tilespmem:$0x5080]  }
0x146: {  	v58 =	vld [tilespmem:$0x5100]  }
0x147: {  	v59 =	vld [tilespmem:$0x5180]  }
0x148: {  	v60 =	vld [tilespmem:$0x5200]  }
0x149: {  	v11 =	vld [tilespmem:$0x4A90]  }
0x14a: {  	v12 =	vld [tilespmem:$0x4B10]  }
0x14b: {  	v14 =	vld [tilespmem:$0x4B90]  }
0x14c: {  	v25 =	vld [tilespmem:$0x4C10]  }
0x14d: {  	v26 =	vld [tilespmem:$0x4C90]  }
0x14e: {  	v27 =	vld [tilespmem:$0x4D10]  }
0x14f: {  	v28 =	vld [tilespmem:$0x4D90]  }
0x150: {  	v29 =	vld [tilespmem:$0x4E10]  }
0x151: {  	v30 =	vld [tilespmem:$0x4E90]  }
0x152: {  	v31 =	vld [tilespmem:$0x4F10]  }
0x153: {  	v32 =	vld [tilespmem:$0x4F90]  }
0x154: {  	v33 =	vld [tilespmem:$0x5010]  }
0x155: {  	v37 =	vld [tilespmem:$0x5090]  }
0x156: {  	v61 =	vld [tilespmem:$0x5110]  }
0x157: {  	v62 =	vld [tilespmem:$0x5190]  }
0x158: {  	v63 =	vld [tilespmem:$0x5210]  }
0x159: {  	v16 =	vld [tilespmem:$0x4AA0]  }
0x15a: {  	v38 =	vld [tilespmem:$0x4B20]  }
0x15b: {  	v39 =	vld [tilespmem:$0x4BA0]  }
0x15c: {  	v40 =	vld [tilespmem:$0x4C20]  }
0x15d: {  	v41 =	vld [tilespmem:$0x4CA0]  }
0x15e: {  	v42 =	vld [tilespmem:$0x4D20]  }
0x15f: {  	v43 =	vld [tilespmem:$0x4DA0]  }
0x160: {  	v44 =	vld [tilespmem:$0x4E20]  }
0x161: {  	v45 =	vld [tilespmem:$0x4EA0]  }
0x162: {  	v46 =	vld [tilespmem:$0x4F20]  }
0x163: {  	v47 =	vld [tilespmem:$0x4FA0]  }
0x164: {  	v48 =	vld [tilespmem:$0x5020]  }
0x165: {  	v49 =	vld [tilespmem:$0x50A0]  }
0x166: {  	v50 =	vld [tilespmem:$0x5120]  }
0x167: {  	v51 =	vld [tilespmem:$0x51A0]  }
0x168: {  	v13 =	vld [tilespmem:$0x5220]  }
0x169: {  	v53 =	vld [tilespmem:$0x4AB0]  }
0x16a: {  	v54 =	vld [tilespmem:$0x4B30]  }
0x16b: {  	v55 =	vld [tilespmem:$0x4BB0]  }
0x16c: {  	v15 =	vld [tilespmem:$0x5130]  }
0x16d: {  	v19 =	vld [tilespmem:$0x51B0]  }
0x16e: {  	v22 =	vld [tilespmem:$0x5230]  }
0x16f: {  	v20 =	vld [tilespmem:$0x4AC0]  }
0x170: {  	v23 =	vld [tilespmem:$0x4B40]  }
0x171: {  	v34 =	vld [tilespmem:$0x4BC0]  }
0x172: {  	v36 =	vld [tilespmem:$0x4C40]  }
0x173: {  	v52 =	vld [tilespmem:$0x4CC0]  }
0x174: {  	[tilespmem:$0x1FDB0] =	vst v56;
	v56 =	vld [tilespmem:$0x4C30]  }
0x175: {  	[tilespmem:$0x1FDC0] =	vst v57;
	v57 =	vld [tilespmem:$0x4CB0]  }
0x176: {  	[tilespmem:$0x1FDD0] =	vst v58;
	v58 =	vld [tilespmem:$0x4D30]  }
0x177: {  	[tilespmem:$0x1FDF0] =	vst v59;
	v59 =	vld [tilespmem:$0x4DB0]  }
0x178: {  	[tilespmem:$0x1FE10] =	vst v60;
	v60 =	vld [tilespmem:$0x4E30]  }
0x179: {  	[tilespmem:$0x1FDE0] =	vst v61;
	v61 =	vld [tilespmem:$0x4EB0]  }
0x17a: {  	[tilespmem:$0x1FE00] =	vst v62;
	v62 =	vld [tilespmem:$0x4F30]  }
0x17b: {  	[tilespmem:$0x1FE20] =	vst v63;
	v63 =	vld [tilespmem:$0x4FB0]  }
0x17c: {  	[tilespmem:$0x1FDA0] =	vst v9;
	v9 =	vld [tilespmem:$0x5030];
	v4 =	vadd.f32 $0.0e+00, v4  }
0x17d: {  	[tilespmem:$0x1FE30] =	vst v13;
	v13 =	vld [tilespmem:$0x50B0];
	v11 =	vadd.f32 $0.0e+00, v11;
	v20 =	vadd.f32 $0.0e+00, v20  }
0x17e: {  	v4 =	vadd.f32 v6, v4;
	v6 =	vadd.f32 $0.0e+00, v16;
	v16 =	vld [tilespmem:$0x4D40]  }
0x17f: {  	v11 =	vadd.f32 v12, v11;
	v12 =	vadd.f32 $0.0e+00, v53;
	v53 =	vld [tilespmem:$0x4DC0]  }
0x180: {  	v4 =	vadd.f32 v7, v4;
	v6 =	vadd.f32 v38, v6;
	v38 =	vld [tilespmem:$0x4E40]  }
0x181: {  	v7 =	vadd.f32 v14, v11;
	v14 =	vadd.f32 v54, v12;
	v54 =	vld [tilespmem:$0x4EC0]  }
0x182: {  	v20 =	vadd.f32 v23, v20;
	v12 =	vld [tilespmem:$0x5040]  }
0x183: {  	v39 =	vadd.f32 v39, v6;
	v6 =	vld [tilespmem:$0x4F40]  }
0x184: {  	v20 =	vadd.f32 v34, v20;
	v11 =	vadd.f32 v55, v14;
	v14 =	vld [tilespmem:$0x4FC0]  }
0x185: {  	v55 =	vld [tilespmem:$0x4AD0]  }
0x186: {  	v4 =	vadd.f32 v8, v4;
	v20 =	vadd.f32 v36, v20;
	v36 =	vld [tilespmem:$0x4DF0]  }
0x187: {  	v8 =	vadd.f32 v40, v39;
	v40 =	vadd.f32 v56, v11;
	v11 =	vld [tilespmem:$0x50C0]  }
0x188: {  	v7 =	vadd.f32 v25, v7;
	v4 =	vadd.f32 v10, v4;
	v56 =	vld [tilespmem:$0x1FDA0]  }
0x189: {  	v39 =	vld [tilespmem:$0x5050]  }
0x18a: {  	v7 =	vadd.f32 v26, v7;
	v17 =	vadd.f32 v17, v4;
	v4 =	vld [tilespmem:$0x5140]  }
0x18b: {  	v41 =	vadd.f32 v41, v8;
	v8 =	vld [tilespmem:$0x51C0]  }
0x18c: {  	v26 =	vadd.f32 v27, v7;
	v7 =	vld [tilespmem:$0x5240]  }
0x18d: {  	v27 =	vld [tilespmem:$0x4BD0]  }
0x18e: {  	v10 =	vadd.f32 v57, v40;
	v57 =	vld [tilespmem:$0x1FDB0]  }
0x18f: {  	v40 =	vld [tilespmem:$0x5250]  }
0x190: {  	[tilespmem:$0x1FE40] =	vst v52;
	v17 =	vadd.f32 v18, v17;
	v52 =	vadd.f32 v28, v26;
	v28 =	vld [tilespmem:$0x4CD0]  }
0x191: {  	v10 =	vadd.f32 v58, v10;
	v58 =	vld [tilespmem:$0x1FDC0]  }
0x192: {  	v17 =	vadd.f32 v21, v17;
	v21 =	vld [tilespmem:$0x4B50]  }
0x193: {  	v25 =	vadd.f32 v29, v52;
	v29 =	vld [tilespmem:$0x4D50]  }
0x194: {  	v42 =	vadd.f32 v42, v41;
	v10 =	vadd.f32 v59, v10;
	v59 =	vld [tilespmem:$0x1FDD0]  }
0x195: {  	v52 =	vld [tilespmem:$0x4BE0]  }
0x196: {  	v18 =	vadd.f32 v43, v42;
	v42 =	vld [tilespmem:$0x4E70]  }
0x197: {  	v43 =	vld [tilespmem:$0x4EE0]  }
0x198: {  	v17 =	vadd.f32 v24, v17;
	v24 =	vld [tilespmem:$0x4C50]  }
0x199: {  	v18 =	vadd.f32 v44, v18;
	v25 =	vadd.f32 v30, v25;
	v30 =	vld [tilespmem:$0x4DD0]  }
0x19a: {  	v10 =	vadd.f32 v60, v10;
	v60 =	vld [tilespmem:$0x1FDE0]  }
0x19b: {  	v44 =	vld [tilespmem:$0x4EF0];
	v17 =	vadd.f32 v35, v17;
	v18 =	vadd.f32 v45, v18  }
0x19c: {  	v25 =	vadd.f32 v31, v25;
	v10 =	vadd.f32 v61, v10;
	v31 =	vld [tilespmem:$0x4E50]  }
0x19d: {  	v35 =	vld [tilespmem:$0x4F50];
	v17 =	vadd.f32 v56, v17;
	v18 =	vadd.f32 v46, v18  }
0x19e: {  	v25 =	vadd.f32 v32, v25;
	v10 =	vadd.f32 v62, v10;
	v46 =	vld [tilespmem:$0x4AF0]  }
0x19f: {  	v61 =	vld [tilespmem:$0x1FDF0];
	v17 =	vadd.f32 v57, v17;
	v18 =	vadd.f32 v47, v18  }
0x1a0: {  	v45 =	vld [tilespmem:$0x1FE10];
	v25 =	vadd.f32 v33, v25;
	v10 =	vadd.f32 v63, v10  }
0x1a1: {  	v62 =	vld [tilespmem:$0x1FE00];
	v17 =	vadd.f32 v58, v17;
	v18 =	vadd.f32 v48, v18  }
0x1a2: {  	v63 =	vld [tilespmem:$0x4AE0];
	v25 =	vadd.f32 v37, v25;
	v9 =	vadd.f32 v9, v10  }
0x1a3: {  	v32 =	vld [tilespmem:$0x4ED0];
	v41 =	vadd.f32 $0.0e+00, v46;
	v17 =	vadd.f32 v59, v17  }
0x1a4: {  	v47 =	vld [tilespmem:$0x1FE20];
	v18 =	vadd.f32 v49, v18;
	v25 =	vadd.f32 v60, v25  }
0x1a5: {  	v48 =	vld [tilespmem:$0x4B60];
	v9 =	vadd.f32 v13, v9;
	v17 =	vadd.f32 v61, v17  }
0x1a6: {  	v49 =	vld [tilespmem:$0x1FE30];
	v18 =	vadd.f32 v50, v18;
	v25 =	vadd.f32 v62, v25  }
0x1a7: {  	v9 =	vadd.f32 v15, v9;
	v50 =	vld [tilespmem:$0x4B70];
	v15 =	vadd.f32 $0.0e+00, v63  }
0x1a8: {  	v56 =	vld [tilespmem:$0x4C60];
	v18 =	vadd.f32 v51, v18;
	v51 =	vadd.f32 $0.0e+00, v55  }
0x1a9: {  	v17 =	vadd.f32 v45, v17;
	v25 =	vadd.f32 v47, v25;
	v55 =	vld [tilespmem:$0x4BF0]  }
0x1aa: {  	v62 =	vld [tilespmem:$0x1FE40];
	v9 =	vadd.f32 v19, v9;
	v21 =	vadd.f32 v21, v51  }
0x1ab: {  	v57 =	vld [tilespmem:$0x4C70];
	v15 =	vadd.f32 v48, v15;
	v18 =	vadd.f32 v49, v18  }
0x1ac: {  	v59 =	vld [tilespmem:$0x4CE0];
	v58 =	vadd.f32 v50, v41;
	v21 =	vadd.f32 v27, v21  }
0x1ad: {  	v60 =	vld [tilespmem:$0x4CF0];
	v9 =	vadd.f32 v22, v9;
	v15 =	vadd.f32 v52, v15  }
0x1ae: {  	v61 =	vld [tilespmem:$0x4D60];
	v23 =	vadd.f32 v55, v58;
	v21 =	vadd.f32 v24, v21  }
0x1af: {  	v63 =	vld [tilespmem:$0x4D70];
	v20 =	vadd.f32 v62, v20;
	v15 =	vadd.f32 v56, v15  }
0x1b0: {  	v19 =	vadd.f32 v57, v23;
	v21 =	vadd.f32 v28, v21;
	v28 =	vld [tilespmem:$0x4DE0]  }
0x1b1: {  	v33 =	vld [tilespmem:$0x4FD0];
	v16 =	vadd.f32 v16, v20;
	v15 =	vadd.f32 v59, v15  }
0x1b2: {  	v41 =	vld [tilespmem:$0x4E60];
	v19 =	vadd.f32 v60, v19;
	v21 =	vadd.f32 v29, v21  }
0x1b3: {  	v10 =	vld [tilespmem:$0x50D0];
	v16 =	vadd.f32 v53, v16;
	v15 =	vadd.f32 v61, v15  }
0x1b4: {  	v37 =	vld [tilespmem:$0x5150];
	v19 =	vadd.f32 v63, v19;
	v21 =	vadd.f32 v30, v21  }
0x1b5: {  	v46 =	vld [tilespmem:$0x4F70];
	v16 =	vadd.f32 v38, v16;
	v15 =	vadd.f32 v28, v15  }
0x1b6: {  	v45 =	vld [tilespmem:$0x4F60];
	v19 =	vadd.f32 v36, v19;
	v21 =	vadd.f32 v31, v21  }
0x1b7: {  	v13 =	vld [tilespmem:$0x51D0];
	v16 =	vadd.f32 v54, v16;
	v15 =	vadd.f32 v41, v15  }
0x1b8: {  	v47 =	vld [tilespmem:$0x4FE0];
	v19 =	vadd.f32 v42, v19;
	v21 =	vadd.f32 v32, v21  }
0x1b9: {  	v48 =	vld [tilespmem:$0x4FF0];
	v6 =	vadd.f32 v6, v16;
	v15 =	vadd.f32 v43, v15  }
0x1ba: {  	v49 =	vld [tilespmem:$0x5060];
	v19 =	vadd.f32 v44, v19;
	v21 =	vadd.f32 v35, v21  }
0x1bb: {  	v51 =	vld [tilespmem:$0x5070];
	v6 =	vadd.f32 v14, v6;
	v50 =	vadd.f32 v45, v15  }
0x1bc: {  	v53 =	vld [tilespmem:$0x50E0];
	v19 =	vadd.f32 v46, v19;
	v52 =	vadd.f32 v33, v21  }
0x1bd: {  	v55 =	vld [tilespmem:$0x50F0];
	v6 =	vadd.f32 v12, v6;
	v54 =	vadd.f32 v47, v50  }
0x1be: {  	v56 =	vld [tilespmem:$0x5160];
	v16 =	vadd.f32 v48, v19;
	v20 =	vadd.f32 v39, v52  }
0x1bf: {  	v58 =	vld [tilespmem:$0x5170];
	v6 =	vadd.f32 v11, v6;
	v57 =	vadd.f32 v49, v54  }
0x1c0: {  	v59 =	vld [tilespmem:$0x51E0];
	v15 =	vadd.f32 v51, v16;
	v10 =	vadd.f32 v10, v20  }
0x1c1: {  	v60 =	vld [tilespmem:$0x51F0];
	v4 =	vadd.f32 v4, v6;
	v6 =	vadd.f32 v53, v57  }
0x1c2: {  	v61 =	vld [tilespmem:$0x5260];
	v14 =	vadd.f32 v55, v15;
	v10 =	vadd.f32 v37, v10  }
0x1c3: {  	[tilespmem:$0x4A00] =	vst v17;
	v62 =	vld [tilespmem:$0x5270];
	v4 =	vadd.f32 v8, v4;
	v6 =	vadd.f32 v56, v6  }
0x1c4: {  	[tilespmem:$0x4A10] =	vst v25;
	v12 =	vadd.f32 v58, v14;
	v10 =	vadd.f32 v13, v10  }
0x1c5: {  	[tilespmem:$0x4A20] =	vst v18;
	v4 =	vadd.f32 v7, v4;
	v6 =	vadd.f32 v59, v6  }
0x1c6: {  	[tilespmem:$0x4A30] =	vst v9;
	v63 =	vadd.f32 v60, v12;
	v7 =	vadd.f32 v40, v10  }
0x1c7: {  	[tilespmem:$0x4A40] =	vst v4;
	v4 =	vadd.f32 v61, v6  }
0x1c8: {  	v6 =	vadd.f32 v62, v63;
	[tilespmem:$0x4A50] =	vst v7  }
0x1c9: {  	[tilespmem:$0x4A60] =	vst v4  }
.Ltmp5:
0x1ca: {  	[tilespmem:$0x4A70] =	vst v6;
	(pc) =	sbr.rel .LBB2_7-.Ltmp5, $4  }
0x1cb: {  	[hbm4b:s7+s2] =	stream.linear.scatter [tilespmem:s13], [sflag:$0x1], $0x80, $0x38;
	[tilespmem:$0x5300] =	vst v63  }
0x1cc: {  	_ =	swait.ge [sflag:s9], $0x80  }
0x1cd: {  	[sflag:s9] =	ssyncset.done $0x0  }
0x1ce: {  	[sflag:s9] =	ssyncadd.s32 $0xFFFFFF80  }
.LBB2_8:
0x1cf: {  	_ =	sfence.sel $0x180000  }
0x1d0: {  	[bflag:$0x0] =	sbarrier.arrive $0xFFFF  }
0x1d1: {  	_ =	strace $0x90000047  }
0x1d2: {  	s0 =	sadd.s32 @!p0 $0x100000, s0;
	[bflag:$0x2] =	sbarrier.arrive $0xFFFF  }
0x1d3: {  	[sflag:s0] =	ssyncadd.tile.s32 @!p0 $0x1;
	_ =	shalt  }
.Lfunc_end2:
_tile_overlayer_lowered:
.L_overlay_start_2:
0x1d4: {  	(tag) =	ssettag $0x2  }
0x1d5: {  	s0 =	rddreg [dreg:$0x0];
	s2 =	stileid.u32  }
0x1d6: {  	s1 =	rddreg [dreg:$0x1];
	p0 =	sne.s32 s2, $0x0  }
0x1d7: {  	s3 =	rddreg [dreg:$0x2];
	[bflag:$0x3] =	sbarrier.arrive $0xFFFF;
	s2 =	simm.s32 @!p0 $0x1C01  }
0x1d8: {  	[timem:s3], [sflag:s2] =	dma.local @!p0 [hbm:s0], s1  }
0x1d9: {  	s0 =	simm.s32 @!p0 $0x1  }
0x1da: {  	_ =	swait.ge @!p0 [sflag:s0], s1  }
0x1db: {  	s1 =	ssub.s32 @!p0 $0x0, s1;
	[sflag:s0] =	ssyncset.done @!p0 $0x0  }
0x1dc: {  	[sflag:s0] =	ssyncadd.s32 @!p0 s1  }
0x1dd: {  	[bflag:$0x3] =	sbarrier.arrive $0xFFFF  }
0x1de: {  	_ =	shalt  }

</sc_bundles>
